<compile_context>
chip_gen: v7x
topology: tpu7x:2x2x1
jax: 0.10.2.dev20260603
libtpu: 0.0.44.dev20260713+nightly
codegen_flags: <defaults>
</compile_context>

<pallas_src>
import functools

import jax
import jax.numpy as jnp
from jax import lax
from jax.experimental import pallas as pl
from jax.experimental.pallas import tpu as pltpu
from jax.experimental.pallas import tpu_sc as plsc

NC, NS, L = 2, 16, 16
D = 128
CHUNK = 128
N_NODES = 10000
N_ACC = 10240
ROWS_PER_TILE = N_ACC // NS
E_RAW = 320000
E_PAD = 32 * 80 * CHUNK
N_CROWS = E_PAD // CHUNK
TILE_CHUNKS = N_CROWS // NS
NBUF = 2
SBUF = 4

_MESH = plsc.VectorSubcoreMesh(core_axis_name="c", subcore_axis_name="s")
_SC_PARAMS = pltpu.CompilerParams(needs_layout_passes=False)


def _make_sc_layer(with_counts):
    if with_counts:
        out_type = [jax.ShapeDtypeStruct((NC, N_ACC, D), jnp.float32),
                    jax.ShapeDtypeStruct((NC, NS, N_ACC), jnp.float32)]
    else:
        out_type = jax.ShapeDtypeStruct((NC, N_ACC, D), jnp.float32)

    scratch = [
        pltpu.VMEM_SHARED((N_ACC, D), jnp.float32),
        pltpu.VMEM((SBUF, CHUNK), jnp.int32),
        pltpu.VMEM((NBUF, CHUNK), jnp.int32),
        [pltpu.VMEM((CHUNK, D), jnp.float32) for _ in range(NBUF)],
        [pltpu.SemaphoreType.DMA for _ in range(NBUF)],
        [pltpu.SemaphoreType.DMA for _ in range(NBUF)],
        [pltpu.SemaphoreType.DMA for _ in range(SBUF)],
    ]
    if with_counts:
        scratch.append(pltpu.VMEM((N_ACC,), jnp.float32))

    @functools.partial(
        pl.kernel, mesh=_MESH, out_type=out_type, scratch_types=scratch,
        compiler_params=_SC_PARAMS,
        name="sc_layer_cnt" if with_counts else "sc_layer",
    )
    def k(*args):
        if with_counts:
            (x_hbm, src_hbm, dst_hbm, zeros_hbm, acc_out, cnt_out,
             acc_sp, src_ring, dst_ring, rows, gsems, dsems, ssems,
             cnt_v) = args
        else:
            (x_hbm, src_hbm, dst_hbm, zeros_hbm, acc_out,
             acc_sp, src_ring, dst_ring, rows, gsems, dsems, ssems) = args
        cid = lax.axis_index("c")
        sid = lax.axis_index("s")
        row0 = sid * ROWS_PER_TILE
        crow0 = sid * TILE_CHUNKS

        pltpu.sync_copy(zeros_hbm.at[pl.ds(row0, ROWS_PER_TILE)],
                        acc_sp.at[pl.ds(row0, ROWS_PER_TILE)])
        if with_counts:
            def zbody(i, c):
                cnt_v[pl.ds(i * L, L)] = jnp.zeros((L,), jnp.float32)
                return c
            lax.fori_loop(0, N_ACC // L, zbody, 0)
        plsc.subcore_barrier()

        for s in range(NBUF):
            pltpu.sync_copy(src_hbm.at[cid, crow0 + s], src_ring.at[s])
        for s in range(NBUF, SBUF):
            pltpu.async_copy(src_hbm.at[cid, crow0 + s], src_ring.at[s],
                             ssems[s])
        for b in range(NBUF):
            pltpu.async_copy(dst_hbm.at[cid, crow0 + b], dst_ring.at[b],
                             dsems[b])
            pltpu.async_copy(x_hbm.at[src_ring.at[b]], rows[b], gsems[b])

        def outer(o, c):
            base = o * SBUF
            for s in range(SBUF):
                i = base + s
                b = s % NBUF
                pltpu.make_async_copy(dst_hbm.at[cid, crow0 + i],
                                      dst_ring.at[b], dsems[b]).wait()
                pltpu.make_async_copy(x_hbm.at[src_ring.at[s]], rows[b],
                                      gsems[b]).wait()
                pltpu.sync_copy(rows[b], acc_sp.at[dst_ring.at[b]], add=True)
                if with_counts:
                    def cbody(j, cc):
                        dv = dst_ring[b, pl.ds(j * L, L)]
                        plsc.addupdate_scatter(cnt_v, [dv],
                                               jnp.ones((L,), jnp.float32))
                        return cc
                    lax.fori_loop(0, CHUNK // L, cbody, 0)

                @pl.when(i + NBUF < TILE_CHUNKS)
                def _():
                    nxt = i + NBUF
                    sn = (s + NBUF) % SBUF
                    pltpu.make_async_copy(src_hbm.at[cid, crow0 + nxt],
                                          src_ring.at[sn], ssems[sn]).wait()
                    pltpu.async_copy(x_hbm.at[src_ring.at[sn]],
                                     rows[b], gsems[b])
                    pltpu.async_copy(dst_hbm.at[cid, crow0 + nxt],
                                     dst_ring.at[b], dsems[b])

                @pl.when(i + SBUF < TILE_CHUNKS)
                def _():
                    pltpu.async_copy(src_hbm.at[cid, crow0 + i + SBUF],
                                     src_ring.at[s], ssems[s])
            return c

        lax.fori_loop(0, TILE_CHUNKS // SBUF, outer, 0)
        plsc.subcore_barrier()

        pltpu.sync_copy(acc_sp.at[pl.ds(row0, ROWS_PER_TILE)],
                        acc_out.at[cid, pl.ds(row0, ROWS_PER_TILE)])
        if with_counts:
            pltpu.sync_copy(cnt_v, cnt_out.at[cid, sid])

    return k


_sc_layer_cnt = _make_sc_layer(True)
_sc_layer = _make_sc_layer(False)

RB = 1280


def _dense_body(acc_ref, cnt_ref, xd_ref, wn_ref, bn_ref, wr_ref,
                g_ref, b_ref, out_ref):
    i = pl.program_id(1)
    s = acc_ref[0]
    c = jnp.sum(cnt_ref[0, :, pl.ds(i * RB, RB)], axis=0)
    inv = (1.0 / jnp.maximum(c, 1.0)).reshape(RB, 1)
    mean = s * inv
    h = lax.dot_general(mean, wn_ref[0], (((1,), (1,)), ((), ())),
                        preferred_element_type=jnp.float32)
    h = h + bn_ref[0]
    h = h + lax.dot_general(xd_ref[0], wr_ref[0], (((1,), (1,)), ((), ())),
                            preferred_element_type=jnp.float32)
    m = jnp.mean(h, axis=-1, keepdims=True)
    ctr = h - m
    v = jnp.mean(ctr * ctr, axis=-1, keepdims=True)
    y = ctr * lax.rsqrt(v + 1e-5) * g_ref[0] + b_ref[0]
    out_ref[0] = jnp.maximum(y, 0.0)


def _tc_dense(acc, cnts, xs, wn, bn, wr, g, b, flip_xd):
    xd_map = (lambda t, i: (1 - t, i, 0)) if flip_xd else \
             (lambda t, i: (t, i, 0))
    return pl.pallas_call(
        _dense_body,
        grid=(2, N_ACC // RB),
        in_specs=[
            pl.BlockSpec((1, RB, D), lambda t, i: (t, i, 0)),
            pl.BlockSpec((1, NS, N_ACC), lambda t, i: (t, 0, 0)),
            pl.BlockSpec((1, RB, D), xd_map),
            pl.BlockSpec((1, D, D), lambda t, i: (t, 0, 0)),
            pl.BlockSpec((1, 1, D), lambda t, i: (t, 0, 0)),
            pl.BlockSpec((1, D, D), lambda t, i: (t, 0, 0)),
            pl.BlockSpec((1, 1, D), lambda t, i: (t, 0, 0)),
            pl.BlockSpec((1, 1, D), lambda t, i: (t, 0, 0)),
        ],
        out_specs=pl.BlockSpec((1, RB, D), lambda t, i: (t, i, 0)),
        out_shape=jax.ShapeDtypeStruct((2, N_ACC, D), jnp.float32),
    )(acc, cnts, xs, wn, bn, wr, g, b)


N_CROWS_RAW = E_RAW // CHUNK
_PAD_CROWS = N_CROWS - N_CROWS_RAW


def _prep_body(eiu_ref, eii_ref, s0_ref, s1_ref, d_ref):
    flat = (lax.broadcasted_iota(jnp.int32, (_PAD_CROWS, CHUNK), 0) * CHUNK
            + lax.broadcasted_iota(jnp.int32, (_PAD_CROWS, CHUNK), 1))
    spread = flat % 256
    izeros = spread
    iacc = spread + N_ACC
    ipadn = N_NODES + flat % (N_ACC - N_NODES)
    s0_ref[0] = jnp.concatenate([eiu_ref[0], izeros], axis=0)
    s0_ref[1] = jnp.concatenate([eii_ref[0] + N_ACC, iacc], axis=0)
    s1_ref[0] = jnp.concatenate([eiu_ref[0] + N_ACC, iacc], axis=0)
    s1_ref[1] = jnp.concatenate([eii_ref[0], izeros], axis=0)
    d_ref[0] = jnp.concatenate([eiu_ref[1], ipadn], axis=0)
    d_ref[1] = jnp.concatenate([eii_ref[1], ipadn], axis=0)


def _prep_edges(ei_u2i, ei_i2u):
    eshape = jax.ShapeDtypeStruct((2, N_CROWS, CHUNK), jnp.int32)
    full = pl.BlockSpec((2, N_CROWS_RAW, CHUNK), lambda: (0, 0, 0))
    return pl.pallas_call(
        _prep_body,
        grid=(),
        in_specs=[full, full],
        out_specs=[pl.BlockSpec((2, N_CROWS, CHUNK), lambda: (0, 0, 0))] * 3,
        out_shape=[eshape, eshape, eshape],
    )(ei_u2i.reshape(2, N_CROWS_RAW, CHUNK),
      ei_i2u.reshape(2, N_CROWS_RAW, CHUNK))


def kernel(x_user, x_item, edge_index_user_item, edge_index_item_user,
           Wn_0_u2i, bn_0_u2i, Wr_0_u2i, Wn_0_i2u, bn_0_i2u, Wr_0_i2u,
           g_0_user, b_0_user, g_0_item, b_0_item,
           Wn_1_u2i, bn_1_u2i, Wr_1_u2i, Wn_1_i2u, bn_1_i2u, Wr_1_i2u,
           g_1_user, b_1_user, g_1_item, b_1_item):
    src_l0, src_l1, dst2 = _prep_edges(edge_index_user_item,
                                       edge_index_item_user)
    zeros_acc = jnp.zeros((N_ACC, D), jnp.float32)
    pad_rows = jnp.zeros((N_ACC - N_NODES, D), jnp.float32)
    xs0 = jnp.stack([jnp.concatenate([x_user, pad_rows]),
                     jnp.concatenate([x_item, pad_rows])])

    def stk(a, b_):
        return jnp.stack([a, b_])

    wn0 = stk(Wn_0_u2i, Wn_0_i2u)
    bn0 = stk(bn_0_u2i, bn_0_i2u).reshape(2, 1, D)
    wr0 = stk(Wr_0_u2i, Wr_0_i2u)
    g0 = stk(g_0_item, g_0_user).reshape(2, 1, D)
    b0 = stk(b_0_item, b_0_user).reshape(2, 1, D)
    wn1 = stk(Wn_1_u2i, Wn_1_i2u)
    bn1 = stk(bn_1_u2i, bn_1_i2u).reshape(2, 1, D)
    wr1 = stk(Wr_1_u2i, Wr_1_i2u)
    g1 = stk(g_1_item, g_1_user).reshape(2, 1, D)
    b1 = stk(b_1_item, b_1_user).reshape(2, 1, D)

    xs0f = xs0.reshape(2 * N_ACC, D)
    acc0, cnts = _sc_layer_cnt(xs0f, src_l0, dst2, zeros_acc)
    o1 = _tc_dense(acc0, cnts, xs0, wn0, bn0, wr0, g0, b0, flip_xd=True)

    acc1 = _sc_layer(o1.reshape(2 * N_ACC, D), src_l1, dst2, zeros_acc)
    o2 = _tc_dense(acc1, cnts, o1, wn1, bn1, wr1, g1, b1, flip_xd=False)

    return o2[1, :N_NODES], o2[0, :N_NODES]

# --- scband reference (transcript-rebuilt; emitter-appended) ---
"""Pipeline reference for scband-hetero-gnn-58291296141322 (READ-ONLY COPY).

The authoritative reference and input builder live on the scoring server;
editing this copy changes nothing except your own understanding.
"""

import jax, jax.numpy as jnp
import numpy as np

N_USER = 10000
N_ITEM = 10000
D = 128
E = 320000


def _ln(x, g, b, eps=1e-5):
    m = jnp.mean(x, axis=-1, keepdims=True)
    v = jnp.var(x, axis=-1, keepdims=True)
    return (x - m) / jnp.sqrt(v + eps) * g + b


def _sage(x_src, x_dst, ei, Wn, bn, Wr, n_dst):
    # PyG SAGEConv with aggr='mean': lin_l(mean_j x_j) + lin_r(x_dst)
    src, dst = ei[0], ei[1]
    msg = jnp.take(x_src, src, axis=0)
    s = jax.ops.segment_sum(msg, dst, num_segments=n_dst)
    cnt = jax.ops.segment_sum(jnp.ones((src.shape[0],), msg.dtype), dst, num_segments=n_dst)
    mean = s / jnp.clip(cnt, 1.0)[:, None]
    return mean @ Wn.T + bn + x_dst @ Wr.T


def setup_inputs(seed: int = 0) -> dict:
    key = jax.random.key(seed)
    ks = jax.random.split(key, 64)
    inp = {}
    inp["x_user"] = jax.random.normal(ks[0], (N_USER, D), jnp.float32)
    inp["x_item"] = jax.random.normal(ks[1], (N_ITEM, D), jnp.float32)
    inp["edge_index_user_item"] = jax.random.randint(ks[2], (2, E), 0, N_USER, dtype=jnp.int32)
    inp["edge_index_item_user"] = jax.random.randint(ks[3], (2, E), 0, N_ITEM, dtype=jnp.int32)
    i = 4
    for l in range(2):
        for e in ("u2i", "i2u"):
            inp[f"Wn_{l}_{e}"] = jax.random.normal(ks[i], (D, D), jnp.float32) * 0.05; i += 1
            inp[f"bn_{l}_{e}"] = jnp.zeros((D,), jnp.float32)
            inp[f"Wr_{l}_{e}"] = jax.random.normal(ks[i], (D, D), jnp.float32) * 0.05; i += 1
        for nt in ("user", "item"):
            inp[f"g_{l}_{nt}"] = jnp.ones((D,), jnp.float32)
            inp[f"b_{l}_{nt}"] = jnp.zeros((D,), jnp.float32)
    return inp


def _forward(p, ei_u2i, ei_i2u):
    xu, xi = p["x_user"], p["x_item"]
    for l in range(2):
        # HeteroConv: each node type is the dst of exactly one edge type here,
        # so hetero_aggr='sum' reduces to the single per-edge-type output.
        hi = _sage(xu, xi, ei_u2i, p[f"Wn_{l}_u2i"], p[f"bn_{l}_u2i"], p[f"Wr_{l}_u2i"], N_ITEM)
        hu = _sage(xi, xu, ei_i2u, p[f"Wn_{l}_i2u"], p[f"bn_{l}_i2u"], p[f"Wr_{l}_i2u"], N_USER)
        xu = jax.nn.relu(_ln(hu, p[f"g_{l}_user"], p[f"b_{l}_user"]))
        xi = jax.nn.relu(_ln(hi, p[f"g_{l}_item"], p[f"b_{l}_item"]))
    return xu, xi


def reference(
    x_user,
    x_item,
    edge_index_user_item,
    edge_index_item_user,
    Wn_0_u2i,
    bn_0_u2i,
    Wr_0_u2i,
    Wn_0_i2u,
    bn_0_i2u,
    Wr_0_i2u,
    g_0_user,
    b_0_user,
    g_0_item,
    b_0_item,
    Wn_1_u2i,
    bn_1_u2i,
    Wr_1_u2i,
    Wn_1_i2u,
    bn_1_i2u,
    Wr_1_i2u,
    g_1_user,
    b_1_user,
    g_1_item,
    b_1_item,
):
    inp = {
        "x_user": x_user,
        "x_item": x_item,
        "Wn_0_u2i": Wn_0_u2i,
        "bn_0_u2i": bn_0_u2i,
        "Wr_0_u2i": Wr_0_u2i,
        "Wn_0_i2u": Wn_0_i2u,
        "bn_0_i2u": bn_0_i2u,
        "Wr_0_i2u": Wr_0_i2u,
        "g_0_user": g_0_user,
        "b_0_user": b_0_user,
        "g_0_item": g_0_item,
        "b_0_item": b_0_item,
        "Wn_1_u2i": Wn_1_u2i,
        "bn_1_u2i": bn_1_u2i,
        "Wr_1_u2i": Wr_1_u2i,
        "Wn_1_i2u": Wn_1_i2u,
        "bn_1_i2u": bn_1_i2u,
        "Wr_1_i2u": Wr_1_i2u,
        "g_1_user": g_1_user,
        "b_1_user": b_1_user,
        "g_1_item": g_1_item,
        "b_1_item": b_1_item,
    }
    ei_u2i = edge_index_user_item
    ei_i2u = edge_index_item_user
    return _forward(inp, ei_u2i, ei_i2u)

if __name__ == "__main__":
    import jax
    _d = setup_inputs()
    print(jax.jit(kernel)(*tuple(_d.values())))

</pallas_src>

<mosaic_0001>
#map = affine_map<(d0, d1) -> (0, 0)>
#map1 = affine_map<(d0, d1) -> (0, 0, 0)>
module attributes {stable_mosaic.version = 14 : i64} {
  func.func @sc_layer_cnt(%arg0: i32, %arg1: i32, %arg2: memref<20480x128xf32, #tpu.memory_space<hbm>>, %arg3: memref<2x2560x128xi32, #tpu.memory_space<hbm>>, %arg4: memref<2x2560x128xi32, #tpu.memory_space<hbm>>, %arg5: memref<10240x128xf32, #tpu.memory_space<hbm>>, %arg6: memref<2x10240x128xf32, #tpu.memory_space<hbm>>, %arg7: memref<2x16x10240xf32, #tpu.memory_space<hbm>>, %arg8: memref<10240x128xf32, #tpu.memory_space<vmem_shared>>, %arg9: memref<4x128xi32, #tpu.memory_space<vmem>>, %arg10: memref<2x128xi32, #tpu.memory_space<vmem>>, %arg11: memref<128x128xf32, #tpu.memory_space<vmem>>, %arg12: memref<128x128xf32, #tpu.memory_space<vmem>>, %arg13: memref<!tpu.dma_semaphore, #tpu.memory_space<semaphore_mem>>, %arg14: memref<!tpu.dma_semaphore, #tpu.memory_space<semaphore_mem>>, %arg15: memref<!tpu.dma_semaphore, #tpu.memory_space<semaphore_mem>>, %arg16: memref<!tpu.dma_semaphore, #tpu.memory_space<semaphore_mem>>, %arg17: memref<!tpu.dma_semaphore, #tpu.memory_space<semaphore_mem>>, %arg18: memref<!tpu.dma_semaphore, #tpu.memory_space<semaphore_mem>>, %arg19: memref<!tpu.dma_semaphore, #tpu.memory_space<semaphore_mem>>, %arg20: memref<!tpu.dma_semaphore, #tpu.memory_space<semaphore_mem>>, %arg21: memref<10240xf32, #tpu.memory_space<vmem>>) attributes {dimension_semantics = [#tpu.dimension_semantics<core_parallel>, #tpu.dimension_semantics<subcore_parallel>], iteration_bounds = array<i64: 2, 16>, scalar_prefetch = 0 : i64, scratch_operands = 14 : i64, tpu.core_type = #tpu.core_type<sc_vector_subcore>, window_params = [{transform_indices = #map}, {transform_indices = #map1}, {transform_indices = #map1}, {transform_indices = #map}, {transform_indices = #map1}, {transform_indices = #map1}]} {
    %mul3A = arith.constant 640 : i32
    %mul3A_0 = arith.muli %arg1, %mul3A : i32
    %mul3A_1 = arith.constant 160 : i32
    %mul3A_2 = arith.muli %arg1, %mul3A_1 : i32
    "tpu.region"() ({
      %run_scoped3A_92 = tpu.sem_alloc : memref<!tpu.dma_semaphore, #tpu.memory_space<semaphore_mem>>
      %dma_start3A_93 = arith.constant 0 : i32
      %dma_start3A_94 = tpu.memref_slice %arg8[%mul3A_0, %dma_start3A_93] : memref<10240x128xf32, #tpu.memory_space<vmem_shared>> -> memref<640x128xf32, #tpu.memory_space<vmem_shared>>
      %dma_start3A_95 = arith.constant 0 : i32
      %dma_start3A_96 = tpu.memref_slice %arg5[%mul3A_0, %dma_start3A_95] : memref<10240x128xf32, #tpu.memory_space<hbm>> -> memref<640x128xf32, #tpu.memory_space<hbm>>
      tpu.enqueue_dma source(%dma_start3A_96 : memref<640x128xf32, #tpu.memory_space<hbm>>) target(%dma_start3A_94 : memref<640x128xf32, #tpu.memory_space<vmem_shared>>) target_semaphore(%run_scoped3A_92 : memref<!tpu.dma_semaphore, #tpu.memory_space<semaphore_mem>>)
      %dma_wait3A = arith.constant 0 : i32
      %dma_wait3A_97 = tpu.memref_slice %arg8[%mul3A_0, %dma_wait3A] : memref<10240x128xf32, #tpu.memory_space<vmem_shared>> -> memref<640x128xf32, #tpu.memory_space<vmem_shared>>
      %dma_wait3A_98 = arith.constant 0 : i32
      %dma_wait3A_99 = tpu.memref_slice %arg5[%mul3A_0, %dma_wait3A_98] : memref<10240x128xf32, #tpu.memory_space<hbm>> -> memref<640x128xf32, #tpu.memory_space<hbm>>
      tpu.wait_dma2 semaphore(%run_scoped3A_92 : memref<!tpu.dma_semaphore, #tpu.memory_space<semaphore_mem>>) src(%dma_wait3A_99 : memref<640x128xf32, #tpu.memory_space<hbm>>) dst(%dma_wait3A_97 : memref<640x128xf32, #tpu.memory_space<vmem_shared>>)
      tpu.yield
    }) : () -> ()
    %scan3A = arith.constant 0 : i32
    %scan3A_3 = arith.constant 0 : i32
    %scan3A_4 = arith.constant 640 : i32
    %scan3A_5 = arith.addi %scan3A_3, %scan3A_4 : i32
    %scan3A_6 = arith.constant 1 : i32
    scf.for %scan3A_92 = %scan3A_3 to %scan3A_5 step %scan3A_6  : i32 {
      %broadcast_in_dim3A = arith.constant 0.000000e+00 : f32
      %broadcast_in_dim3A_93 = vector.broadcast %broadcast_in_dim3A : f32 to vector<16xf32>
      %mul3A_94 = arith.constant 16 : i32
      %mul3A_95 = arith.muli %scan3A_92, %mul3A_94 : i32
      %swap3A = arith.index_cast %mul3A_95 : i32 to index
      %swap3A_96 = tpu.vector_load %arg21[%swap3A] {strides = array<i32>} : memref<10240xf32, #tpu.memory_space<vmem>>, vector<16xf32>,
      tpu.vector_store %arg21[%swap3A], %broadcast_in_dim3A_93 {strides = array<i32>} : memref<10240xf32, #tpu.memory_space<vmem>>, vector<16xf32>,
    }
    %scan3A_7 = arith.constant 640 : i32
    %barrier3A = arith.constant 0 : index
    tpu.barrier barrier_id(%barrier3A)
    %add3A = arith.constant 0 : i32
    %add3A_8 = arith.addi %mul3A_2, %add3A : i32
    %run_scoped3A = arith.constant 0 : i32
    "tpu.region"() ({
      %run_scoped3A_92 = tpu.sem_alloc : memref<!tpu.dma_semaphore, #tpu.memory_space<semaphore_mem>>
      %dma_start3A_93 = arith.constant 0 : i32
      %dma_start3A_94 = tpu.memref_slice %arg9[%run_scoped3A, %dma_start3A_93] : memref<4x128xi32, #tpu.memory_space<vmem>> -> memref<1x128xi32, #tpu.memory_space<vmem>>
      %dma_start3A_95 = tpu.memref_squeeze %dma_start3A_94 : memref<1x128xi32, #tpu.memory_space<vmem>> -> memref<128xi32, #tpu.memory_space<vmem>>
      %dma_start3A_96 = arith.constant 0 : i32
      %dma_start3A_97 = tpu.memref_slice %arg3[%arg0, %add3A_8, %dma_start3A_96] : memref<2x2560x128xi32, #tpu.memory_space<hbm>> -> memref<1x1x128xi32, #tpu.memory_space<hbm>>
      %dma_start3A_98 = tpu.memref_squeeze %dma_start3A_97 : memref<1x1x128xi32, #tpu.memory_space<hbm>> -> memref<128xi32, #tpu.memory_space<hbm>>
      %dma_start3A_99 = arith.constant 0 : i32
      %dma_start3A_100 = tpu.memref_slice %arg9[%run_scoped3A, %dma_start3A_99] : memref<4x128xi32, #tpu.memory_space<vmem>> -> memref<1x128xi32, #tpu.memory_space<vmem>>
      %dma_start3A_101 = tpu.memref_squeeze %dma_start3A_100 : memref<1x128xi32, #tpu.memory_space<vmem>> -> memref<128xi32, #tpu.memory_space<vmem>>
      %dma_start3A_102 = arith.constant 0 : i32
      %dma_start3A_103 = tpu.memref_slice %arg3[%arg0, %add3A_8, %dma_start3A_102] : memref<2x2560x128xi32, #tpu.memory_space<hbm>> -> memref<1x1x128xi32, #tpu.memory_space<hbm>>
      %dma_start3A_104 = tpu.memref_squeeze %dma_start3A_103 : memref<1x1x128xi32, #tpu.memory_space<hbm>> -> memref<128xi32, #tpu.memory_space<hbm>>
      tpu.enqueue_dma source(%dma_start3A_104 : memref<128xi32, #tpu.memory_space<hbm>>) target(%dma_start3A_101 : memref<128xi32, #tpu.memory_space<vmem>>) target_semaphore(%run_scoped3A_92 : memref<!tpu.dma_semaphore, #tpu.memory_space<semaphore_mem>>)
      %dma_wait3A = arith.constant 0 : i32
      %dma_wait3A_105 = tpu.memref_slice %arg9[%run_scoped3A, %dma_wait3A] : memref<4x128xi32, #tpu.memory_space<vmem>> -> memref<1x128xi32, #tpu.memory_space<vmem>>
      %dma_wait3A_106 = tpu.memref_squeeze %dma_wait3A_105 : memref<1x128xi32, #tpu.memory_space<vmem>> -> memref<128xi32, #tpu.memory_space<vmem>>
      %dma_wait3A_107 = arith.constant 0 : i32
      %dma_wait3A_108 = tpu.memref_slice %arg3[%arg0, %add3A_8, %dma_wait3A_107] : memref<2x2560x128xi32, #tpu.memory_space<hbm>> -> memref<1x1x128xi32, #tpu.memory_space<hbm>>
      %dma_wait3A_109 = tpu.memref_squeeze %dma_wait3A_108 : memref<1x1x128xi32, #tpu.memory_space<hbm>> -> memref<128xi32, #tpu.memory_space<hbm>>
      %dma_wait3A_110 = arith.constant 0 : i32
      %dma_wait3A_111 = tpu.memref_slice %arg9[%run_scoped3A, %dma_wait3A_110] : memref<4x128xi32, #tpu.memory_space<vmem>> -> memref<1x128xi32, #tpu.memory_space<vmem>>
      %dma_wait3A_112 = tpu.memref_squeeze %dma_wait3A_111 : memref<1x128xi32, #tpu.memory_space<vmem>> -> memref<128xi32, #tpu.memory_space<vmem>>
      %dma_wait3A_113 = arith.constant 0 : i32
      %dma_wait3A_114 = tpu.memref_slice %arg3[%arg0, %add3A_8, %dma_wait3A_113] : memref<2x2560x128xi32, #tpu.memory_space<hbm>> -> memref<1x1x128xi32, #tpu.memory_space<hbm>>
      %dma_wait3A_115 = tpu.memref_squeeze %dma_wait3A_114 : memref<1x1x128xi32, #tpu.memory_space<hbm>> -> memref<128xi32, #tpu.memory_space<hbm>>
      tpu.wait_dma2 semaphore(%run_scoped3A_92 : memref<!tpu.dma_semaphore, #tpu.memory_space<semaphore_mem>>) src(%dma_wait3A_115 : memref<128xi32, #tpu.memory_space<hbm>>) dst(%dma_wait3A_112 : memref<128xi32, #tpu.memory_space<vmem>>)
      tpu.yield
    }) : () -> ()
    %add3A_9 = arith.constant 1 : i32
    %add3A_10 = arith.addi %mul3A_2, %add3A_9 : i32
    %run_scoped3A_11 = arith.constant 1 : i32
    "tpu.region"() ({
      %run_scoped3A_92 = tpu.sem_alloc : memref<!tpu.dma_semaphore, #tpu.memory_space<semaphore_mem>>
      %dma_start3A_93 = arith.constant 0 : i32
      %dma_start3A_94 = tpu.memref_slice %arg9[%run_scoped3A_11, %dma_start3A_93] : memref<4x128xi32, #tpu.memory_space<vmem>> -> memref<1x128xi32, #tpu.memory_space<vmem>>
      %dma_start3A_95 = tpu.memref_squeeze %dma_start3A_94 : memref<1x128xi32, #tpu.memory_space<vmem>> -> memref<128xi32, #tpu.memory_space<vmem>>
      %dma_start3A_96 = arith.constant 0 : i32
      %dma_start3A_97 = tpu.memref_slice %arg3[%arg0, %add3A_10, %dma_start3A_96] : memref<2x2560x128xi32, #tpu.memory_space<hbm>> -> memref<1x1x128xi32, #tpu.memory_space<hbm>>
      %dma_start3A_98 = tpu.memref_squeeze %dma_start3A_97 : memref<1x1x128xi32, #tpu.memory_space<hbm>> -> memref<128xi32, #tpu.memory_space<hbm>>
      %dma_start3A_99 = arith.constant 0 : i32
      %dma_start3A_100 = tpu.memref_slice %arg9[%run_scoped3A_11, %dma_start3A_99] : memref<4x128xi32, #tpu.memory_space<vmem>> -> memref<1x128xi32, #tpu.memory_space<vmem>>
      %dma_start3A_101 = tpu.memref_squeeze %dma_start3A_100 : memref<1x128xi32, #tpu.memory_space<vmem>> -> memref<128xi32, #tpu.memory_space<vmem>>
      %dma_start3A_102 = arith.constant 0 : i32
      %dma_start3A_103 = tpu.memref_slice %arg3[%arg0, %add3A_10, %dma_start3A_102] : memref<2x2560x128xi32, #tpu.memory_space<hbm>> -> memref<1x1x128xi32, #tpu.memory_space<hbm>>
      %dma_start3A_104 = tpu.memref_squeeze %dma_start3A_103 : memref<1x1x128xi32, #tpu.memory_space<hbm>> -> memref<128xi32, #tpu.memory_space<hbm>>
      tpu.enqueue_dma source(%dma_start3A_104 : memref<128xi32, #tpu.memory_space<hbm>>) target(%dma_start3A_101 : memref<128xi32, #tpu.memory_space<vmem>>) target_semaphore(%run_scoped3A_92 : memref<!tpu.dma_semaphore, #tpu.memory_space<semaphore_mem>>)
      %dma_wait3A = arith.constant 0 : i32
      %dma_wait3A_105 = tpu.memref_slice %arg9[%run_scoped3A_11, %dma_wait3A] : memref<4x128xi32, #tpu.memory_space<vmem>> -> memref<1x128xi32, #tpu.memory_space<vmem>>
      %dma_wait3A_106 = tpu.memref_squeeze %dma_wait3A_105 : memref<1x128xi32, #tpu.memory_space<vmem>> -> memref<128xi32, #tpu.memory_space<vmem>>
      %dma_wait3A_107 = arith.constant 0 : i32
      %dma_wait3A_108 = tpu.memref_slice %arg3[%arg0, %add3A_10, %dma_wait3A_107] : memref<2x2560x128xi32, #tpu.memory_space<hbm>> -> memref<1x1x128xi32, #tpu.memory_space<hbm>>
      %dma_wait3A_109 = tpu.memref_squeeze %dma_wait3A_108 : memref<1x1x128xi32, #tpu.memory_space<hbm>> -> memref<128xi32, #tpu.memory_space<hbm>>
      %dma_wait3A_110 = arith.constant 0 : i32
      %dma_wait3A_111 = tpu.memref_slice %arg9[%run_scoped3A_11, %dma_wait3A_110] : memref<4x128xi32, #tpu.memory_space<vmem>> -> memref<1x128xi32, #tpu.memory_space<vmem>>
      %dma_wait3A_112 = tpu.memref_squeeze %dma_wait3A_111 : memref<1x128xi32, #tpu.memory_space<vmem>> -> memref<128xi32, #tpu.memory_space<vmem>>
      %dma_wait3A_113 = arith.constant 0 : i32
      %dma_wait3A_114 = tpu.memref_slice %arg3[%arg0, %add3A_10, %dma_wait3A_113] : memref<2x2560x128xi32, #tpu.memory_space<hbm>> -> memref<1x1x128xi32, #tpu.memory_space<hbm>>
      %dma_wait3A_115 = tpu.memref_squeeze %dma_wait3A_114 : memref<1x1x128xi32, #tpu.memory_space<hbm>> -> memref<128xi32, #tpu.memory_space<hbm>>
      tpu.wait_dma2 semaphore(%run_scoped3A_92 : memref<!tpu.dma_semaphore, #tpu.memory_space<semaphore_mem>>) src(%dma_wait3A_115 : memref<128xi32, #tpu.memory_space<hbm>>) dst(%dma_wait3A_112 : memref<128xi32, #tpu.memory_space<vmem>>)
      tpu.yield
    }) : () -> ()
    %add3A_12 = arith.constant 2 : i32
    %add3A_13 = arith.addi %mul3A_2, %add3A_12 : i32
    %dma_start3A = arith.constant 2 : i32
    %dma_start3A_14 = arith.constant 0 : i32
    %dma_start3A_15 = tpu.memref_slice %arg9[%dma_start3A, %dma_start3A_14] : memref<4x128xi32, #tpu.memory_space<vmem>> -> memref<1x128xi32, #tpu.memory_space<vmem>>
    %dma_start3A_16 = tpu.memref_squeeze %dma_start3A_15 : memref<1x128xi32, #tpu.memory_space<vmem>> -> memref<128xi32, #tpu.memory_space<vmem>>
    %dma_start3A_17 = arith.constant 0 : i32
    %dma_start3A_18 = tpu.memref_slice %arg3[%arg0, %add3A_13, %dma_start3A_17] : memref<2x2560x128xi32, #tpu.memory_space<hbm>> -> memref<1x1x128xi32, #tpu.memory_space<hbm>>
    %dma_start3A_19 = tpu.memref_squeeze %dma_start3A_18 : memref<1x1x128xi32, #tpu.memory_space<hbm>> -> memref<128xi32, #tpu.memory_space<hbm>>
    %dma_start3A_20 = arith.constant 0 : i32
    %dma_start3A_21 = tpu.memref_slice %arg9[%dma_start3A, %dma_start3A_20] : memref<4x128xi32, #tpu.memory_space<vmem>> -> memref<1x128xi32, #tpu.memory_space<vmem>>
    %dma_start3A_22 = tpu.memref_squeeze %dma_start3A_21 : memref<1x128xi32, #tpu.memory_space<vmem>> -> memref<128xi32, #tpu.memory_space<vmem>>
    %dma_start3A_23 = arith.constant 0 : i32
    %dma_start3A_24 = tpu.memref_slice %arg3[%arg0, %add3A_13, %dma_start3A_23] : memref<2x2560x128xi32, #tpu.memory_space<hbm>> -> memref<1x1x128xi32, #tpu.memory_space<hbm>>
    %dma_start3A_25 = tpu.memref_squeeze %dma_start3A_24 : memref<1x1x128xi32, #tpu.memory_space<hbm>> -> memref<128xi32, #tpu.memory_space<hbm>>
    tpu.enqueue_dma source(%dma_start3A_25 : memref<128xi32, #tpu.memory_space<hbm>>) target(%dma_start3A_22 : memref<128xi32, #tpu.memory_space<vmem>>) target_semaphore(%arg19 : memref<!tpu.dma_semaphore, #tpu.memory_space<semaphore_mem>>)
    %add3A_26 = arith.constant 3 : i32
    %add3A_27 = arith.addi %mul3A_2, %add3A_26 : i32
    %dma_start3A_28 = arith.constant 3 : i32
    %dma_start3A_29 = arith.constant 0 : i32
    %dma_start3A_30 = tpu.memref_slice %arg9[%dma_start3A_28, %dma_start3A_29] : memref<4x128xi32, #tpu.memory_space<vmem>> -> memref<1x128xi32, #tpu.memory_space<vmem>>
    %dma_start3A_31 = tpu.memref_squeeze %dma_start3A_30 : memref<1x128xi32, #tpu.memory_space<vmem>> -> memref<128xi32, #tpu.memory_space<vmem>>
    %dma_start3A_32 = arith.constant 0 : i32
    %dma_start3A_33 = tpu.memref_slice %arg3[%arg0, %add3A_27, %dma_start3A_32] : memref<2x2560x128xi32, #tpu.memory_space<hbm>> -> memref<1x1x128xi32, #tpu.memory_space<hbm>>
    %dma_start3A_34 = tpu.memref_squeeze %dma_start3A_33 : memref<1x1x128xi32, #tpu.memory_space<hbm>> -> memref<128xi32, #tpu.memory_space<hbm>>
    %dma_start3A_35 = arith.constant 0 : i32
    %dma_start3A_36 = tpu.memref_slice %arg9[%dma_start3A_28, %dma_start3A_35] : memref<4x128xi32, #tpu.memory_space<vmem>> -> memref<1x128xi32, #tpu.memory_space<vmem>>
    %dma_start3A_37 = tpu.memref_squeeze %dma_start3A_36 : memref<1x128xi32, #tpu.memory_space<vmem>> -> memref<128xi32, #tpu.memory_space<vmem>>
    %dma_start3A_38 = arith.constant 0 : i32
    %dma_start3A_39 = tpu.memref_slice %arg3[%arg0, %add3A_27, %dma_start3A_38] : memref<2x2560x128xi32, #tpu.memory_space<hbm>> -> memref<1x1x128xi32, #tpu.memory_space<hbm>>
    %dma_start3A_40 = tpu.memref_squeeze %dma_start3A_39 : memref<1x1x128xi32, #tpu.memory_space<hbm>> -> memref<128xi32, #tpu.memory_space<hbm>>
    tpu.enqueue_dma source(%dma_start3A_40 : memref<128xi32, #tpu.memory_space<hbm>>) target(%dma_start3A_37 : memref<128xi32, #tpu.memory_space<vmem>>) target_semaphore(%arg20 : memref<!tpu.dma_semaphore, #tpu.memory_space<semaphore_mem>>)
    %add3A_41 = arith.constant 0 : i32
    %add3A_42 = arith.addi %mul3A_2, %add3A_41 : i32
    %dma_start3A_43 = arith.constant 0 : i32
    %dma_start3A_44 = arith.constant 0 : i32
    %dma_start3A_45 = tpu.memref_slice %arg10[%dma_start3A_43, %dma_start3A_44] : memref<2x128xi32, #tpu.memory_space<vmem>> -> memref<1x128xi32, #tpu.memory_space<vmem>>
    %dma_start3A_46 = tpu.memref_squeeze %dma_start3A_45 : memref<1x128xi32, #tpu.memory_space<vmem>> -> memref<128xi32, #tpu.memory_space<vmem>>
    %dma_start3A_47 = arith.constant 0 : i32
    %dma_start3A_48 = tpu.memref_slice %arg4[%arg0, %add3A_42, %dma_start3A_47] : memref<2x2560x128xi32, #tpu.memory_space<hbm>> -> memref<1x1x128xi32, #tpu.memory_space<hbm>>
    %dma_start3A_49 = tpu.memref_squeeze %dma_start3A_48 : memref<1x1x128xi32, #tpu.memory_space<hbm>> -> memref<128xi32, #tpu.memory_space<hbm>>
    %dma_start3A_50 = arith.constant 0 : i32
    %dma_start3A_51 = tpu.memref_slice %arg10[%dma_start3A_43, %dma_start3A_50] : memref<2x128xi32, #tpu.memory_space<vmem>> -> memref<1x128xi32, #tpu.memory_space<vmem>>
    %dma_start3A_52 = tpu.memref_squeeze %dma_start3A_51 : memref<1x128xi32, #tpu.memory_space<vmem>> -> memref<128xi32, #tpu.memory_space<vmem>>
    %dma_start3A_53 = arith.constant 0 : i32
    %dma_start3A_54 = tpu.memref_slice %arg4[%arg0, %add3A_42, %dma_start3A_53] : memref<2x2560x128xi32, #tpu.memory_space<hbm>> -> memref<1x1x128xi32, #tpu.memory_space<hbm>>
    %dma_start3A_55 = tpu.memref_squeeze %dma_start3A_54 : memref<1x1x128xi32, #tpu.memory_space<hbm>> -> memref<128xi32, #tpu.memory_space<hbm>>
    tpu.enqueue_dma source(%dma_start3A_55 : memref<128xi32, #tpu.memory_space<hbm>>) target(%dma_start3A_52 : memref<128xi32, #tpu.memory_space<vmem>>) target_semaphore(%arg15 : memref<!tpu.dma_semaphore, #tpu.memory_space<semaphore_mem>>)
    %dma_start3A_56 = arith.constant 0 : i32
    %dma_start3A_57 = arith.constant 0 : i32
    %dma_start3A_58 = tpu.memref_slice %arg9[%dma_start3A_56, %dma_start3A_57] : memref<4x128xi32, #tpu.memory_space<vmem>> -> memref<1x128xi32, #tpu.memory_space<vmem>>
    %dma_start3A_59 = tpu.memref_squeeze %dma_start3A_58 : memref<1x128xi32, #tpu.memory_space<vmem>> -> memref<128xi32, #tpu.memory_space<vmem>>
    %dma_start3A_60 = arith.constant 0 : i32
    %dma_start3A_61 = arith.constant 0 : i32
    %dma_start3A_62 = tpu.memref_slice %arg2[%dma_start3A_60, %dma_start3A_61] : memref<20480x128xf32, #tpu.memory_space<hbm>> -> memref<20480x128xf32, #tpu.memory_space<hbm>>
    tpu.enqueue_indirect_dma source(%dma_start3A_62 : memref<20480x128xf32, #tpu.memory_space<hbm>>) target(%arg11 : memref<128x128xf32, #tpu.memory_space<vmem>>) offsets(%dma_start3A_59 : memref<128xi32, #tpu.memory_space<vmem>>) semaphore(%arg13 : memref<!tpu.dma_semaphore, #tpu.memory_space<semaphore_mem>>)
    %add3A_63 = arith.constant 1 : i32
    %add3A_64 = arith.addi %mul3A_2, %add3A_63 : i32
    %dma_start3A_65 = arith.constant 1 : i32
    %dma_start3A_66 = arith.constant 0 : i32
    %dma_start3A_67 = tpu.memref_slice %arg10[%dma_start3A_65, %dma_start3A_66] : memref<2x128xi32, #tpu.memory_space<vmem>> -> memref<1x128xi32, #tpu.memory_space<vmem>>
    %dma_start3A_68 = tpu.memref_squeeze %dma_start3A_67 : memref<1x128xi32, #tpu.memory_space<vmem>> -> memref<128xi32, #tpu.memory_space<vmem>>
    %dma_start3A_69 = arith.constant 0 : i32
    %dma_start3A_70 = tpu.memref_slice %arg4[%arg0, %add3A_64, %dma_start3A_69] : memref<2x2560x128xi32, #tpu.memory_space<hbm>> -> memref<1x1x128xi32, #tpu.memory_space<hbm>>
    %dma_start3A_71 = tpu.memref_squeeze %dma_start3A_70 : memref<1x1x128xi32, #tpu.memory_space<hbm>> -> memref<128xi32, #tpu.memory_space<hbm>>
    %dma_start3A_72 = arith.constant 0 : i32
    %dma_start3A_73 = tpu.memref_slice %arg10[%dma_start3A_65, %dma_start3A_72] : memref<2x128xi32, #tpu.memory_space<vmem>> -> memref<1x128xi32, #tpu.memory_space<vmem>>
    %dma_start3A_74 = tpu.memref_squeeze %dma_start3A_73 : memref<1x128xi32, #tpu.memory_space<vmem>> -> memref<128xi32, #tpu.memory_space<vmem>>
    %dma_start3A_75 = arith.constant 0 : i32
    %dma_start3A_76 = tpu.memref_slice %arg4[%arg0, %add3A_64, %dma_start3A_75] : memref<2x2560x128xi32, #tpu.memory_space<hbm>> -> memref<1x1x128xi32, #tpu.memory_space<hbm>>
    %dma_start3A_77 = tpu.memref_squeeze %dma_start3A_76 : memref<1x1x128xi32, #tpu.memory_space<hbm>> -> memref<128xi32, #tpu.memory_space<hbm>>
    tpu.enqueue_dma source(%dma_start3A_77 : memref<128xi32, #tpu.memory_space<hbm>>) target(%dma_start3A_74 : memref<128xi32, #tpu.memory_space<vmem>>) target_semaphore(%arg16 : memref<!tpu.dma_semaphore, #tpu.memory_space<semaphore_mem>>)
    %dma_start3A_78 = arith.constant 1 : i32
    %dma_start3A_79 = arith.constant 0 : i32
    %dma_start3A_80 = tpu.memref_slice %arg9[%dma_start3A_78, %dma_start3A_79] : memref<4x128xi32, #tpu.memory_space<vmem>> -> memref<1x128xi32, #tpu.memory_space<vmem>>
    %dma_start3A_81 = tpu.memref_squeeze %dma_start3A_80 : memref<1x128xi32, #tpu.memory_space<vmem>> -> memref<128xi32, #tpu.memory_space<vmem>>
    %dma_start3A_82 = arith.constant 0 : i32
    %dma_start3A_83 = arith.constant 0 : i32
    %dma_start3A_84 = tpu.memref_slice %arg2[%dma_start3A_82, %dma_start3A_83] : memref<20480x128xf32, #tpu.memory_space<hbm>> -> memref<20480x128xf32, #tpu.memory_space<hbm>>
    tpu.enqueue_indirect_dma source(%dma_start3A_84 : memref<20480x128xf32, #tpu.memory_space<hbm>>) target(%arg12 : memref<128x128xf32, #tpu.memory_space<vmem>>) offsets(%dma_start3A_81 : memref<128xi32, #tpu.memory_space<vmem>>) semaphore(%arg14 : memref<!tpu.dma_semaphore, #tpu.memory_space<semaphore_mem>>)
    %scan3A_85 = arith.constant 0 : i32
    %scan3A_86 = arith.constant 0 : i32
    %scan3A_87 = arith.constant 40 : i32
    %scan3A_88 = arith.addi %scan3A_86, %scan3A_87 : i32
    %scan3A_89 = arith.constant 1 : i32
    scf.for %scan3A_92 = %scan3A_86 to %scan3A_88 step %scan3A_89  : i32 {
      %mul3A_93 = arith.constant 4 : i32
      %mul3A_94 = arith.muli %scan3A_92, %mul3A_93 : i32
      %add3A_95 = arith.constant 0 : i32
      %add3A_96 = arith.addi %mul3A_94, %add3A_95 : i32
      %add3A_97 = arith.addi %mul3A_2, %add3A_96 : i32
      %dma_wait3A = arith.constant 0 : i32
      %dma_wait3A_98 = arith.constant 0 : i32
      %dma_wait3A_99 = tpu.memref_slice %arg10[%dma_wait3A, %dma_wait3A_98] : memref<2x128xi32, #tpu.memory_space<vmem>> -> memref<1x128xi32, #tpu.memory_space<vmem>>
      %dma_wait3A_100 = tpu.memref_squeeze %dma_wait3A_99 : memref<1x128xi32, #tpu.memory_space<vmem>> -> memref<128xi32, #tpu.memory_space<vmem>>
      %dma_wait3A_101 = arith.constant 0 : i32
      %dma_wait3A_102 = tpu.memref_slice %arg4[%arg0, %add3A_97, %dma_wait3A_101] : memref<2x2560x128xi32, #tpu.memory_space<hbm>> -> memref<1x1x128xi32, #tpu.memory_space<hbm>>
      %dma_wait3A_103 = tpu.memref_squeeze %dma_wait3A_102 : memref<1x1x128xi32, #tpu.memory_space<hbm>> -> memref<128xi32, #tpu.memory_space<hbm>>
      %dma_wait3A_104 = arith.constant 0 : i32
      %dma_wait3A_105 = tpu.memref_slice %arg10[%dma_wait3A, %dma_wait3A_104] : memref<2x128xi32, #tpu.memory_space<vmem>> -> memref<1x128xi32, #tpu.memory_space<vmem>>
      %dma_wait3A_106 = tpu.memref_squeeze %dma_wait3A_105 : memref<1x128xi32, #tpu.memory_space<vmem>> -> memref<128xi32, #tpu.memory_space<vmem>>
      %dma_wait3A_107 = arith.constant 0 : i32
      %dma_wait3A_108 = tpu.memref_slice %arg4[%arg0, %add3A_97, %dma_wait3A_107] : memref<2x2560x128xi32, #tpu.memory_space<hbm>> -> memref<1x1x128xi32, #tpu.memory_space<hbm>>
      %dma_wait3A_109 = tpu.memref_squeeze %dma_wait3A_108 : memref<1x1x128xi32, #tpu.memory_space<hbm>> -> memref<128xi32, #tpu.memory_space<hbm>>
      tpu.wait_dma2 semaphore(%arg15 : memref<!tpu.dma_semaphore, #tpu.memory_space<semaphore_mem>>) src(%dma_wait3A_109 : memref<128xi32, #tpu.memory_space<hbm>>) dst(%dma_wait3A_106 : memref<128xi32, #tpu.memory_space<vmem>>)
      %dma_wait3A_110 = arith.constant 0 : i32
      %dma_wait3A_111 = arith.constant 0 : i32
      %dma_wait3A_112 = tpu.memref_slice %arg9[%dma_wait3A_110, %dma_wait3A_111] : memref<4x128xi32, #tpu.memory_space<vmem>> -> memref<1x128xi32, #tpu.memory_space<vmem>>
      %dma_wait3A_113 = tpu.memref_squeeze %dma_wait3A_112 : memref<1x128xi32, #tpu.memory_space<vmem>> -> memref<128xi32, #tpu.memory_space<vmem>>
      %dma_wait3A_114 = arith.constant 0 : i32
      %dma_wait3A_115 = arith.constant 0 : i32
      %dma_wait3A_116 = tpu.memref_slice %arg2[%dma_wait3A_114, %dma_wait3A_115] : memref<20480x128xf32, #tpu.memory_space<hbm>> -> memref<20480x128xf32, #tpu.memory_space<hbm>>
      tpu.wait_indirect_dma semaphore(%arg13 : memref<!tpu.dma_semaphore, #tpu.memory_space<semaphore_mem>>) src(%dma_wait3A_116 : memref<20480x128xf32, #tpu.memory_space<hbm>>) dst(%arg11 : memref<128x128xf32, #tpu.memory_space<vmem>>)
      %run_scoped3A_117 = arith.constant 0 : i32
      "tpu.region"() ({
        %run_scoped3A_267 = tpu.sem_alloc : memref<!tpu.dma_semaphore, #tpu.memory_space<semaphore_mem>>
        %dma_start3A_268 = arith.constant 0 : i32
        %dma_start3A_269 = tpu.memref_slice %arg10[%run_scoped3A_117, %dma_start3A_268] : memref<2x128xi32, #tpu.memory_space<vmem>> -> memref<1x128xi32, #tpu.memory_space<vmem>>
        %dma_start3A_270 = tpu.memref_squeeze %dma_start3A_269 : memref<1x128xi32, #tpu.memory_space<vmem>> -> memref<128xi32, #tpu.memory_space<vmem>>
        %dma_start3A_271 = arith.constant 0 : i32
        %dma_start3A_272 = arith.constant 0 : i32
        %dma_start3A_273 = tpu.memref_slice %arg8[%dma_start3A_271, %dma_start3A_272] : memref<10240x128xf32, #tpu.memory_space<vmem_shared>> -> memref<10240x128xf32, #tpu.memory_space<vmem_shared>>
        tpu.enqueue_indirect_dma source(%arg11 : memref<128x128xf32, #tpu.memory_space<vmem>>) target(%dma_start3A_273 : memref<10240x128xf32, #tpu.memory_space<vmem_shared>>) offsets(%dma_start3A_270 : memref<128xi32, #tpu.memory_space<vmem>>) semaphore(%run_scoped3A_267 : memref<!tpu.dma_semaphore, #tpu.memory_space<semaphore_mem>>) {add = true}
        %dma_wait3A_274 = arith.constant 0 : i32
        %dma_wait3A_275 = tpu.memref_slice %arg10[%run_scoped3A_117, %dma_wait3A_274] : memref<2x128xi32, #tpu.memory_space<vmem>> -> memref<1x128xi32, #tpu.memory_space<vmem>>
        %dma_wait3A_276 = tpu.memref_squeeze %dma_wait3A_275 : memref<1x128xi32, #tpu.memory_space<vmem>> -> memref<128xi32, #tpu.memory_space<vmem>>
        %dma_wait3A_277 = arith.constant 0 : i32
        %dma_wait3A_278 = arith.constant 0 : i32
        %dma_wait3A_279 = tpu.memref_slice %arg8[%dma_wait3A_277, %dma_wait3A_278] : memref<10240x128xf32, #tpu.memory_space<vmem_shared>> -> memref<10240x128xf32, #tpu.memory_space<vmem_shared>>
        tpu.wait_indirect_dma semaphore(%run_scoped3A_267 : memref<!tpu.dma_semaphore, #tpu.memory_space<semaphore_mem>>) src(%arg11 : memref<128x128xf32, #tpu.memory_space<vmem>>) dst(%dma_wait3A_279 : memref<10240x128xf32, #tpu.memory_space<vmem_shared>>)
        tpu.yield
      }) : () -> ()
      %scan3A_118 = arith.constant 0 : i32
      %scan3A_119 = arith.constant 0 : i32
      %scan3A_120 = arith.constant 8 : i32
      %scan3A_121 = arith.addi %scan3A_119, %scan3A_120 : i32
      %scan3A_122 = arith.constant 1 : i32
      scf.for %scan3A_267 = %scan3A_119 to %scan3A_121 step %scan3A_122  : i32 {
        %mul3A_268 = arith.constant 16 : i32
        %mul3A_269 = arith.muli %scan3A_267, %mul3A_268 : i32
        %get3A = arith.constant 0 : i32
        %get3A_270 = arith.index_cast %get3A : i32 to index
        %get3A_271 = arith.index_cast %mul3A_269 : i32 to index
        %get3A_272 = tpu.vector_load %arg10[%get3A_270, %get3A_271] {strides = array<i32>} : memref<2x128xi32, #tpu.memory_space<vmem>>, vector<16xi32>,
        %broadcast_in_dim3A = arith.constant 1.000000e+00 : f32
        %broadcast_in_dim3A_273 = vector.broadcast %broadcast_in_dim3A : f32 to vector<16xf32>
        tpu.vector_store_idx %arg21[%get3A_272], %broadcast_in_dim3A_273 {add = true} : memref<10240xf32, #tpu.memory_space<vmem>>[vector<16xi32>], vector<16xf32>,
      }
      %scan3A_123 = arith.constant 8 : i32
      %add3A_124 = arith.constant 2 : i32
      %add3A_125 = arith.addi %add3A_96, %add3A_124 : i32
      %lt3A = arith.constant 160 : i32
      %lt3A_126 = arith.cmpi slt, %add3A_125, %lt3A : i32
      %convert_element_type3A = arith.extui %lt3A_126 : i1 to i32
      %cond3A = arith.constant 0 : i32
      %cond3A_127 = arith.cmpi ne, %convert_element_type3A, %cond3A : i32
      scf.if %cond3A_127 {
        %add3A_267 = arith.constant 2 : i32
        %add3A_268 = arith.addi %add3A_96, %add3A_267 : i32
        %add3A_269 = arith.addi %mul3A_2, %add3A_268 : i32
        %dma_wait3A_270 = arith.constant 2 : i32
        %dma_wait3A_271 = arith.constant 0 : i32
        %dma_wait3A_272 = tpu.memref_slice %arg9[%dma_wait3A_270, %dma_wait3A_271] : memref<4x128xi32, #tpu.memory_space<vmem>> -> memref<1x128xi32, #tpu.memory_space<vmem>>
        %dma_wait3A_273 = tpu.memref_squeeze %dma_wait3A_272 : memref<1x128xi32, #tpu.memory_space<vmem>> -> memref<128xi32, #tpu.memory_space<vmem>>
        %dma_wait3A_274 = arith.constant 0 : i32
        %dma_wait3A_275 = tpu.memref_slice %arg3[%arg0, %add3A_269, %dma_wait3A_274] : memref<2x2560x128xi32, #tpu.memory_space<hbm>> -> memref<1x1x128xi32, #tpu.memory_space<hbm>>
        %dma_wait3A_276 = tpu.memref_squeeze %dma_wait3A_275 : memref<1x1x128xi32, #tpu.memory_space<hbm>> -> memref<128xi32, #tpu.memory_space<hbm>>
        %dma_wait3A_277 = arith.constant 0 : i32
        %dma_wait3A_278 = tpu.memref_slice %arg9[%dma_wait3A_270, %dma_wait3A_277] : memref<4x128xi32, #tpu.memory_space<vmem>> -> memref<1x128xi32, #tpu.memory_space<vmem>>
        %dma_wait3A_279 = tpu.memref_squeeze %dma_wait3A_278 : memref<1x128xi32, #tpu.memory_space<vmem>> -> memref<128xi32, #tpu.memory_space<vmem>>
        %dma_wait3A_280 = arith.constant 0 : i32
        %dma_wait3A_281 = tpu.memref_slice %arg3[%arg0, %add3A_269, %dma_wait3A_280] : memref<2x2560x128xi32, #tpu.memory_space<hbm>> -> memref<1x1x128xi32, #tpu.memory_space<hbm>>
        %dma_wait3A_282 = tpu.memref_squeeze %dma_wait3A_281 : memref<1x1x128xi32, #tpu.memory_space<hbm>> -> memref<128xi32, #tpu.memory_space<hbm>>
        tpu.wait_dma2 semaphore(%arg19 : memref<!tpu.dma_semaphore, #tpu.memory_space<semaphore_mem>>) src(%dma_wait3A_282 : memref<128xi32, #tpu.memory_space<hbm>>) dst(%dma_wait3A_279 : memref<128xi32, #tpu.memory_space<vmem>>)
        %dma_start3A_283 = arith.constant 2 : i32
        %dma_start3A_284 = arith.constant 0 : i32
        %dma_start3A_285 = tpu.memref_slice %arg9[%dma_start3A_283, %dma_start3A_284] : memref<4x128xi32, #tpu.memory_space<vmem>> -> memref<1x128xi32, #tpu.memory_space<vmem>>
        %dma_start3A_286 = tpu.memref_squeeze %dma_start3A_285 : memref<1x128xi32, #tpu.memory_space<vmem>> -> memref<128xi32, #tpu.memory_space<vmem>>
        %dma_start3A_287 = arith.constant 0 : i32
        %dma_start3A_288 = arith.constant 0 : i32
        %dma_start3A_289 = tpu.memref_slice %arg2[%dma_start3A_287, %dma_start3A_288] : memref<20480x128xf32, #tpu.memory_space<hbm>> -> memref<20480x128xf32, #tpu.memory_space<hbm>>
        tpu.enqueue_indirect_dma source(%dma_start3A_289 : memref<20480x128xf32, #tpu.memory_space<hbm>>) target(%arg11 : memref<128x128xf32, #tpu.memory_space<vmem>>) offsets(%dma_start3A_286 : memref<128xi32, #tpu.memory_space<vmem>>) semaphore(%arg13 : memref<!tpu.dma_semaphore, #tpu.memory_space<semaphore_mem>>)
        %add3A_290 = arith.addi %mul3A_2, %add3A_268 : i32
        %dma_start3A_291 = arith.constant 0 : i32
        %dma_start3A_292 = arith.constant 0 : i32
        %dma_start3A_293 = tpu.memref_slice %arg10[%dma_start3A_291, %dma_start3A_292] : memref<2x128xi32, #tpu.memory_space<vmem>> -> memref<1x128xi32, #tpu.memory_space<vmem>>
        %dma_start3A_294 = tpu.memref_squeeze %dma_start3A_293 : memref<1x128xi32, #tpu.memory_space<vmem>> -> memref<128xi32, #tpu.memory_space<vmem>>
        %dma_start3A_295 = arith.constant 0 : i32
        %dma_start3A_296 = tpu.memref_slice %arg4[%arg0, %add3A_290, %dma_start3A_295] : memref<2x2560x128xi32, #tpu.memory_space<hbm>> -> memref<1x1x128xi32, #tpu.memory_space<hbm>>
        %dma_start3A_297 = tpu.memref_squeeze %dma_start3A_296 : memref<1x1x128xi32, #tpu.memory_space<hbm>> -> memref<128xi32, #tpu.memory_space<hbm>>
        %dma_start3A_298 = arith.constant 0 : i32
        %dma_start3A_299 = tpu.memref_slice %arg10[%dma_start3A_291, %dma_start3A_298] : memref<2x128xi32, #tpu.memory_space<vmem>> -> memref<1x128xi32, #tpu.memory_space<vmem>>
        %dma_start3A_300 = tpu.memref_squeeze %dma_start3A_299 : memref<1x128xi32, #tpu.memory_space<vmem>> -> memref<128xi32, #tpu.memory_space<vmem>>
        %dma_start3A_301 = arith.constant 0 : i32
        %dma_start3A_302 = tpu.memref_slice %arg4[%arg0, %add3A_290, %dma_start3A_301] : memref<2x2560x128xi32, #tpu.memory_space<hbm>> -> memref<1x1x128xi32, #tpu.memory_space<hbm>>
        %dma_start3A_303 = tpu.memref_squeeze %dma_start3A_302 : memref<1x1x128xi32, #tpu.memory_space<hbm>> -> memref<128xi32, #tpu.memory_space<hbm>>
        tpu.enqueue_dma source(%dma_start3A_303 : memref<128xi32, #tpu.memory_space<hbm>>) target(%dma_start3A_300 : memref<128xi32, #tpu.memory_space<vmem>>) target_semaphore(%arg15 : memref<!tpu.dma_semaphore, #tpu.memory_space<semaphore_mem>>)
      } else {
      }
      %add3A_128 = arith.constant 4 : i32
      %add3A_129 = arith.addi %add3A_96, %add3A_128 : i32
      %lt3A_130 = arith.constant 160 : i32
      %lt3A_131 = arith.cmpi slt, %add3A_129, %lt3A_130 : i32
      %convert_element_type3A_132 = arith.extui %lt3A_131 : i1 to i32
      %cond3A_133 = arith.constant 0 : i32
      %cond3A_134 = arith.cmpi ne, %convert_element_type3A_132, %cond3A_133 : i32
      scf.if %cond3A_134 {
        %add3A_267 = arith.addi %mul3A_2, %add3A_96 : i32
        %add3A_268 = arith.constant 4 : i32
        %add3A_269 = arith.addi %add3A_267, %add3A_268 : i32
        %dma_start3A_270 = arith.constant 0 : i32
        %dma_start3A_271 = arith.constant 0 : i32
        %dma_start3A_272 = tpu.memref_slice %arg9[%dma_start3A_270, %dma_start3A_271] : memref<4x128xi32, #tpu.memory_space<vmem>> -> memref<1x128xi32, #tpu.memory_space<vmem>>
        %dma_start3A_273 = tpu.memref_squeeze %dma_start3A_272 : memref<1x128xi32, #tpu.memory_space<vmem>> -> memref<128xi32, #tpu.memory_space<vmem>>
        %dma_start3A_274 = arith.constant 0 : i32
        %dma_start3A_275 = tpu.memref_slice %arg3[%arg0, %add3A_269, %dma_start3A_274] : memref<2x2560x128xi32, #tpu.memory_space<hbm>> -> memref<1x1x128xi32, #tpu.memory_space<hbm>>
        %dma_start3A_276 = tpu.memref_squeeze %dma_start3A_275 : memref<1x1x128xi32, #tpu.memory_space<hbm>> -> memref<128xi32, #tpu.memory_space<hbm>>
        %dma_start3A_277 = arith.constant 0 : i32
        %dma_start3A_278 = tpu.memref_slice %arg9[%dma_start3A_270, %dma_start3A_277] : memref<4x128xi32, #tpu.memory_space<vmem>> -> memref<1x128xi32, #tpu.memory_space<vmem>>
        %dma_start3A_279 = tpu.memref_squeeze %dma_start3A_278 : memref<1x128xi32, #tpu.memory_space<vmem>> -> memref<128xi32, #tpu.memory_space<vmem>>
        %dma_start3A_280 = arith.constant 0 : i32
        %dma_start3A_281 = tpu.memref_slice %arg3[%arg0, %add3A_269, %dma_start3A_280] : memref<2x2560x128xi32, #tpu.memory_space<hbm>> -> memref<1x1x128xi32, #tpu.memory_space<hbm>>
        %dma_start3A_282 = tpu.memref_squeeze %dma_start3A_281 : memref<1x1x128xi32, #tpu.memory_space<hbm>> -> memref<128xi32, #tpu.memory_space<hbm>>
        tpu.enqueue_dma source(%dma_start3A_282 : memref<128xi32, #tpu.memory_space<hbm>>) target(%dma_start3A_279 : memref<128xi32, #tpu.memory_space<vmem>>) target_semaphore(%arg17 : memref<!tpu.dma_semaphore, #tpu.memory_space<semaphore_mem>>)
      } else {
      }
      %add3A_135 = arith.constant 1 : i32
      %add3A_136 = arith.addi %mul3A_94, %add3A_135 : i32
      %add3A_137 = arith.addi %mul3A_2, %add3A_136 : i32
      %dma_wait3A_138 = arith.constant 1 : i32
      %dma_wait3A_139 = arith.constant 0 : i32
      %dma_wait3A_140 = tpu.memref_slice %arg10[%dma_wait3A_138, %dma_wait3A_139] : memref<2x128xi32, #tpu.memory_space<vmem>> -> memref<1x128xi32, #tpu.memory_space<vmem>>
      %dma_wait3A_141 = tpu.memref_squeeze %dma_wait3A_140 : memref<1x128xi32, #tpu.memory_space<vmem>> -> memref<128xi32, #tpu.memory_space<vmem>>
      %dma_wait3A_142 = arith.constant 0 : i32
      %dma_wait3A_143 = tpu.memref_slice %arg4[%arg0, %add3A_137, %dma_wait3A_142] : memref<2x2560x128xi32, #tpu.memory_space<hbm>> -> memref<1x1x128xi32, #tpu.memory_space<hbm>>
      %dma_wait3A_144 = tpu.memref_squeeze %dma_wait3A_143 : memref<1x1x128xi32, #tpu.memory_space<hbm>> -> memref<128xi32, #tpu.memory_space<hbm>>
      %dma_wait3A_145 = arith.constant 0 : i32
      %dma_wait3A_146 = tpu.memref_slice %arg10[%dma_wait3A_138, %dma_wait3A_145] : memref<2x128xi32, #tpu.memory_space<vmem>> -> memref<1x128xi32, #tpu.memory_space<vmem>>
      %dma_wait3A_147 = tpu.memref_squeeze %dma_wait3A_146 : memref<1x128xi32, #tpu.memory_space<vmem>> -> memref<128xi32, #tpu.memory_space<vmem>>
      %dma_wait3A_148 = arith.constant 0 : i32
      %dma_wait3A_149 = tpu.memref_slice %arg4[%arg0, %add3A_137, %dma_wait3A_148] : memref<2x2560x128xi32, #tpu.memory_space<hbm>> -> memref<1x1x128xi32, #tpu.memory_space<hbm>>
      %dma_wait3A_150 = tpu.memref_squeeze %dma_wait3A_149 : memref<1x1x128xi32, #tpu.memory_space<hbm>> -> memref<128xi32, #tpu.memory_space<hbm>>
      tpu.wait_dma2 semaphore(%arg16 : memref<!tpu.dma_semaphore, #tpu.memory_space<semaphore_mem>>) src(%dma_wait3A_150 : memref<128xi32, #tpu.memory_space<hbm>>) dst(%dma_wait3A_147 : memref<128xi32, #tpu.memory_space<vmem>>)
      %dma_wait3A_151 = arith.constant 1 : i32
      %dma_wait3A_152 = arith.constant 0 : i32
      %dma_wait3A_153 = tpu.memref_slice %arg9[%dma_wait3A_151, %dma_wait3A_152] : memref<4x128xi32, #tpu.memory_space<vmem>> -> memref<1x128xi32, #tpu.memory_space<vmem>>
      %dma_wait3A_154 = tpu.memref_squeeze %dma_wait3A_153 : memref<1x128xi32, #tpu.memory_space<vmem>> -> memref<128xi32, #tpu.memory_space<vmem>>
      %dma_wait3A_155 = arith.constant 0 : i32
      %dma_wait3A_156 = arith.constant 0 : i32
      %dma_wait3A_157 = tpu.memref_slice %arg2[%dma_wait3A_155, %dma_wait3A_156] : memref<20480x128xf32, #tpu.memory_space<hbm>> -> memref<20480x128xf32, #tpu.memory_space<hbm>>
      tpu.wait_indirect_dma semaphore(%arg14 : memref<!tpu.dma_semaphore, #tpu.memory_space<semaphore_mem>>) src(%dma_wait3A_157 : memref<20480x128xf32, #tpu.memory_space<hbm>>) dst(%arg12 : memref<128x128xf32, #tpu.memory_space<vmem>>)
      %run_scoped3A_158 = arith.constant 1 : i32
      "tpu.region"() ({
        %run_scoped3A_267 = tpu.sem_alloc : memref<!tpu.dma_semaphore, #tpu.memory_space<semaphore_mem>>
        %dma_start3A_268 = arith.constant 0 : i32
        %dma_start3A_269 = tpu.memref_slice %arg10[%run_scoped3A_158, %dma_start3A_268] : memref<2x128xi32, #tpu.memory_space<vmem>> -> memref<1x128xi32, #tpu.memory_space<vmem>>
        %dma_start3A_270 = tpu.memref_squeeze %dma_start3A_269 : memref<1x128xi32, #tpu.memory_space<vmem>> -> memref<128xi32, #tpu.memory_space<vmem>>
        %dma_start3A_271 = arith.constant 0 : i32
        %dma_start3A_272 = arith.constant 0 : i32
        %dma_start3A_273 = tpu.memref_slice %arg8[%dma_start3A_271, %dma_start3A_272] : memref<10240x128xf32, #tpu.memory_space<vmem_shared>> -> memref<10240x128xf32, #tpu.memory_space<vmem_shared>>
        tpu.enqueue_indirect_dma source(%arg12 : memref<128x128xf32, #tpu.memory_space<vmem>>) target(%dma_start3A_273 : memref<10240x128xf32, #tpu.memory_space<vmem_shared>>) offsets(%dma_start3A_270 : memref<128xi32, #tpu.memory_space<vmem>>) semaphore(%run_scoped3A_267 : memref<!tpu.dma_semaphore, #tpu.memory_space<semaphore_mem>>) {add = true}
        %dma_wait3A_274 = arith.constant 0 : i32
        %dma_wait3A_275 = tpu.memref_slice %arg10[%run_scoped3A_158, %dma_wait3A_274] : memref<2x128xi32, #tpu.memory_space<vmem>> -> memref<1x128xi32, #tpu.memory_space<vmem>>
        %dma_wait3A_276 = tpu.memref_squeeze %dma_wait3A_275 : memref<1x128xi32, #tpu.memory_space<vmem>> -> memref<128xi32, #tpu.memory_space<vmem>>
        %dma_wait3A_277 = arith.constant 0 : i32
        %dma_wait3A_278 = arith.constant 0 : i32
        %dma_wait3A_279 = tpu.memref_slice %arg8[%dma_wait3A_277, %dma_wait3A_278] : memref<10240x128xf32, #tpu.memory_space<vmem_shared>> -> memref<10240x128xf32, #tpu.memory_space<vmem_shared>>
        tpu.wait_indirect_dma semaphore(%run_scoped3A_267 : memref<!tpu.dma_semaphore, #tpu.memory_space<semaphore_mem>>) src(%arg12 : memref<128x128xf32, #tpu.memory_space<vmem>>) dst(%dma_wait3A_279 : memref<10240x128xf32, #tpu.memory_space<vmem_shared>>)
        tpu.yield
      }) : () -> ()
      %scan3A_159 = arith.constant 0 : i32
      %scan3A_160 = arith.constant 0 : i32
      %scan3A_161 = arith.constant 8 : i32
      %scan3A_162 = arith.addi %scan3A_160, %scan3A_161 : i32
      %scan3A_163 = arith.constant 1 : i32
      scf.for %scan3A_267 = %scan3A_160 to %scan3A_162 step %scan3A_163  : i32 {
        %mul3A_268 = arith.constant 16 : i32
        %mul3A_269 = arith.muli %scan3A_267, %mul3A_268 : i32
        %get3A = arith.constant 1 : i32
        %get3A_270 = arith.index_cast %get3A : i32 to index
        %get3A_271 = arith.index_cast %mul3A_269 : i32 to index
        %get3A_272 = tpu.vector_load %arg10[%get3A_270, %get3A_271] {strides = array<i32>} : memref<2x128xi32, #tpu.memory_space<vmem>>, vector<16xi32>,
        %broadcast_in_dim3A = arith.constant 1.000000e+00 : f32
        %broadcast_in_dim3A_273 = vector.broadcast %broadcast_in_dim3A : f32 to vector<16xf32>
        tpu.vector_store_idx %arg21[%get3A_272], %broadcast_in_dim3A_273 {add = true} : memref<10240xf32, #tpu.memory_space<vmem>>[vector<16xi32>], vector<16xf32>,
      }
      %scan3A_164 = arith.constant 8 : i32
      %add3A_165 = arith.constant 2 : i32
      %add3A_166 = arith.addi %add3A_136, %add3A_165 : i32
      %lt3A_167 = arith.constant 160 : i32
      %lt3A_168 = arith.cmpi slt, %add3A_166, %lt3A_167 : i32
      %convert_element_type3A_169 = arith.extui %lt3A_168 : i1 to i32
      %cond3A_170 = arith.constant 0 : i32
      %cond3A_171 = arith.cmpi ne, %convert_element_type3A_169, %cond3A_170 : i32
      scf.if %cond3A_171 {
        %add3A_267 = arith.constant 2 : i32
        %add3A_268 = arith.addi %add3A_136, %add3A_267 : i32
        %add3A_269 = arith.addi %mul3A_2, %add3A_268 : i32
        %dma_wait3A_270 = arith.constant 3 : i32
        %dma_wait3A_271 = arith.constant 0 : i32
        %dma_wait3A_272 = tpu.memref_slice %arg9[%dma_wait3A_270, %dma_wait3A_271] : memref<4x128xi32, #tpu.memory_space<vmem>> -> memref<1x128xi32, #tpu.memory_space<vmem>>
        %dma_wait3A_273 = tpu.memref_squeeze %dma_wait3A_272 : memref<1x128xi32, #tpu.memory_space<vmem>> -> memref<128xi32, #tpu.memory_space<vmem>>
        %dma_wait3A_274 = arith.constant 0 : i32
        %dma_wait3A_275 = tpu.memref_slice %arg3[%arg0, %add3A_269, %dma_wait3A_274] : memref<2x2560x128xi32, #tpu.memory_space<hbm>> -> memref<1x1x128xi32, #tpu.memory_space<hbm>>
        %dma_wait3A_276 = tpu.memref_squeeze %dma_wait3A_275 : memref<1x1x128xi32, #tpu.memory_space<hbm>> -> memref<128xi32, #tpu.memory_space<hbm>>
        %dma_wait3A_277 = arith.constant 0 : i32
        %dma_wait3A_278 = tpu.memref_slice %arg9[%dma_wait3A_270, %dma_wait3A_277] : memref<4x128xi32, #tpu.memory_space<vmem>> -> memref<1x128xi32, #tpu.memory_space<vmem>>
        %dma_wait3A_279 = tpu.memref_squeeze %dma_wait3A_278 : memref<1x128xi32, #tpu.memory_space<vmem>> -> memref<128xi32, #tpu.memory_space<vmem>>
        %dma_wait3A_280 = arith.constant 0 : i32
        %dma_wait3A_281 = tpu.memref_slice %arg3[%arg0, %add3A_269, %dma_wait3A_280] : memref<2x2560x128xi32, #tpu.memory_space<hbm>> -> memref<1x1x128xi32, #tpu.memory_space<hbm>>
        %dma_wait3A_282 = tpu.memref_squeeze %dma_wait3A_281 : memref<1x1x128xi32, #tpu.memory_space<hbm>> -> memref<128xi32, #tpu.memory_space<hbm>>
        tpu.wait_dma2 semaphore(%arg20 : memref<!tpu.dma_semaphore, #tpu.memory_space<semaphore_mem>>) src(%dma_wait3A_282 : memref<128xi32, #tpu.memory_space<hbm>>) dst(%dma_wait3A_279 : memref<128xi32, #tpu.memory_space<vmem>>)
        %dma_start3A_283 = arith.constant 3 : i32
        %dma_start3A_284 = arith.constant 0 : i32
        %dma_start3A_285 = tpu.memref_slice %arg9[%dma_start3A_283, %dma_start3A_284] : memref<4x128xi32, #tpu.memory_space<vmem>> -> memref<1x128xi32, #tpu.memory_space<vmem>>
        %dma_start3A_286 = tpu.memref_squeeze %dma_start3A_285 : memref<1x128xi32, #tpu.memory_space<vmem>> -> memref<128xi32, #tpu.memory_space<vmem>>
        %dma_start3A_287 = arith.constant 0 : i32
        %dma_start3A_288 = arith.constant 0 : i32
        %dma_start3A_289 = tpu.memref_slice %arg2[%dma_start3A_287, %dma_start3A_288] : memref<20480x128xf32, #tpu.memory_space<hbm>> -> memref<20480x128xf32, #tpu.memory_space<hbm>>
        tpu.enqueue_indirect_dma source(%dma_start3A_289 : memref<20480x128xf32, #tpu.memory_space<hbm>>) target(%arg12 : memref<128x128xf32, #tpu.memory_space<vmem>>) offsets(%dma_start3A_286 : memref<128xi32, #tpu.memory_space<vmem>>) semaphore(%arg14 : memref<!tpu.dma_semaphore, #tpu.memory_space<semaphore_mem>>)
        %add3A_290 = arith.addi %mul3A_2, %add3A_268 : i32
        %dma_start3A_291 = arith.constant 1 : i32
        %dma_start3A_292 = arith.constant 0 : i32
        %dma_start3A_293 = tpu.memref_slice %arg10[%dma_start3A_291, %dma_start3A_292] : memref<2x128xi32, #tpu.memory_space<vmem>> -> memref<1x128xi32, #tpu.memory_space<vmem>>
        %dma_start3A_294 = tpu.memref_squeeze %dma_start3A_293 : memref<1x128xi32, #tpu.memory_space<vmem>> -> memref<128xi32, #tpu.memory_space<vmem>>
        %dma_start3A_295 = arith.constant 0 : i32
        %dma_start3A_296 = tpu.memref_slice %arg4[%arg0, %add3A_290, %dma_start3A_295] : memref<2x2560x128xi32, #tpu.memory_space<hbm>> -> memref<1x1x128xi32, #tpu.memory_space<hbm>>
        %dma_start3A_297 = tpu.memref_squeeze %dma_start3A_296 : memref<1x1x128xi32, #tpu.memory_space<hbm>> -> memref<128xi32, #tpu.memory_space<hbm>>
        %dma_start3A_298 = arith.constant 0 : i32
        %dma_start3A_299 = tpu.memref_slice %arg10[%dma_start3A_291, %dma_start3A_298] : memref<2x128xi32, #tpu.memory_space<vmem>> -> memref<1x128xi32, #tpu.memory_space<vmem>>
        %dma_start3A_300 = tpu.memref_squeeze %dma_start3A_299 : memref<1x128xi32, #tpu.memory_space<vmem>> -> memref<128xi32, #tpu.memory_space<vmem>>
        %dma_start3A_301 = arith.constant 0 : i32
        %dma_start3A_302 = tpu.memref_slice %arg4[%arg0, %add3A_290, %dma_start3A_301] : memref<2x2560x128xi32, #tpu.memory_space<hbm>> -> memref<1x1x128xi32, #tpu.memory_space<hbm>>
        %dma_start3A_303 = tpu.memref_squeeze %dma_start3A_302 : memref<1x1x128xi32, #tpu.memory_space<hbm>> -> memref<128xi32, #tpu.memory_space<hbm>>
        tpu.enqueue_dma source(%dma_start3A_303 : memref<128xi32, #tpu.memory_space<hbm>>) target(%dma_start3A_300 : memref<128xi32, #tpu.memory_space<vmem>>) target_semaphore(%arg16 : memref<!tpu.dma_semaphore, #tpu.memory_space<semaphore_mem>>)
      } else {
      }
      %add3A_172 = arith.constant 4 : i32
      %add3A_173 = arith.addi %add3A_136, %add3A_172 : i32
      %lt3A_174 = arith.constant 160 : i32
      %lt3A_175 = arith.cmpi slt, %add3A_173, %lt3A_174 : i32
      %convert_element_type3A_176 = arith.extui %lt3A_175 : i1 to i32
      %cond3A_177 = arith.constant 0 : i32
      %cond3A_178 = arith.cmpi ne, %convert_element_type3A_176, %cond3A_177 : i32
      scf.if %cond3A_178 {
        %add3A_267 = arith.addi %mul3A_2, %add3A_136 : i32
        %add3A_268 = arith.constant 4 : i32
        %add3A_269 = arith.addi %add3A_267, %add3A_268 : i32
        %dma_start3A_270 = arith.constant 1 : i32
        %dma_start3A_271 = arith.constant 0 : i32
        %dma_start3A_272 = tpu.memref_slice %arg9[%dma_start3A_270, %dma_start3A_271] : memref<4x128xi32, #tpu.memory_space<vmem>> -> memref<1x128xi32, #tpu.memory_space<vmem>>
        %dma_start3A_273 = tpu.memref_squeeze %dma_start3A_272 : memref<1x128xi32, #tpu.memory_space<vmem>> -> memref<128xi32, #tpu.memory_space<vmem>>
        %dma_start3A_274 = arith.constant 0 : i32
        %dma_start3A_275 = tpu.memref_slice %arg3[%arg0, %add3A_269, %dma_start3A_274] : memref<2x2560x128xi32, #tpu.memory_space<hbm>> -> memref<1x1x128xi32, #tpu.memory_space<hbm>>
        %dma_start3A_276 = tpu.memref_squeeze %dma_start3A_275 : memref<1x1x128xi32, #tpu.memory_space<hbm>> -> memref<128xi32, #tpu.memory_space<hbm>>
        %dma_start3A_277 = arith.constant 0 : i32
        %dma_start3A_278 = tpu.memref_slice %arg9[%dma_start3A_270, %dma_start3A_277] : memref<4x128xi32, #tpu.memory_space<vmem>> -> memref<1x128xi32, #tpu.memory_space<vmem>>
        %dma_start3A_279 = tpu.memref_squeeze %dma_start3A_278 : memref<1x128xi32, #tpu.memory_space<vmem>> -> memref<128xi32, #tpu.memory_space<vmem>>
        %dma_start3A_280 = arith.constant 0 : i32
        %dma_start3A_281 = tpu.memref_slice %arg3[%arg0, %add3A_269, %dma_start3A_280] : memref<2x2560x128xi32, #tpu.memory_space<hbm>> -> memref<1x1x128xi32, #tpu.memory_space<hbm>>
        %dma_start3A_282 = tpu.memref_squeeze %dma_start3A_281 : memref<1x1x128xi32, #tpu.memory_space<hbm>> -> memref<128xi32, #tpu.memory_space<hbm>>
        tpu.enqueue_dma source(%dma_start3A_282 : memref<128xi32, #tpu.memory_space<hbm>>) target(%dma_start3A_279 : memref<128xi32, #tpu.memory_space<vmem>>) target_semaphore(%arg18 : memref<!tpu.dma_semaphore, #tpu.memory_space<semaphore_mem>>)
      } else {
      }
      %add3A_179 = arith.constant 2 : i32
      %add3A_180 = arith.addi %mul3A_94, %add3A_179 : i32
      %add3A_181 = arith.addi %mul3A_2, %add3A_180 : i32
      %dma_wait3A_182 = arith.constant 0 : i32
      %dma_wait3A_183 = arith.constant 0 : i32
      %dma_wait3A_184 = tpu.memref_slice %arg10[%dma_wait3A_182, %dma_wait3A_183] : memref<2x128xi32, #tpu.memory_space<vmem>> -> memref<1x128xi32, #tpu.memory_space<vmem>>
      %dma_wait3A_185 = tpu.memref_squeeze %dma_wait3A_184 : memref<1x128xi32, #tpu.memory_space<vmem>> -> memref<128xi32, #tpu.memory_space<vmem>>
      %dma_wait3A_186 = arith.constant 0 : i32
      %dma_wait3A_187 = tpu.memref_slice %arg4[%arg0, %add3A_181, %dma_wait3A_186] : memref<2x2560x128xi32, #tpu.memory_space<hbm>> -> memref<1x1x128xi32, #tpu.memory_space<hbm>>
      %dma_wait3A_188 = tpu.memref_squeeze %dma_wait3A_187 : memref<1x1x128xi32, #tpu.memory_space<hbm>> -> memref<128xi32, #tpu.memory_space<hbm>>
      %dma_wait3A_189 = arith.constant 0 : i32
      %dma_wait3A_190 = tpu.memref_slice %arg10[%dma_wait3A_182, %dma_wait3A_189] : memref<2x128xi32, #tpu.memory_space<vmem>> -> memref<1x128xi32, #tpu.memory_space<vmem>>
      %dma_wait3A_191 = tpu.memref_squeeze %dma_wait3A_190 : memref<1x128xi32, #tpu.memory_space<vmem>> -> memref<128xi32, #tpu.memory_space<vmem>>
      %dma_wait3A_192 = arith.constant 0 : i32
      %dma_wait3A_193 = tpu.memref_slice %arg4[%arg0, %add3A_181, %dma_wait3A_192] : memref<2x2560x128xi32, #tpu.memory_space<hbm>> -> memref<1x1x128xi32, #tpu.memory_space<hbm>>
      %dma_wait3A_194 = tpu.memref_squeeze %dma_wait3A_193 : memref<1x1x128xi32, #tpu.memory_space<hbm>> -> memref<128xi32, #tpu.memory_space<hbm>>
      tpu.wait_dma2 semaphore(%arg15 : memref<!tpu.dma_semaphore, #tpu.memory_space<semaphore_mem>>) src(%dma_wait3A_194 : memref<128xi32, #tpu.memory_space<hbm>>) dst(%dma_wait3A_191 : memref<128xi32, #tpu.memory_space<vmem>>)
      %dma_wait3A_195 = arith.constant 2 : i32
      %dma_wait3A_196 = arith.constant 0 : i32
      %dma_wait3A_197 = tpu.memref_slice %arg9[%dma_wait3A_195, %dma_wait3A_196] : memref<4x128xi32, #tpu.memory_space<vmem>> -> memref<1x128xi32, #tpu.memory_space<vmem>>
      %dma_wait3A_198 = tpu.memref_squeeze %dma_wait3A_197 : memref<1x128xi32, #tpu.memory_space<vmem>> -> memref<128xi32, #tpu.memory_space<vmem>>
      %dma_wait3A_199 = arith.constant 0 : i32
      %dma_wait3A_200 = arith.constant 0 : i32
      %dma_wait3A_201 = tpu.memref_slice %arg2[%dma_wait3A_199, %dma_wait3A_200] : memref<20480x128xf32, #tpu.memory_space<hbm>> -> memref<20480x128xf32, #tpu.memory_space<hbm>>
      tpu.wait_indirect_dma semaphore(%arg13 : memref<!tpu.dma_semaphore, #tpu.memory_space<semaphore_mem>>) src(%dma_wait3A_201 : memref<20480x128xf32, #tpu.memory_space<hbm>>) dst(%arg11 : memref<128x128xf32, #tpu.memory_space<vmem>>)
      %run_scoped3A_202 = arith.constant 0 : i32
      "tpu.region"() ({
        %run_scoped3A_267 = tpu.sem_alloc : memref<!tpu.dma_semaphore, #tpu.memory_space<semaphore_mem>>
        %dma_start3A_268 = arith.constant 0 : i32
        %dma_start3A_269 = tpu.memref_slice %arg10[%run_scoped3A_202, %dma_start3A_268] : memref<2x128xi32, #tpu.memory_space<vmem>> -> memref<1x128xi32, #tpu.memory_space<vmem>>
        %dma_start3A_270 = tpu.memref_squeeze %dma_start3A_269 : memref<1x128xi32, #tpu.memory_space<vmem>> -> memref<128xi32, #tpu.memory_space<vmem>>
        %dma_start3A_271 = arith.constant 0 : i32
        %dma_start3A_272 = arith.constant 0 : i32
        %dma_start3A_273 = tpu.memref_slice %arg8[%dma_start3A_271, %dma_start3A_272] : memref<10240x128xf32, #tpu.memory_space<vmem_shared>> -> memref<10240x128xf32, #tpu.memory_space<vmem_shared>>
        tpu.enqueue_indirect_dma source(%arg11 : memref<128x128xf32, #tpu.memory_space<vmem>>) target(%dma_start3A_273 : memref<10240x128xf32, #tpu.memory_space<vmem_shared>>) offsets(%dma_start3A_270 : memref<128xi32, #tpu.memory_space<vmem>>) semaphore(%run_scoped3A_267 : memref<!tpu.dma_semaphore, #tpu.memory_space<semaphore_mem>>) {add = true}
        %dma_wait3A_274 = arith.constant 0 : i32
        %dma_wait3A_275 = tpu.memref_slice %arg10[%run_scoped3A_202, %dma_wait3A_274] : memref<2x128xi32, #tpu.memory_space<vmem>> -> memref<1x128xi32, #tpu.memory_space<vmem>>
        %dma_wait3A_276 = tpu.memref_squeeze %dma_wait3A_275 : memref<1x128xi32, #tpu.memory_space<vmem>> -> memref<128xi32, #tpu.memory_space<vmem>>
        %dma_wait3A_277 = arith.constant 0 : i32
        %dma_wait3A_278 = arith.constant 0 : i32
        %dma_wait3A_279 = tpu.memref_slice %arg8[%dma_wait3A_277, %dma_wait3A_278] : memref<10240x128xf32, #tpu.memory_space<vmem_shared>> -> memref<10240x128xf32, #tpu.memory_space<vmem_shared>>
        tpu.wait_indirect_dma semaphore(%run_scoped3A_267 : memref<!tpu.dma_semaphore, #tpu.memory_space<semaphore_mem>>) src(%arg11 : memref<128x128xf32, #tpu.memory_space<vmem>>) dst(%dma_wait3A_279 : memref<10240x128xf32, #tpu.memory_space<vmem_shared>>)
        tpu.yield
      }) : () -> ()
      %scan3A_203 = arith.constant 0 : i32
      %scan3A_204 = arith.constant 0 : i32
      %scan3A_205 = arith.constant 8 : i32
      %scan3A_206 = arith.addi %scan3A_204, %scan3A_205 : i32
      %scan3A_207 = arith.constant 1 : i32
      scf.for %scan3A_267 = %scan3A_204 to %scan3A_206 step %scan3A_207  : i32 {
        %mul3A_268 = arith.constant 16 : i32
        %mul3A_269 = arith.muli %scan3A_267, %mul3A_268 : i32
        %get3A = arith.constant 0 : i32
        %get3A_270 = arith.index_cast %get3A : i32 to index
        %get3A_271 = arith.index_cast %mul3A_269 : i32 to index
        %get3A_272 = tpu.vector_load %arg10[%get3A_270, %get3A_271] {strides = array<i32>} : memref<2x128xi32, #tpu.memory_space<vmem>>, vector<16xi32>,
        %broadcast_in_dim3A = arith.constant 1.000000e+00 : f32
        %broadcast_in_dim3A_273 = vector.broadcast %broadcast_in_dim3A : f32 to vector<16xf32>
        tpu.vector_store_idx %arg21[%get3A_272], %broadcast_in_dim3A_273 {add = true} : memref<10240xf32, #tpu.memory_space<vmem>>[vector<16xi32>], vector<16xf32>,
      }
      %scan3A_208 = arith.constant 8 : i32
      %add3A_209 = arith.constant 2 : i32
      %add3A_210 = arith.addi %add3A_180, %add3A_209 : i32
      %lt3A_211 = arith.constant 160 : i32
      %lt3A_212 = arith.cmpi slt, %add3A_210, %lt3A_211 : i32
      %convert_element_type3A_213 = arith.extui %lt3A_212 : i1 to i32
      %cond3A_214 = arith.constant 0 : i32
      %cond3A_215 = arith.cmpi ne, %convert_element_type3A_213, %cond3A_214 : i32
      scf.if %cond3A_215 {
        %add3A_267 = arith.constant 2 : i32
        %add3A_268 = arith.addi %add3A_180, %add3A_267 : i32
        %add3A_269 = arith.addi %mul3A_2, %add3A_268 : i32
        %dma_wait3A_270 = arith.constant 0 : i32
        %dma_wait3A_271 = arith.constant 0 : i32
        %dma_wait3A_272 = tpu.memref_slice %arg9[%dma_wait3A_270, %dma_wait3A_271] : memref<4x128xi32, #tpu.memory_space<vmem>> -> memref<1x128xi32, #tpu.memory_space<vmem>>
        %dma_wait3A_273 = tpu.memref_squeeze %dma_wait3A_272 : memref<1x128xi32, #tpu.memory_space<vmem>> -> memref<128xi32, #tpu.memory_space<vmem>>
        %dma_wait3A_274 = arith.constant 0 : i32
        %dma_wait3A_275 = tpu.memref_slice %arg3[%arg0, %add3A_269, %dma_wait3A_274] : memref<2x2560x128xi32, #tpu.memory_space<hbm>> -> memref<1x1x128xi32, #tpu.memory_space<hbm>>
        %dma_wait3A_276 = tpu.memref_squeeze %dma_wait3A_275 : memref<1x1x128xi32, #tpu.memory_space<hbm>> -> memref<128xi32, #tpu.memory_space<hbm>>
        %dma_wait3A_277 = arith.constant 0 : i32
        %dma_wait3A_278 = tpu.memref_slice %arg9[%dma_wait3A_270, %dma_wait3A_277] : memref<4x128xi32, #tpu.memory_space<vmem>> -> memref<1x128xi32, #tpu.memory_space<vmem>>
        %dma_wait3A_279 = tpu.memref_squeeze %dma_wait3A_278 : memref<1x128xi32, #tpu.memory_space<vmem>> -> memref<128xi32, #tpu.memory_space<vmem>>
        %dma_wait3A_280 = arith.constant 0 : i32
        %dma_wait3A_281 = tpu.memref_slice %arg3[%arg0, %add3A_269, %dma_wait3A_280] : memref<2x2560x128xi32, #tpu.memory_space<hbm>> -> memref<1x1x128xi32, #tpu.memory_space<hbm>>
        %dma_wait3A_282 = tpu.memref_squeeze %dma_wait3A_281 : memref<1x1x128xi32, #tpu.memory_space<hbm>> -> memref<128xi32, #tpu.memory_space<hbm>>
        tpu.wait_dma2 semaphore(%arg17 : memref<!tpu.dma_semaphore, #tpu.memory_space<semaphore_mem>>) src(%dma_wait3A_282 : memref<128xi32, #tpu.memory_space<hbm>>) dst(%dma_wait3A_279 : memref<128xi32, #tpu.memory_space<vmem>>)
        %dma_start3A_283 = arith.constant 0 : i32
        %dma_start3A_284 = arith.constant 0 : i32
        %dma_start3A_285 = tpu.memref_slice %arg9[%dma_start3A_283, %dma_start3A_284] : memref<4x128xi32, #tpu.memory_space<vmem>> -> memref<1x128xi32, #tpu.memory_space<vmem>>
        %dma_start3A_286 = tpu.memref_squeeze %dma_start3A_285 : memref<1x128xi32, #tpu.memory_space<vmem>> -> memref<128xi32, #tpu.memory_space<vmem>>
        %dma_start3A_287 = arith.constant 0 : i32
        %dma_start3A_288 = arith.constant 0 : i32
        %dma_start3A_289 = tpu.memref_slice %arg2[%dma_start3A_287, %dma_start3A_288] : memref<20480x128xf32, #tpu.memory_space<hbm>> -> memref<20480x128xf32, #tpu.memory_space<hbm>>
        tpu.enqueue_indirect_dma source(%dma_start3A_289 : memref<20480x128xf32, #tpu.memory_space<hbm>>) target(%arg11 : memref<128x128xf32, #tpu.memory_space<vmem>>) offsets(%dma_start3A_286 : memref<128xi32, #tpu.memory_space<vmem>>) semaphore(%arg13 : memref<!tpu.dma_semaphore, #tpu.memory_space<semaphore_mem>>)
        %add3A_290 = arith.addi %mul3A_2, %add3A_268 : i32
        %dma_start3A_291 = arith.constant 0 : i32
        %dma_start3A_292 = arith.constant 0 : i32
        %dma_start3A_293 = tpu.memref_slice %arg10[%dma_start3A_291, %dma_start3A_292] : memref<2x128xi32, #tpu.memory_space<vmem>> -> memref<1x128xi32, #tpu.memory_space<vmem>>
        %dma_start3A_294 = tpu.memref_squeeze %dma_start3A_293 : memref<1x128xi32, #tpu.memory_space<vmem>> -> memref<128xi32, #tpu.memory_space<vmem>>
        %dma_start3A_295 = arith.constant 0 : i32
        %dma_start3A_296 = tpu.memref_slice %arg4[%arg0, %add3A_290, %dma_start3A_295] : memref<2x2560x128xi32, #tpu.memory_space<hbm>> -> memref<1x1x128xi32, #tpu.memory_space<hbm>>
        %dma_start3A_297 = tpu.memref_squeeze %dma_start3A_296 : memref<1x1x128xi32, #tpu.memory_space<hbm>> -> memref<128xi32, #tpu.memory_space<hbm>>
        %dma_start3A_298 = arith.constant 0 : i32
        %dma_start3A_299 = tpu.memref_slice %arg10[%dma_start3A_291, %dma_start3A_298] : memref<2x128xi32, #tpu.memory_space<vmem>> -> memref<1x128xi32, #tpu.memory_space<vmem>>
        %dma_start3A_300 = tpu.memref_squeeze %dma_start3A_299 : memref<1x128xi32, #tpu.memory_space<vmem>> -> memref<128xi32, #tpu.memory_space<vmem>>
        %dma_start3A_301 = arith.constant 0 : i32
        %dma_start3A_302 = tpu.memref_slice %arg4[%arg0, %add3A_290, %dma_start3A_301] : memref<2x2560x128xi32, #tpu.memory_space<hbm>> -> memref<1x1x128xi32, #tpu.memory_space<hbm>>
        %dma_start3A_303 = tpu.memref_squeeze %dma_start3A_302 : memref<1x1x128xi32, #tpu.memory_space<hbm>> -> memref<128xi32, #tpu.memory_space<hbm>>
        tpu.enqueue_dma source(%dma_start3A_303 : memref<128xi32, #tpu.memory_space<hbm>>) target(%dma_start3A_300 : memref<128xi32, #tpu.memory_space<vmem>>) target_semaphore(%arg15 : memref<!tpu.dma_semaphore, #tpu.memory_space<semaphore_mem>>)
      } else {
      }
      %add3A_216 = arith.constant 4 : i32
      %add3A_217 = arith.addi %add3A_180, %add3A_216 : i32
      %lt3A_218 = arith.constant 160 : i32
      %lt3A_219 = arith.cmpi slt, %add3A_217, %lt3A_218 : i32
      %convert_element_type3A_220 = arith.extui %lt3A_219 : i1 to i32
      %cond3A_221 = arith.constant 0 : i32
      %cond3A_222 = arith.cmpi ne, %convert_element_type3A_220, %cond3A_221 : i32
      scf.if %cond3A_222 {
        %add3A_267 = arith.addi %mul3A_2, %add3A_180 : i32
        %add3A_268 = arith.constant 4 : i32
        %add3A_269 = arith.addi %add3A_267, %add3A_268 : i32
        %dma_start3A_270 = arith.constant 2 : i32
        %dma_start3A_271 = arith.constant 0 : i32
        %dma_start3A_272 = tpu.memref_slice %arg9[%dma_start3A_270, %dma_start3A_271] : memref<4x128xi32, #tpu.memory_space<vmem>> -> memref<1x128xi32, #tpu.memory_space<vmem>>
        %dma_start3A_273 = tpu.memref_squeeze %dma_start3A_272 : memref<1x128xi32, #tpu.memory_space<vmem>> -> memref<128xi32, #tpu.memory_space<vmem>>
        %dma_start3A_274 = arith.constant 0 : i32
        %dma_start3A_275 = tpu.memref_slice %arg3[%arg0, %add3A_269, %dma_start3A_274] : memref<2x2560x128xi32, #tpu.memory_space<hbm>> -> memref<1x1x128xi32, #tpu.memory_space<hbm>>
        %dma_start3A_276 = tpu.memref_squeeze %dma_start3A_275 : memref<1x1x128xi32, #tpu.memory_space<hbm>> -> memref<128xi32, #tpu.memory_space<hbm>>
        %dma_start3A_277 = arith.constant 0 : i32
        %dma_start3A_278 = tpu.memref_slice %arg9[%dma_start3A_270, %dma_start3A_277] : memref<4x128xi32, #tpu.memory_space<vmem>> -> memref<1x128xi32, #tpu.memory_space<vmem>>
        %dma_start3A_279 = tpu.memref_squeeze %dma_start3A_278 : memref<1x128xi32, #tpu.memory_space<vmem>> -> memref<128xi32, #tpu.memory_space<vmem>>
        %dma_start3A_280 = arith.constant 0 : i32
        %dma_start3A_281 = tpu.memref_slice %arg3[%arg0, %add3A_269, %dma_start3A_280] : memref<2x2560x128xi32, #tpu.memory_space<hbm>> -> memref<1x1x128xi32, #tpu.memory_space<hbm>>
        %dma_start3A_282 = tpu.memref_squeeze %dma_start3A_281 : memref<1x1x128xi32, #tpu.memory_space<hbm>> -> memref<128xi32, #tpu.memory_space<hbm>>
        tpu.enqueue_dma source(%dma_start3A_282 : memref<128xi32, #tpu.memory_space<hbm>>) target(%dma_start3A_279 : memref<128xi32, #tpu.memory_space<vmem>>) target_semaphore(%arg19 : memref<!tpu.dma_semaphore, #tpu.memory_space<semaphore_mem>>)
      } else {
      }
      %add3A_223 = arith.constant 3 : i32
      %add3A_224 = arith.addi %mul3A_94, %add3A_223 : i32
      %add3A_225 = arith.addi %mul3A_2, %add3A_224 : i32
      %dma_wait3A_226 = arith.constant 1 : i32
      %dma_wait3A_227 = arith.constant 0 : i32
      %dma_wait3A_228 = tpu.memref_slice %arg10[%dma_wait3A_226, %dma_wait3A_227] : memref<2x128xi32, #tpu.memory_space<vmem>> -> memref<1x128xi32, #tpu.memory_space<vmem>>
      %dma_wait3A_229 = tpu.memref_squeeze %dma_wait3A_228 : memref<1x128xi32, #tpu.memory_space<vmem>> -> memref<128xi32, #tpu.memory_space<vmem>>
      %dma_wait3A_230 = arith.constant 0 : i32
      %dma_wait3A_231 = tpu.memref_slice %arg4[%arg0, %add3A_225, %dma_wait3A_230] : memref<2x2560x128xi32, #tpu.memory_space<hbm>> -> memref<1x1x128xi32, #tpu.memory_space<hbm>>
      %dma_wait3A_232 = tpu.memref_squeeze %dma_wait3A_231 : memref<1x1x128xi32, #tpu.memory_space<hbm>> -> memref<128xi32, #tpu.memory_space<hbm>>
      %dma_wait3A_233 = arith.constant 0 : i32
      %dma_wait3A_234 = tpu.memref_slice %arg10[%dma_wait3A_226, %dma_wait3A_233] : memref<2x128xi32, #tpu.memory_space<vmem>> -> memref<1x128xi32, #tpu.memory_space<vmem>>
      %dma_wait3A_235 = tpu.memref_squeeze %dma_wait3A_234 : memref<1x128xi32, #tpu.memory_space<vmem>> -> memref<128xi32, #tpu.memory_space<vmem>>
      %dma_wait3A_236 = arith.constant 0 : i32
      %dma_wait3A_237 = tpu.memref_slice %arg4[%arg0, %add3A_225, %dma_wait3A_236] : memref<2x2560x128xi32, #tpu.memory_space<hbm>> -> memref<1x1x128xi32, #tpu.memory_space<hbm>>
      %dma_wait3A_238 = tpu.memref_squeeze %dma_wait3A_237 : memref<1x1x128xi32, #tpu.memory_space<hbm>> -> memref<128xi32, #tpu.memory_space<hbm>>
      tpu.wait_dma2 semaphore(%arg16 : memref<!tpu.dma_semaphore, #tpu.memory_space<semaphore_mem>>) src(%dma_wait3A_238 : memref<128xi32, #tpu.memory_space<hbm>>) dst(%dma_wait3A_235 : memref<128xi32, #tpu.memory_space<vmem>>)
      %dma_wait3A_239 = arith.constant 3 : i32
      %dma_wait3A_240 = arith.constant 0 : i32
      %dma_wait3A_241 = tpu.memref_slice %arg9[%dma_wait3A_239, %dma_wait3A_240] : memref<4x128xi32, #tpu.memory_space<vmem>> -> memref<1x128xi32, #tpu.memory_space<vmem>>
      %dma_wait3A_242 = tpu.memref_squeeze %dma_wait3A_241 : memref<1x128xi32, #tpu.memory_space<vmem>> -> memref<128xi32, #tpu.memory_space<vmem>>
      %dma_wait3A_243 = arith.constant 0 : i32
      %dma_wait3A_244 = arith.constant 0 : i32
      %dma_wait3A_245 = tpu.memref_slice %arg2[%dma_wait3A_243, %dma_wait3A_244] : memref<20480x128xf32, #tpu.memory_space<hbm>> -> memref<20480x128xf32, #tpu.memory_space<hbm>>
      tpu.wait_indirect_dma semaphore(%arg14 : memref<!tpu.dma_semaphore, #tpu.memory_space<semaphore_mem>>) src(%dma_wait3A_245 : memref<20480x128xf32, #tpu.memory_space<hbm>>) dst(%arg12 : memref<128x128xf32, #tpu.memory_space<vmem>>)
      %run_scoped3A_246 = arith.constant 1 : i32
      "tpu.region"() ({
        %run_scoped3A_267 = tpu.sem_alloc : memref<!tpu.dma_semaphore, #tpu.memory_space<semaphore_mem>>
        %dma_start3A_268 = arith.constant 0 : i32
        %dma_start3A_269 = tpu.memref_slice %arg10[%run_scoped3A_246, %dma_start3A_268] : memref<2x128xi32, #tpu.memory_space<vmem>> -> memref<1x128xi32, #tpu.memory_space<vmem>>
        %dma_start3A_270 = tpu.memref_squeeze %dma_start3A_269 : memref<1x128xi32, #tpu.memory_space<vmem>> -> memref<128xi32, #tpu.memory_space<vmem>>
        %dma_start3A_271 = arith.constant 0 : i32
        %dma_start3A_272 = arith.constant 0 : i32
        %dma_start3A_273 = tpu.memref_slice %arg8[%dma_start3A_271, %dma_start3A_272] : memref<10240x128xf32, #tpu.memory_space<vmem_shared>> -> memref<10240x128xf32, #tpu.memory_space<vmem_shared>>
        tpu.enqueue_indirect_dma source(%arg12 : memref<128x128xf32, #tpu.memory_space<vmem>>) target(%dma_start3A_273 : memref<10240x128xf32, #tpu.memory_space<vmem_shared>>) offsets(%dma_start3A_270 : memref<128xi32, #tpu.memory_space<vmem>>) semaphore(%run_scoped3A_267 : memref<!tpu.dma_semaphore, #tpu.memory_space<semaphore_mem>>) {add = true}
        %dma_wait3A_274 = arith.constant 0 : i32
        %dma_wait3A_275 = tpu.memref_slice %arg10[%run_scoped3A_246, %dma_wait3A_274] : memref<2x128xi32, #tpu.memory_space<vmem>> -> memref<1x128xi32, #tpu.memory_space<vmem>>
        %dma_wait3A_276 = tpu.memref_squeeze %dma_wait3A_275 : memref<1x128xi32, #tpu.memory_space<vmem>> -> memref<128xi32, #tpu.memory_space<vmem>>
        %dma_wait3A_277 = arith.constant 0 : i32
        %dma_wait3A_278 = arith.constant 0 : i32
        %dma_wait3A_279 = tpu.memref_slice %arg8[%dma_wait3A_277, %dma_wait3A_278] : memref<10240x128xf32, #tpu.memory_space<vmem_shared>> -> memref<10240x128xf32, #tpu.memory_space<vmem_shared>>
        tpu.wait_indirect_dma semaphore(%run_scoped3A_267 : memref<!tpu.dma_semaphore, #tpu.memory_space<semaphore_mem>>) src(%arg12 : memref<128x128xf32, #tpu.memory_space<vmem>>) dst(%dma_wait3A_279 : memref<10240x128xf32, #tpu.memory_space<vmem_shared>>)
        tpu.yield
      }) : () -> ()
      %scan3A_247 = arith.constant 0 : i32
      %scan3A_248 = arith.constant 0 : i32
      %scan3A_249 = arith.constant 8 : i32
      %scan3A_250 = arith.addi %scan3A_248, %scan3A_249 : i32
      %scan3A_251 = arith.constant 1 : i32
      scf.for %scan3A_267 = %scan3A_248 to %scan3A_250 step %scan3A_251  : i32 {
        %mul3A_268 = arith.constant 16 : i32
        %mul3A_269 = arith.muli %scan3A_267, %mul3A_268 : i32
        %get3A = arith.constant 1 : i32
        %get3A_270 = arith.index_cast %get3A : i32 to index
        %get3A_271 = arith.index_cast %mul3A_269 : i32 to index
        %get3A_272 = tpu.vector_load %arg10[%get3A_270, %get3A_271] {strides = array<i32>} : memref<2x128xi32, #tpu.memory_space<vmem>>, vector<16xi32>,
        %broadcast_in_dim3A = arith.constant 1.000000e+00 : f32
        %broadcast_in_dim3A_273 = vector.broadcast %broadcast_in_dim3A : f32 to vector<16xf32>
        tpu.vector_store_idx %arg21[%get3A_272], %broadcast_in_dim3A_273 {add = true} : memref<10240xf32, #tpu.memory_space<vmem>>[vector<16xi32>], vector<16xf32>,
      }
      %scan3A_252 = arith.constant 8 : i32
      %add3A_253 = arith.constant 2 : i32
      %add3A_254 = arith.addi %add3A_224, %add3A_253 : i32
      %lt3A_255 = arith.constant 160 : i32
      %lt3A_256 = arith.cmpi slt, %add3A_254, %lt3A_255 : i32
      %convert_element_type3A_257 = arith.extui %lt3A_256 : i1 to i32
      %cond3A_258 = arith.constant 0 : i32
      %cond3A_259 = arith.cmpi ne, %convert_element_type3A_257, %cond3A_258 : i32
      scf.if %cond3A_259 {
        %add3A_267 = arith.constant 2 : i32
        %add3A_268 = arith.addi %add3A_224, %add3A_267 : i32
        %add3A_269 = arith.addi %mul3A_2, %add3A_268 : i32
        %dma_wait3A_270 = arith.constant 1 : i32
        %dma_wait3A_271 = arith.constant 0 : i32
        %dma_wait3A_272 = tpu.memref_slice %arg9[%dma_wait3A_270, %dma_wait3A_271] : memref<4x128xi32, #tpu.memory_space<vmem>> -> memref<1x128xi32, #tpu.memory_space<vmem>>
        %dma_wait3A_273 = tpu.memref_squeeze %dma_wait3A_272 : memref<1x128xi32, #tpu.memory_space<vmem>> -> memref<128xi32, #tpu.memory_space<vmem>>
        %dma_wait3A_274 = arith.constant 0 : i32
        %dma_wait3A_275 = tpu.memref_slice %arg3[%arg0, %add3A_269, %dma_wait3A_274] : memref<2x2560x128xi32, #tpu.memory_space<hbm>> -> memref<1x1x128xi32, #tpu.memory_space<hbm>>
        %dma_wait3A_276 = tpu.memref_squeeze %dma_wait3A_275 : memref<1x1x128xi32, #tpu.memory_space<hbm>> -> memref<128xi32, #tpu.memory_space<hbm>>
        %dma_wait3A_277 = arith.constant 0 : i32
        %dma_wait3A_278 = tpu.memref_slice %arg9[%dma_wait3A_270, %dma_wait3A_277] : memref<4x128xi32, #tpu.memory_space<vmem>> -> memref<1x128xi32, #tpu.memory_space<vmem>>
        %dma_wait3A_279 = tpu.memref_squeeze %dma_wait3A_278 : memref<1x128xi32, #tpu.memory_space<vmem>> -> memref<128xi32, #tpu.memory_space<vmem>>
        %dma_wait3A_280 = arith.constant 0 : i32
        %dma_wait3A_281 = tpu.memref_slice %arg3[%arg0, %add3A_269, %dma_wait3A_280] : memref<2x2560x128xi32, #tpu.memory_space<hbm>> -> memref<1x1x128xi32, #tpu.memory_space<hbm>>
        %dma_wait3A_282 = tpu.memref_squeeze %dma_wait3A_281 : memref<1x1x128xi32, #tpu.memory_space<hbm>> -> memref<128xi32, #tpu.memory_space<hbm>>
        tpu.wait_dma2 semaphore(%arg18 : memref<!tpu.dma_semaphore, #tpu.memory_space<semaphore_mem>>) src(%dma_wait3A_282 : memref<128xi32, #tpu.memory_space<hbm>>) dst(%dma_wait3A_279 : memref<128xi32, #tpu.memory_space<vmem>>)
        %dma_start3A_283 = arith.constant 1 : i32
        %dma_start3A_284 = arith.constant 0 : i32
        %dma_start3A_285 = tpu.memref_slice %arg9[%dma_start3A_283, %dma_start3A_284] : memref<4x128xi32, #tpu.memory_space<vmem>> -> memref<1x128xi32, #tpu.memory_space<vmem>>
        %dma_start3A_286 = tpu.memref_squeeze %dma_start3A_285 : memref<1x128xi32, #tpu.memory_space<vmem>> -> memref<128xi32, #tpu.memory_space<vmem>>
        %dma_start3A_287 = arith.constant 0 : i32
        %dma_start3A_288 = arith.constant 0 : i32
        %dma_start3A_289 = tpu.memref_slice %arg2[%dma_start3A_287, %dma_start3A_288] : memref<20480x128xf32, #tpu.memory_space<hbm>> -> memref<20480x128xf32, #tpu.memory_space<hbm>>
        tpu.enqueue_indirect_dma source(%dma_start3A_289 : memref<20480x128xf32, #tpu.memory_space<hbm>>) target(%arg12 : memref<128x128xf32, #tpu.memory_space<vmem>>) offsets(%dma_start3A_286 : memref<128xi32, #tpu.memory_space<vmem>>) semaphore(%arg14 : memref<!tpu.dma_semaphore, #tpu.memory_space<semaphore_mem>>)
        %add3A_290 = arith.addi %mul3A_2, %add3A_268 : i32
        %dma_start3A_291 = arith.constant 1 : i32
        %dma_start3A_292 = arith.constant 0 : i32
        %dma_start3A_293 = tpu.memref_slice %arg10[%dma_start3A_291, %dma_start3A_292] : memref<2x128xi32, #tpu.memory_space<vmem>> -> memref<1x128xi32, #tpu.memory_space<vmem>>
        %dma_start3A_294 = tpu.memref_squeeze %dma_start3A_293 : memref<1x128xi32, #tpu.memory_space<vmem>> -> memref<128xi32, #tpu.memory_space<vmem>>
        %dma_start3A_295 = arith.constant 0 : i32
        %dma_start3A_296 = tpu.memref_slice %arg4[%arg0, %add3A_290, %dma_start3A_295] : memref<2x2560x128xi32, #tpu.memory_space<hbm>> -> memref<1x1x128xi32, #tpu.memory_space<hbm>>
        %dma_start3A_297 = tpu.memref_squeeze %dma_start3A_296 : memref<1x1x128xi32, #tpu.memory_space<hbm>> -> memref<128xi32, #tpu.memory_space<hbm>>
        %dma_start3A_298 = arith.constant 0 : i32
        %dma_start3A_299 = tpu.memref_slice %arg10[%dma_start3A_291, %dma_start3A_298] : memref<2x128xi32, #tpu.memory_space<vmem>> -> memref<1x128xi32, #tpu.memory_space<vmem>>
        %dma_start3A_300 = tpu.memref_squeeze %dma_start3A_299 : memref<1x128xi32, #tpu.memory_space<vmem>> -> memref<128xi32, #tpu.memory_space<vmem>>
        %dma_start3A_301 = arith.constant 0 : i32
        %dma_start3A_302 = tpu.memref_slice %arg4[%arg0, %add3A_290, %dma_start3A_301] : memref<2x2560x128xi32, #tpu.memory_space<hbm>> -> memref<1x1x128xi32, #tpu.memory_space<hbm>>
        %dma_start3A_303 = tpu.memref_squeeze %dma_start3A_302 : memref<1x1x128xi32, #tpu.memory_space<hbm>> -> memref<128xi32, #tpu.memory_space<hbm>>
        tpu.enqueue_dma source(%dma_start3A_303 : memref<128xi32, #tpu.memory_space<hbm>>) target(%dma_start3A_300 : memref<128xi32, #tpu.memory_space<vmem>>) target_semaphore(%arg16 : memref<!tpu.dma_semaphore, #tpu.memory_space<semaphore_mem>>)
      } else {
      }
      %add3A_260 = arith.constant 4 : i32
      %add3A_261 = arith.addi %add3A_224, %add3A_260 : i32
      %lt3A_262 = arith.constant 160 : i32
      %lt3A_263 = arith.cmpi slt, %add3A_261, %lt3A_262 : i32
      %convert_element_type3A_264 = arith.extui %lt3A_263 : i1 to i32
      %cond3A_265 = arith.constant 0 : i32
      %cond3A_266 = arith.cmpi ne, %convert_element_type3A_264, %cond3A_265 : i32
      scf.if %cond3A_266 {
        %add3A_267 = arith.addi %mul3A_2, %add3A_224 : i32
        %add3A_268 = arith.constant 4 : i32
        %add3A_269 = arith.addi %add3A_267, %add3A_268 : i32
        %dma_start3A_270 = arith.constant 3 : i32
        %dma_start3A_271 = arith.constant 0 : i32
        %dma_start3A_272 = tpu.memref_slice %arg9[%dma_start3A_270, %dma_start3A_271] : memref<4x128xi32, #tpu.memory_space<vmem>> -> memref<1x128xi32, #tpu.memory_space<vmem>>
        %dma_start3A_273 = tpu.memref_squeeze %dma_start3A_272 : memref<1x128xi32, #tpu.memory_space<vmem>> -> memref<128xi32, #tpu.memory_space<vmem>>
        %dma_start3A_274 = arith.constant 0 : i32
        %dma_start3A_275 = tpu.memref_slice %arg3[%arg0, %add3A_269, %dma_start3A_274] : memref<2x2560x128xi32, #tpu.memory_space<hbm>> -> memref<1x1x128xi32, #tpu.memory_space<hbm>>
        %dma_start3A_276 = tpu.memref_squeeze %dma_start3A_275 : memref<1x1x128xi32, #tpu.memory_space<hbm>> -> memref<128xi32, #tpu.memory_space<hbm>>
        %dma_start3A_277 = arith.constant 0 : i32
        %dma_start3A_278 = tpu.memref_slice %arg9[%dma_start3A_270, %dma_start3A_277] : memref<4x128xi32, #tpu.memory_space<vmem>> -> memref<1x128xi32, #tpu.memory_space<vmem>>
        %dma_start3A_279 = tpu.memref_squeeze %dma_start3A_278 : memref<1x128xi32, #tpu.memory_space<vmem>> -> memref<128xi32, #tpu.memory_space<vmem>>
        %dma_start3A_280 = arith.constant 0 : i32
        %dma_start3A_281 = tpu.memref_slice %arg3[%arg0, %add3A_269, %dma_start3A_280] : memref<2x2560x128xi32, #tpu.memory_space<hbm>> -> memref<1x1x128xi32, #tpu.memory_space<hbm>>
        %dma_start3A_282 = tpu.memref_squeeze %dma_start3A_281 : memref<1x1x128xi32, #tpu.memory_space<hbm>> -> memref<128xi32, #tpu.memory_space<hbm>>
        tpu.enqueue_dma source(%dma_start3A_282 : memref<128xi32, #tpu.memory_space<hbm>>) target(%dma_start3A_279 : memref<128xi32, #tpu.memory_space<vmem>>) target_semaphore(%arg20 : memref<!tpu.dma_semaphore, #tpu.memory_space<semaphore_mem>>)
      } else {
      }
    }
    %scan3A_90 = arith.constant 40 : i32
    %barrier3A_91 = arith.constant 0 : index
    tpu.barrier barrier_id(%barrier3A_91)
    "tpu.region"() ({
      %run_scoped3A_92 = tpu.sem_alloc : memref<!tpu.dma_semaphore, #tpu.memory_space<semaphore_mem>>
      %dma_start3A_93 = arith.constant 0 : i32
      %dma_start3A_94 = tpu.memref_slice %arg6[%arg0, %mul3A_0, %dma_start3A_93] : memref<2x10240x128xf32, #tpu.memory_space<hbm>> -> memref<1x640x128xf32, #tpu.memory_space<hbm>>
      %dma_start3A_95 = tpu.memref_squeeze %dma_start3A_94 : memref<1x640x128xf32, #tpu.memory_space<hbm>> -> memref<640x128xf32, #tpu.memory_space<hbm>>
      %dma_start3A_96 = arith.constant 0 : i32
      %dma_start3A_97 = tpu.memref_slice %arg8[%mul3A_0, %dma_start3A_96] : memref<10240x128xf32, #tpu.memory_space<vmem_shared>> -> memref<640x128xf32, #tpu.memory_space<vmem_shared>>
      tpu.enqueue_dma source(%dma_start3A_97 : memref<640x128xf32, #tpu.memory_space<vmem_shared>>) target(%dma_start3A_95 : memref<640x128xf32, #tpu.memory_space<hbm>>) target_semaphore(%run_scoped3A_92 : memref<!tpu.dma_semaphore, #tpu.memory_space<semaphore_mem>>)
      %dma_wait3A = arith.constant 0 : i32
      %dma_wait3A_98 = tpu.memref_slice %arg6[%arg0, %mul3A_0, %dma_wait3A] : memref<2x10240x128xf32, #tpu.memory_space<hbm>> -> memref<1x640x128xf32, #tpu.memory_space<hbm>>
      %dma_wait3A_99 = tpu.memref_squeeze %dma_wait3A_98 : memref<1x640x128xf32, #tpu.memory_space<hbm>> -> memref<640x128xf32, #tpu.memory_space<hbm>>
      %dma_wait3A_100 = arith.constant 0 : i32
      %dma_wait3A_101 = tpu.memref_slice %arg8[%mul3A_0, %dma_wait3A_100] : memref<10240x128xf32, #tpu.memory_space<vmem_shared>> -> memref<640x128xf32, #tpu.memory_space<vmem_shared>>
      tpu.wait_dma2 semaphore(%run_scoped3A_92 : memref<!tpu.dma_semaphore, #tpu.memory_space<semaphore_mem>>) src(%dma_wait3A_101 : memref<640x128xf32, #tpu.memory_space<vmem_shared>>) dst(%dma_wait3A_99 : memref<640x128xf32, #tpu.memory_space<hbm>>)
      tpu.yield
    }) : () -> ()
    "tpu.region"() ({
      %run_scoped3A_92 = tpu.sem_alloc : memref<!tpu.dma_semaphore, #tpu.memory_space<semaphore_mem>>
      %dma_start3A_93 = arith.constant 0 : i32
      %dma_start3A_94 = tpu.memref_slice %arg7[%arg0, %arg1, %dma_start3A_93] : memref<2x16x10240xf32, #tpu.memory_space<hbm>> -> memref<1x1x10240xf32, #tpu.memory_space<hbm>>
      %dma_start3A_95 = tpu.memref_squeeze %dma_start3A_94 : memref<1x1x10240xf32, #tpu.memory_space<hbm>> -> memref<10240xf32, #tpu.memory_space<hbm>>
      %dma_start3A_96 = arith.constant 0 : i32
      %dma_start3A_97 = tpu.memref_slice %arg7[%arg0, %arg1, %dma_start3A_96] : memref<2x16x10240xf32, #tpu.memory_space<hbm>> -> memref<1x1x10240xf32, #tpu.memory_space<hbm>>
      %dma_start3A_98 = tpu.memref_squeeze %dma_start3A_97 : memref<1x1x10240xf32, #tpu.memory_space<hbm>> -> memref<10240xf32, #tpu.memory_space<hbm>>
      tpu.enqueue_dma source(%arg21 : memref<10240xf32, #tpu.memory_space<vmem>>) target(%dma_start3A_98 : memref<10240xf32, #tpu.memory_space<hbm>>) target_semaphore(%run_scoped3A_92 : memref<!tpu.dma_semaphore, #tpu.memory_space<semaphore_mem>>)
      %dma_wait3A = arith.constant 0 : i32
      %dma_wait3A_99 = tpu.memref_slice %arg7[%arg0, %arg1, %dma_wait3A] : memref<2x16x10240xf32, #tpu.memory_space<hbm>> -> memref<1x1x10240xf32, #tpu.memory_space<hbm>>
      %dma_wait3A_100 = tpu.memref_squeeze %dma_wait3A_99 : memref<1x1x10240xf32, #tpu.memory_space<hbm>> -> memref<10240xf32, #tpu.memory_space<hbm>>
      %dma_wait3A_101 = arith.constant 0 : i32
      %dma_wait3A_102 = tpu.memref_slice %arg7[%arg0, %arg1, %dma_wait3A_101] : memref<2x16x10240xf32, #tpu.memory_space<hbm>> -> memref<1x1x10240xf32, #tpu.memory_space<hbm>>
      %dma_wait3A_103 = tpu.memref_squeeze %dma_wait3A_102 : memref<1x1x10240xf32, #tpu.memory_space<hbm>> -> memref<10240xf32, #tpu.memory_space<hbm>>
      tpu.wait_dma2 semaphore(%run_scoped3A_92 : memref<!tpu.dma_semaphore, #tpu.memory_space<semaphore_mem>>) src(%arg21 : memref<10240xf32, #tpu.memory_space<vmem>>) dst(%dma_wait3A_103 : memref<10240xf32, #tpu.memory_space<hbm>>)
      tpu.yield
    }) : () -> ()
    return
  }
}

#map = affine_map<(d0, d1) -> (0, 0)>
#map1 = affine_map<(d0, d1) -> (0, 0, 0)>
module attributes {stable_mosaic.version = 14 : i64} {
  func.func @sc_layer(%arg0: i32, %arg1: i32, %arg2: memref<20480x128xf32, #tpu.memory_space<hbm>>, %arg3: memref<2x2560x128xi32, #tpu.memory_space<hbm>>, %arg4: memref<2x2560x128xi32, #tpu.memory_space<hbm>>, %arg5: memref<10240x128xf32, #tpu.memory_space<hbm>>, %arg6: memref<2x10240x128xf32, #tpu.memory_space<hbm>>, %arg7: memref<10240x128xf32, #tpu.memory_space<vmem_shared>>, %arg8: memref<4x128xi32, #tpu.memory_space<vmem>>, %arg9: memref<2x128xi32, #tpu.memory_space<vmem>>, %arg10: memref<128x128xf32, #tpu.memory_space<vmem>>, %arg11: memref<128x128xf32, #tpu.memory_space<vmem>>, %arg12: memref<!tpu.dma_semaphore, #tpu.memory_space<semaphore_mem>>, %arg13: memref<!tpu.dma_semaphore, #tpu.memory_space<semaphore_mem>>, %arg14: memref<!tpu.dma_semaphore, #tpu.memory_space<semaphore_mem>>, %arg15: memref<!tpu.dma_semaphore, #tpu.memory_space<semaphore_mem>>, %arg16: memref<!tpu.dma_semaphore, #tpu.memory_space<semaphore_mem>>, %arg17: memref<!tpu.dma_semaphore, #tpu.memory_space<semaphore_mem>>, %arg18: memref<!tpu.dma_semaphore, #tpu.memory_space<semaphore_mem>>, %arg19: memref<!tpu.dma_semaphore, #tpu.memory_space<semaphore_mem>>) attributes {dimension_semantics = [#tpu.dimension_semantics<core_parallel>, #tpu.dimension_semantics<subcore_parallel>], iteration_bounds = array<i64: 2, 16>, scalar_prefetch = 0 : i64, scratch_operands = 13 : i64, tpu.core_type = #tpu.core_type<sc_vector_subcore>, window_params = [{transform_indices = #map}, {transform_indices = #map1}, {transform_indices = #map1}, {transform_indices = #map}, {transform_indices = #map1}]} {
    %mul3A = arith.constant 640 : i32
    %mul3A_0 = arith.muli %arg1, %mul3A : i32
    %mul3A_1 = arith.constant 160 : i32
    %mul3A_2 = arith.muli %arg1, %mul3A_1 : i32
    "tpu.region"() ({
      %run_scoped3A_86 = tpu.sem_alloc : memref<!tpu.dma_semaphore, #tpu.memory_space<semaphore_mem>>
      %dma_start3A_87 = arith.constant 0 : i32
      %dma_start3A_88 = tpu.memref_slice %arg7[%mul3A_0, %dma_start3A_87] : memref<10240x128xf32, #tpu.memory_space<vmem_shared>> -> memref<640x128xf32, #tpu.memory_space<vmem_shared>>
      %dma_start3A_89 = arith.constant 0 : i32
      %dma_start3A_90 = tpu.memref_slice %arg5[%mul3A_0, %dma_start3A_89] : memref<10240x128xf32, #tpu.memory_space<hbm>> -> memref<640x128xf32, #tpu.memory_space<hbm>>
      tpu.enqueue_dma source(%dma_start3A_90 : memref<640x128xf32, #tpu.memory_space<hbm>>) target(%dma_start3A_88 : memref<640x128xf32, #tpu.memory_space<vmem_shared>>) target_semaphore(%run_scoped3A_86 : memref<!tpu.dma_semaphore, #tpu.memory_space<semaphore_mem>>)
      %dma_wait3A = arith.constant 0 : i32
      %dma_wait3A_91 = tpu.memref_slice %arg7[%mul3A_0, %dma_wait3A] : memref<10240x128xf32, #tpu.memory_space<vmem_shared>> -> memref<640x128xf32, #tpu.memory_space<vmem_shared>>
      %dma_wait3A_92 = arith.constant 0 : i32
      %dma_wait3A_93 = tpu.memref_slice %arg5[%mul3A_0, %dma_wait3A_92] : memref<10240x128xf32, #tpu.memory_space<hbm>> -> memref<640x128xf32, #tpu.memory_space<hbm>>
      tpu.wait_dma2 semaphore(%run_scoped3A_86 : memref<!tpu.dma_semaphore, #tpu.memory_space<semaphore_mem>>) src(%dma_wait3A_93 : memref<640x128xf32, #tpu.memory_space<hbm>>) dst(%dma_wait3A_91 : memref<640x128xf32, #tpu.memory_space<vmem_shared>>)
      tpu.yield
    }) : () -> ()
    %barrier3A = arith.constant 0 : index
    tpu.barrier barrier_id(%barrier3A)
    %add3A = arith.constant 0 : i32
    %add3A_3 = arith.addi %mul3A_2, %add3A : i32
    %run_scoped3A = arith.constant 0 : i32
    "tpu.region"() ({
      %run_scoped3A_86 = tpu.sem_alloc : memref<!tpu.dma_semaphore, #tpu.memory_space<semaphore_mem>>
      %dma_start3A_87 = arith.constant 0 : i32
      %dma_start3A_88 = tpu.memref_slice %arg8[%run_scoped3A, %dma_start3A_87] : memref<4x128xi32, #tpu.memory_space<vmem>> -> memref<1x128xi32, #tpu.memory_space<vmem>>
      %dma_start3A_89 = tpu.memref_squeeze %dma_start3A_88 : memref<1x128xi32, #tpu.memory_space<vmem>> -> memref<128xi32, #tpu.memory_space<vmem>>
      %dma_start3A_90 = arith.constant 0 : i32
      %dma_start3A_91 = tpu.memref_slice %arg3[%arg0, %add3A_3, %dma_start3A_90] : memref<2x2560x128xi32, #tpu.memory_space<hbm>> -> memref<1x1x128xi32, #tpu.memory_space<hbm>>
      %dma_start3A_92 = tpu.memref_squeeze %dma_start3A_91 : memref<1x1x128xi32, #tpu.memory_space<hbm>> -> memref<128xi32, #tpu.memory_space<hbm>>
      %dma_start3A_93 = arith.constant 0 : i32
      %dma_start3A_94 = tpu.memref_slice %arg8[%run_scoped3A, %dma_start3A_93] : memref<4x128xi32, #tpu.memory_space<vmem>> -> memref<1x128xi32, #tpu.memory_space<vmem>>
      %dma_start3A_95 = tpu.memref_squeeze %dma_start3A_94 : memref<1x128xi32, #tpu.memory_space<vmem>> -> memref<128xi32, #tpu.memory_space<vmem>>
      %dma_start3A_96 = arith.constant 0 : i32
      %dma_start3A_97 = tpu.memref_slice %arg3[%arg0, %add3A_3, %dma_start3A_96] : memref<2x2560x128xi32, #tpu.memory_space<hbm>> -> memref<1x1x128xi32, #tpu.memory_space<hbm>>
      %dma_start3A_98 = tpu.memref_squeeze %dma_start3A_97 : memref<1x1x128xi32, #tpu.memory_space<hbm>> -> memref<128xi32, #tpu.memory_space<hbm>>
      tpu.enqueue_dma source(%dma_start3A_98 : memref<128xi32, #tpu.memory_space<hbm>>) target(%dma_start3A_95 : memref<128xi32, #tpu.memory_space<vmem>>) target_semaphore(%run_scoped3A_86 : memref<!tpu.dma_semaphore, #tpu.memory_space<semaphore_mem>>)
      %dma_wait3A = arith.constant 0 : i32
      %dma_wait3A_99 = tpu.memref_slice %arg8[%run_scoped3A, %dma_wait3A] : memref<4x128xi32, #tpu.memory_space<vmem>> -> memref<1x128xi32, #tpu.memory_space<vmem>>
      %dma_wait3A_100 = tpu.memref_squeeze %dma_wait3A_99 : memref<1x128xi32, #tpu.memory_space<vmem>> -> memref<128xi32, #tpu.memory_space<vmem>>
      %dma_wait3A_101 = arith.constant 0 : i32
      %dma_wait3A_102 = tpu.memref_slice %arg3[%arg0, %add3A_3, %dma_wait3A_101] : memref<2x2560x128xi32, #tpu.memory_space<hbm>> -> memref<1x1x128xi32, #tpu.memory_space<hbm>>
      %dma_wait3A_103 = tpu.memref_squeeze %dma_wait3A_102 : memref<1x1x128xi32, #tpu.memory_space<hbm>> -> memref<128xi32, #tpu.memory_space<hbm>>
      %dma_wait3A_104 = arith.constant 0 : i32
      %dma_wait3A_105 = tpu.memref_slice %arg8[%run_scoped3A, %dma_wait3A_104] : memref<4x128xi32, #tpu.memory_space<vmem>> -> memref<1x128xi32, #tpu.memory_space<vmem>>
      %dma_wait3A_106 = tpu.memref_squeeze %dma_wait3A_105 : memref<1x128xi32, #tpu.memory_space<vmem>> -> memref<128xi32, #tpu.memory_space<vmem>>
      %dma_wait3A_107 = arith.constant 0 : i32
      %dma_wait3A_108 = tpu.memref_slice %arg3[%arg0, %add3A_3, %dma_wait3A_107] : memref<2x2560x128xi32, #tpu.memory_space<hbm>> -> memref<1x1x128xi32, #tpu.memory_space<hbm>>
      %dma_wait3A_109 = tpu.memref_squeeze %dma_wait3A_108 : memref<1x1x128xi32, #tpu.memory_space<hbm>> -> memref<128xi32, #tpu.memory_space<hbm>>
      tpu.wait_dma2 semaphore(%run_scoped3A_86 : memref<!tpu.dma_semaphore, #tpu.memory_space<semaphore_mem>>) src(%dma_wait3A_109 : memref<128xi32, #tpu.memory_space<hbm>>) dst(%dma_wait3A_106 : memref<128xi32, #tpu.memory_space<vmem>>)
      tpu.yield
    }) : () -> ()
    %add3A_4 = arith.constant 1 : i32
    %add3A_5 = arith.addi %mul3A_2, %add3A_4 : i32
    %run_scoped3A_6 = arith.constant 1 : i32
    "tpu.region"() ({
      %run_scoped3A_86 = tpu.sem_alloc : memref<!tpu.dma_semaphore, #tpu.memory_space<semaphore_mem>>
      %dma_start3A_87 = arith.constant 0 : i32
      %dma_start3A_88 = tpu.memref_slice %arg8[%run_scoped3A_6, %dma_start3A_87] : memref<4x128xi32, #tpu.memory_space<vmem>> -> memref<1x128xi32, #tpu.memory_space<vmem>>
      %dma_start3A_89 = tpu.memref_squeeze %dma_start3A_88 : memref<1x128xi32, #tpu.memory_space<vmem>> -> memref<128xi32, #tpu.memory_space<vmem>>
      %dma_start3A_90 = arith.constant 0 : i32
      %dma_start3A_91 = tpu.memref_slice %arg3[%arg0, %add3A_5, %dma_start3A_90] : memref<2x2560x128xi32, #tpu.memory_space<hbm>> -> memref<1x1x128xi32, #tpu.memory_space<hbm>>
      %dma_start3A_92 = tpu.memref_squeeze %dma_start3A_91 : memref<1x1x128xi32, #tpu.memory_space<hbm>> -> memref<128xi32, #tpu.memory_space<hbm>>
      %dma_start3A_93 = arith.constant 0 : i32
      %dma_start3A_94 = tpu.memref_slice %arg8[%run_scoped3A_6, %dma_start3A_93] : memref<4x128xi32, #tpu.memory_space<vmem>> -> memref<1x128xi32, #tpu.memory_space<vmem>>
      %dma_start3A_95 = tpu.memref_squeeze %dma_start3A_94 : memref<1x128xi32, #tpu.memory_space<vmem>> -> memref<128xi32, #tpu.memory_space<vmem>>
      %dma_start3A_96 = arith.constant 0 : i32
      %dma_start3A_97 = tpu.memref_slice %arg3[%arg0, %add3A_5, %dma_start3A_96] : memref<2x2560x128xi32, #tpu.memory_space<hbm>> -> memref<1x1x128xi32, #tpu.memory_space<hbm>>
      %dma_start3A_98 = tpu.memref_squeeze %dma_start3A_97 : memref<1x1x128xi32, #tpu.memory_space<hbm>> -> memref<128xi32, #tpu.memory_space<hbm>>
      tpu.enqueue_dma source(%dma_start3A_98 : memref<128xi32, #tpu.memory_space<hbm>>) target(%dma_start3A_95 : memref<128xi32, #tpu.memory_space<vmem>>) target_semaphore(%run_scoped3A_86 : memref<!tpu.dma_semaphore, #tpu.memory_space<semaphore_mem>>)
      %dma_wait3A = arith.constant 0 : i32
      %dma_wait3A_99 = tpu.memref_slice %arg8[%run_scoped3A_6, %dma_wait3A] : memref<4x128xi32, #tpu.memory_space<vmem>> -> memref<1x128xi32, #tpu.memory_space<vmem>>
      %dma_wait3A_100 = tpu.memref_squeeze %dma_wait3A_99 : memref<1x128xi32, #tpu.memory_space<vmem>> -> memref<128xi32, #tpu.memory_space<vmem>>
      %dma_wait3A_101 = arith.constant 0 : i32
      %dma_wait3A_102 = tpu.memref_slice %arg3[%arg0, %add3A_5, %dma_wait3A_101] : memref<2x2560x128xi32, #tpu.memory_space<hbm>> -> memref<1x1x128xi32, #tpu.memory_space<hbm>>
      %dma_wait3A_103 = tpu.memref_squeeze %dma_wait3A_102 : memref<1x1x128xi32, #tpu.memory_space<hbm>> -> memref<128xi32, #tpu.memory_space<hbm>>
      %dma_wait3A_104 = arith.constant 0 : i32
      %dma_wait3A_105 = tpu.memref_slice %arg8[%run_scoped3A_6, %dma_wait3A_104] : memref<4x128xi32, #tpu.memory_space<vmem>> -> memref<1x128xi32, #tpu.memory_space<vmem>>
      %dma_wait3A_106 = tpu.memref_squeeze %dma_wait3A_105 : memref<1x128xi32, #tpu.memory_space<vmem>> -> memref<128xi32, #tpu.memory_space<vmem>>
      %dma_wait3A_107 = arith.constant 0 : i32
      %dma_wait3A_108 = tpu.memref_slice %arg3[%arg0, %add3A_5, %dma_wait3A_107] : memref<2x2560x128xi32, #tpu.memory_space<hbm>> -> memref<1x1x128xi32, #tpu.memory_space<hbm>>
      %dma_wait3A_109 = tpu.memref_squeeze %dma_wait3A_108 : memref<1x1x128xi32, #tpu.memory_space<hbm>> -> memref<128xi32, #tpu.memory_space<hbm>>
      tpu.wait_dma2 semaphore(%run_scoped3A_86 : memref<!tpu.dma_semaphore, #tpu.memory_space<semaphore_mem>>) src(%dma_wait3A_109 : memref<128xi32, #tpu.memory_space<hbm>>) dst(%dma_wait3A_106 : memref<128xi32, #tpu.memory_space<vmem>>)
      tpu.yield
    }) : () -> ()
    %add3A_7 = arith.constant 2 : i32
    %add3A_8 = arith.addi %mul3A_2, %add3A_7 : i32
    %dma_start3A = arith.constant 2 : i32
    %dma_start3A_9 = arith.constant 0 : i32
    %dma_start3A_10 = tpu.memref_slice %arg8[%dma_start3A, %dma_start3A_9] : memref<4x128xi32, #tpu.memory_space<vmem>> -> memref<1x128xi32, #tpu.memory_space<vmem>>
    %dma_start3A_11 = tpu.memref_squeeze %dma_start3A_10 : memref<1x128xi32, #tpu.memory_space<vmem>> -> memref<128xi32, #tpu.memory_space<vmem>>
    %dma_start3A_12 = arith.constant 0 : i32
    %dma_start3A_13 = tpu.memref_slice %arg3[%arg0, %add3A_8, %dma_start3A_12] : memref<2x2560x128xi32, #tpu.memory_space<hbm>> -> memref<1x1x128xi32, #tpu.memory_space<hbm>>
    %dma_start3A_14 = tpu.memref_squeeze %dma_start3A_13 : memref<1x1x128xi32, #tpu.memory_space<hbm>> -> memref<128xi32, #tpu.memory_space<hbm>>
    %dma_start3A_15 = arith.constant 0 : i32
    %dma_start3A_16 = tpu.memref_slice %arg8[%dma_start3A, %dma_start3A_15] : memref<4x128xi32, #tpu.memory_space<vmem>> -> memref<1x128xi32, #tpu.memory_space<vmem>>
    %dma_start3A_17 = tpu.memref_squeeze %dma_start3A_16 : memref<1x128xi32, #tpu.memory_space<vmem>> -> memref<128xi32, #tpu.memory_space<vmem>>
    %dma_start3A_18 = arith.constant 0 : i32
    %dma_start3A_19 = tpu.memref_slice %arg3[%arg0, %add3A_8, %dma_start3A_18] : memref<2x2560x128xi32, #tpu.memory_space<hbm>> -> memref<1x1x128xi32, #tpu.memory_space<hbm>>
    %dma_start3A_20 = tpu.memref_squeeze %dma_start3A_19 : memref<1x1x128xi32, #tpu.memory_space<hbm>> -> memref<128xi32, #tpu.memory_space<hbm>>
    tpu.enqueue_dma source(%dma_start3A_20 : memref<128xi32, #tpu.memory_space<hbm>>) target(%dma_start3A_17 : memref<128xi32, #tpu.memory_space<vmem>>) target_semaphore(%arg18 : memref<!tpu.dma_semaphore, #tpu.memory_space<semaphore_mem>>)
    %add3A_21 = arith.constant 3 : i32
    %add3A_22 = arith.addi %mul3A_2, %add3A_21 : i32
    %dma_start3A_23 = arith.constant 3 : i32
    %dma_start3A_24 = arith.constant 0 : i32
    %dma_start3A_25 = tpu.memref_slice %arg8[%dma_start3A_23, %dma_start3A_24] : memref<4x128xi32, #tpu.memory_space<vmem>> -> memref<1x128xi32, #tpu.memory_space<vmem>>
    %dma_start3A_26 = tpu.memref_squeeze %dma_start3A_25 : memref<1x128xi32, #tpu.memory_space<vmem>> -> memref<128xi32, #tpu.memory_space<vmem>>
    %dma_start3A_27 = arith.constant 0 : i32
    %dma_start3A_28 = tpu.memref_slice %arg3[%arg0, %add3A_22, %dma_start3A_27] : memref<2x2560x128xi32, #tpu.memory_space<hbm>> -> memref<1x1x128xi32, #tpu.memory_space<hbm>>
    %dma_start3A_29 = tpu.memref_squeeze %dma_start3A_28 : memref<1x1x128xi32, #tpu.memory_space<hbm>> -> memref<128xi32, #tpu.memory_space<hbm>>
    %dma_start3A_30 = arith.constant 0 : i32
    %dma_start3A_31 = tpu.memref_slice %arg8[%dma_start3A_23, %dma_start3A_30] : memref<4x128xi32, #tpu.memory_space<vmem>> -> memref<1x128xi32, #tpu.memory_space<vmem>>
    %dma_start3A_32 = tpu.memref_squeeze %dma_start3A_31 : memref<1x128xi32, #tpu.memory_space<vmem>> -> memref<128xi32, #tpu.memory_space<vmem>>
    %dma_start3A_33 = arith.constant 0 : i32
    %dma_start3A_34 = tpu.memref_slice %arg3[%arg0, %add3A_22, %dma_start3A_33] : memref<2x2560x128xi32, #tpu.memory_space<hbm>> -> memref<1x1x128xi32, #tpu.memory_space<hbm>>
    %dma_start3A_35 = tpu.memref_squeeze %dma_start3A_34 : memref<1x1x128xi32, #tpu.memory_space<hbm>> -> memref<128xi32, #tpu.memory_space<hbm>>
    tpu.enqueue_dma source(%dma_start3A_35 : memref<128xi32, #tpu.memory_space<hbm>>) target(%dma_start3A_32 : memref<128xi32, #tpu.memory_space<vmem>>) target_semaphore(%arg19 : memref<!tpu.dma_semaphore, #tpu.memory_space<semaphore_mem>>)
    %add3A_36 = arith.constant 0 : i32
    %add3A_37 = arith.addi %mul3A_2, %add3A_36 : i32
    %dma_start3A_38 = arith.constant 0 : i32
    %dma_start3A_39 = arith.constant 0 : i32
    %dma_start3A_40 = tpu.memref_slice %arg9[%dma_start3A_38, %dma_start3A_39] : memref<2x128xi32, #tpu.memory_space<vmem>> -> memref<1x128xi32, #tpu.memory_space<vmem>>
    %dma_start3A_41 = tpu.memref_squeeze %dma_start3A_40 : memref<1x128xi32, #tpu.memory_space<vmem>> -> memref<128xi32, #tpu.memory_space<vmem>>
    %dma_start3A_42 = arith.constant 0 : i32
    %dma_start3A_43 = tpu.memref_slice %arg4[%arg0, %add3A_37, %dma_start3A_42] : memref<2x2560x128xi32, #tpu.memory_space<hbm>> -> memref<1x1x128xi32, #tpu.memory_space<hbm>>
    %dma_start3A_44 = tpu.memref_squeeze %dma_start3A_43 : memref<1x1x128xi32, #tpu.memory_space<hbm>> -> memref<128xi32, #tpu.memory_space<hbm>>
    %dma_start3A_45 = arith.constant 0 : i32
    %dma_start3A_46 = tpu.memref_slice %arg9[%dma_start3A_38, %dma_start3A_45] : memref<2x128xi32, #tpu.memory_space<vmem>> -> memref<1x128xi32, #tpu.memory_space<vmem>>
    %dma_start3A_47 = tpu.memref_squeeze %dma_start3A_46 : memref<1x128xi32, #tpu.memory_space<vmem>> -> memref<128xi32, #tpu.memory_space<vmem>>
    %dma_start3A_48 = arith.constant 0 : i32
    %dma_start3A_49 = tpu.memref_slice %arg4[%arg0, %add3A_37, %dma_start3A_48] : memref<2x2560x128xi32, #tpu.memory_space<hbm>> -> memref<1x1x128xi32, #tpu.memory_space<hbm>>
    %dma_start3A_50 = tpu.memref_squeeze %dma_start3A_49 : memref<1x1x128xi32, #tpu.memory_space<hbm>> -> memref<128xi32, #tpu.memory_space<hbm>>
    tpu.enqueue_dma source(%dma_start3A_50 : memref<128xi32, #tpu.memory_space<hbm>>) target(%dma_start3A_47 : memref<128xi32, #tpu.memory_space<vmem>>) target_semaphore(%arg14 : memref<!tpu.dma_semaphore, #tpu.memory_space<semaphore_mem>>)
    %dma_start3A_51 = arith.constant 0 : i32
    %dma_start3A_52 = arith.constant 0 : i32
    %dma_start3A_53 = tpu.memref_slice %arg8[%dma_start3A_51, %dma_start3A_52] : memref<4x128xi32, #tpu.memory_space<vmem>> -> memref<1x128xi32, #tpu.memory_space<vmem>>
    %dma_start3A_54 = tpu.memref_squeeze %dma_start3A_53 : memref<1x128xi32, #tpu.memory_space<vmem>> -> memref<128xi32, #tpu.memory_space<vmem>>
    %dma_start3A_55 = arith.constant 0 : i32
    %dma_start3A_56 = arith.constant 0 : i32
    %dma_start3A_57 = tpu.memref_slice %arg2[%dma_start3A_55, %dma_start3A_56] : memref<20480x128xf32, #tpu.memory_space<hbm>> -> memref<20480x128xf32, #tpu.memory_space<hbm>>
    tpu.enqueue_indirect_dma source(%dma_start3A_57 : memref<20480x128xf32, #tpu.memory_space<hbm>>) target(%arg10 : memref<128x128xf32, #tpu.memory_space<vmem>>) offsets(%dma_start3A_54 : memref<128xi32, #tpu.memory_space<vmem>>) semaphore(%arg12 : memref<!tpu.dma_semaphore, #tpu.memory_space<semaphore_mem>>)
    %add3A_58 = arith.constant 1 : i32
    %add3A_59 = arith.addi %mul3A_2, %add3A_58 : i32
    %dma_start3A_60 = arith.constant 1 : i32
    %dma_start3A_61 = arith.constant 0 : i32
    %dma_start3A_62 = tpu.memref_slice %arg9[%dma_start3A_60, %dma_start3A_61] : memref<2x128xi32, #tpu.memory_space<vmem>> -> memref<1x128xi32, #tpu.memory_space<vmem>>
    %dma_start3A_63 = tpu.memref_squeeze %dma_start3A_62 : memref<1x128xi32, #tpu.memory_space<vmem>> -> memref<128xi32, #tpu.memory_space<vmem>>
    %dma_start3A_64 = arith.constant 0 : i32
    %dma_start3A_65 = tpu.memref_slice %arg4[%arg0, %add3A_59, %dma_start3A_64] : memref<2x2560x128xi32, #tpu.memory_space<hbm>> -> memref<1x1x128xi32, #tpu.memory_space<hbm>>
    %dma_start3A_66 = tpu.memref_squeeze %dma_start3A_65 : memref<1x1x128xi32, #tpu.memory_space<hbm>> -> memref<128xi32, #tpu.memory_space<hbm>>
    %dma_start3A_67 = arith.constant 0 : i32
    %dma_start3A_68 = tpu.memref_slice %arg9[%dma_start3A_60, %dma_start3A_67] : memref<2x128xi32, #tpu.memory_space<vmem>> -> memref<1x128xi32, #tpu.memory_space<vmem>>
    %dma_start3A_69 = tpu.memref_squeeze %dma_start3A_68 : memref<1x128xi32, #tpu.memory_space<vmem>> -> memref<128xi32, #tpu.memory_space<vmem>>
    %dma_start3A_70 = arith.constant 0 : i32
    %dma_start3A_71 = tpu.memref_slice %arg4[%arg0, %add3A_59, %dma_start3A_70] : memref<2x2560x128xi32, #tpu.memory_space<hbm>> -> memref<1x1x128xi32, #tpu.memory_space<hbm>>
    %dma_start3A_72 = tpu.memref_squeeze %dma_start3A_71 : memref<1x1x128xi32, #tpu.memory_space<hbm>> -> memref<128xi32, #tpu.memory_space<hbm>>
    tpu.enqueue_dma source(%dma_start3A_72 : memref<128xi32, #tpu.memory_space<hbm>>) target(%dma_start3A_69 : memref<128xi32, #tpu.memory_space<vmem>>) target_semaphore(%arg15 : memref<!tpu.dma_semaphore, #tpu.memory_space<semaphore_mem>>)
    %dma_start3A_73 = arith.constant 1 : i32
    %dma_start3A_74 = arith.constant 0 : i32
    %dma_start3A_75 = tpu.memref_slice %arg8[%dma_start3A_73, %dma_start3A_74] : memref<4x128xi32, #tpu.memory_space<vmem>> -> memref<1x128xi32, #tpu.memory_space<vmem>>
    %dma_start3A_76 = tpu.memref_squeeze %dma_start3A_75 : memref<1x128xi32, #tpu.memory_space<vmem>> -> memref<128xi32, #tpu.memory_space<vmem>>
    %dma_start3A_77 = arith.constant 0 : i32
    %dma_start3A_78 = arith.constant 0 : i32
    %dma_start3A_79 = tpu.memref_slice %arg2[%dma_start3A_77, %dma_start3A_78] : memref<20480x128xf32, #tpu.memory_space<hbm>> -> memref<20480x128xf32, #tpu.memory_space<hbm>>
    tpu.enqueue_indirect_dma source(%dma_start3A_79 : memref<20480x128xf32, #tpu.memory_space<hbm>>) target(%arg11 : memref<128x128xf32, #tpu.memory_space<vmem>>) offsets(%dma_start3A_76 : memref<128xi32, #tpu.memory_space<vmem>>) semaphore(%arg13 : memref<!tpu.dma_semaphore, #tpu.memory_space<semaphore_mem>>)
    %scan3A = arith.constant 0 : i32
    %scan3A_80 = arith.constant 0 : i32
    %scan3A_81 = arith.constant 40 : i32
    %scan3A_82 = arith.addi %scan3A_80, %scan3A_81 : i32
    %scan3A_83 = arith.constant 1 : i32
    scf.for %scan3A_86 = %scan3A_80 to %scan3A_82 step %scan3A_83  : i32 {
      %mul3A_87 = arith.constant 4 : i32
      %mul3A_88 = arith.muli %scan3A_86, %mul3A_87 : i32
      %add3A_89 = arith.constant 0 : i32
      %add3A_90 = arith.addi %mul3A_88, %add3A_89 : i32
      %add3A_91 = arith.addi %mul3A_2, %add3A_90 : i32
      %dma_wait3A = arith.constant 0 : i32
      %dma_wait3A_92 = arith.constant 0 : i32
      %dma_wait3A_93 = tpu.memref_slice %arg9[%dma_wait3A, %dma_wait3A_92] : memref<2x128xi32, #tpu.memory_space<vmem>> -> memref<1x128xi32, #tpu.memory_space<vmem>>
      %dma_wait3A_94 = tpu.memref_squeeze %dma_wait3A_93 : memref<1x128xi32, #tpu.memory_space<vmem>> -> memref<128xi32, #tpu.memory_space<vmem>>
      %dma_wait3A_95 = arith.constant 0 : i32
      %dma_wait3A_96 = tpu.memref_slice %arg4[%arg0, %add3A_91, %dma_wait3A_95] : memref<2x2560x128xi32, #tpu.memory_space<hbm>> -> memref<1x1x128xi32, #tpu.memory_space<hbm>>
      %dma_wait3A_97 = tpu.memref_squeeze %dma_wait3A_96 : memref<1x1x128xi32, #tpu.memory_space<hbm>> -> memref<128xi32, #tpu.memory_space<hbm>>
      %dma_wait3A_98 = arith.constant 0 : i32
      %dma_wait3A_99 = tpu.memref_slice %arg9[%dma_wait3A, %dma_wait3A_98] : memref<2x128xi32, #tpu.memory_space<vmem>> -> memref<1x128xi32, #tpu.memory_space<vmem>>
      %dma_wait3A_100 = tpu.memref_squeeze %dma_wait3A_99 : memref<1x128xi32, #tpu.memory_space<vmem>> -> memref<128xi32, #tpu.memory_space<vmem>>
      %dma_wait3A_101 = arith.constant 0 : i32
      %dma_wait3A_102 = tpu.memref_slice %arg4[%arg0, %add3A_91, %dma_wait3A_101] : memref<2x2560x128xi32, #tpu.memory_space<hbm>> -> memref<1x1x128xi32, #tpu.memory_space<hbm>>
      %dma_wait3A_103 = tpu.memref_squeeze %dma_wait3A_102 : memref<1x1x128xi32, #tpu.memory_space<hbm>> -> memref<128xi32, #tpu.memory_space<hbm>>
      tpu.wait_dma2 semaphore(%arg14 : memref<!tpu.dma_semaphore, #tpu.memory_space<semaphore_mem>>) src(%dma_wait3A_103 : memref<128xi32, #tpu.memory_space<hbm>>) dst(%dma_wait3A_100 : memref<128xi32, #tpu.memory_space<vmem>>)
      %dma_wait3A_104 = arith.constant 0 : i32
      %dma_wait3A_105 = arith.constant 0 : i32
      %dma_wait3A_106 = tpu.memref_slice %arg8[%dma_wait3A_104, %dma_wait3A_105] : memref<4x128xi32, #tpu.memory_space<vmem>> -> memref<1x128xi32, #tpu.memory_space<vmem>>
      %dma_wait3A_107 = tpu.memref_squeeze %dma_wait3A_106 : memref<1x128xi32, #tpu.memory_space<vmem>> -> memref<128xi32, #tpu.memory_space<vmem>>
      %dma_wait3A_108 = arith.constant 0 : i32
      %dma_wait3A_109 = arith.constant 0 : i32
      %dma_wait3A_110 = tpu.memref_slice %arg2[%dma_wait3A_108, %dma_wait3A_109] : memref<20480x128xf32, #tpu.memory_space<hbm>> -> memref<20480x128xf32, #tpu.memory_space<hbm>>
      tpu.wait_indirect_dma semaphore(%arg12 : memref<!tpu.dma_semaphore, #tpu.memory_space<semaphore_mem>>) src(%dma_wait3A_110 : memref<20480x128xf32, #tpu.memory_space<hbm>>) dst(%arg10 : memref<128x128xf32, #tpu.memory_space<vmem>>)
      %run_scoped3A_111 = arith.constant 0 : i32
      "tpu.region"() ({
        %run_scoped3A_237 = tpu.sem_alloc : memref<!tpu.dma_semaphore, #tpu.memory_space<semaphore_mem>>
        %dma_start3A_238 = arith.constant 0 : i32
        %dma_start3A_239 = tpu.memref_slice %arg9[%run_scoped3A_111, %dma_start3A_238] : memref<2x128xi32, #tpu.memory_space<vmem>> -> memref<1x128xi32, #tpu.memory_space<vmem>>
        %dma_start3A_240 = tpu.memref_squeeze %dma_start3A_239 : memref<1x128xi32, #tpu.memory_space<vmem>> -> memref<128xi32, #tpu.memory_space<vmem>>
        %dma_start3A_241 = arith.constant 0 : i32
        %dma_start3A_242 = arith.constant 0 : i32
        %dma_start3A_243 = tpu.memref_slice %arg7[%dma_start3A_241, %dma_start3A_242] : memref<10240x128xf32, #tpu.memory_space<vmem_shared>> -> memref<10240x128xf32, #tpu.memory_space<vmem_shared>>
        tpu.enqueue_indirect_dma source(%arg10 : memref<128x128xf32, #tpu.memory_space<vmem>>) target(%dma_start3A_243 : memref<10240x128xf32, #tpu.memory_space<vmem_shared>>) offsets(%dma_start3A_240 : memref<128xi32, #tpu.memory_space<vmem>>) semaphore(%run_scoped3A_237 : memref<!tpu.dma_semaphore, #tpu.memory_space<semaphore_mem>>) {add = true}
        %dma_wait3A_244 = arith.constant 0 : i32
        %dma_wait3A_245 = tpu.memref_slice %arg9[%run_scoped3A_111, %dma_wait3A_244] : memref<2x128xi32, #tpu.memory_space<vmem>> -> memref<1x128xi32, #tpu.memory_space<vmem>>
        %dma_wait3A_246 = tpu.memref_squeeze %dma_wait3A_245 : memref<1x128xi32, #tpu.memory_space<vmem>> -> memref<128xi32, #tpu.memory_space<vmem>>
        %dma_wait3A_247 = arith.constant 0 : i32
        %dma_wait3A_248 = arith.constant 0 : i32
        %dma_wait3A_249 = tpu.memref_slice %arg7[%dma_wait3A_247, %dma_wait3A_248] : memref<10240x128xf32, #tpu.memory_space<vmem_shared>> -> memref<10240x128xf32, #tpu.memory_space<vmem_shared>>
        tpu.wait_indirect_dma semaphore(%run_scoped3A_237 : memref<!tpu.dma_semaphore, #tpu.memory_space<semaphore_mem>>) src(%arg10 : memref<128x128xf32, #tpu.memory_space<vmem>>) dst(%dma_wait3A_249 : memref<10240x128xf32, #tpu.memory_space<vmem_shared>>)
        tpu.yield
      }) : () -> ()
      %add3A_112 = arith.constant 2 : i32
      %add3A_113 = arith.addi %add3A_90, %add3A_112 : i32
      %lt3A = arith.constant 160 : i32
      %lt3A_114 = arith.cmpi slt, %add3A_113, %lt3A : i32
      %convert_element_type3A = arith.extui %lt3A_114 : i1 to i32
      %cond3A = arith.constant 0 : i32
      %cond3A_115 = arith.cmpi ne, %convert_element_type3A, %cond3A : i32
      scf.if %cond3A_115 {
        %add3A_237 = arith.constant 2 : i32
        %add3A_238 = arith.addi %add3A_90, %add3A_237 : i32
        %add3A_239 = arith.addi %mul3A_2, %add3A_238 : i32
        %dma_wait3A_240 = arith.constant 2 : i32
        %dma_wait3A_241 = arith.constant 0 : i32
        %dma_wait3A_242 = tpu.memref_slice %arg8[%dma_wait3A_240, %dma_wait3A_241] : memref<4x128xi32, #tpu.memory_space<vmem>> -> memref<1x128xi32, #tpu.memory_space<vmem>>
        %dma_wait3A_243 = tpu.memref_squeeze %dma_wait3A_242 : memref<1x128xi32, #tpu.memory_space<vmem>> -> memref<128xi32, #tpu.memory_space<vmem>>
        %dma_wait3A_244 = arith.constant 0 : i32
        %dma_wait3A_245 = tpu.memref_slice %arg3[%arg0, %add3A_239, %dma_wait3A_244] : memref<2x2560x128xi32, #tpu.memory_space<hbm>> -> memref<1x1x128xi32, #tpu.memory_space<hbm>>
        %dma_wait3A_246 = tpu.memref_squeeze %dma_wait3A_245 : memref<1x1x128xi32, #tpu.memory_space<hbm>> -> memref<128xi32, #tpu.memory_space<hbm>>
        %dma_wait3A_247 = arith.constant 0 : i32
        %dma_wait3A_248 = tpu.memref_slice %arg8[%dma_wait3A_240, %dma_wait3A_247] : memref<4x128xi32, #tpu.memory_space<vmem>> -> memref<1x128xi32, #tpu.memory_space<vmem>>
        %dma_wait3A_249 = tpu.memref_squeeze %dma_wait3A_248 : memref<1x128xi32, #tpu.memory_space<vmem>> -> memref<128xi32, #tpu.memory_space<vmem>>
        %dma_wait3A_250 = arith.constant 0 : i32
        %dma_wait3A_251 = tpu.memref_slice %arg3[%arg0, %add3A_239, %dma_wait3A_250] : memref<2x2560x128xi32, #tpu.memory_space<hbm>> -> memref<1x1x128xi32, #tpu.memory_space<hbm>>
        %dma_wait3A_252 = tpu.memref_squeeze %dma_wait3A_251 : memref<1x1x128xi32, #tpu.memory_space<hbm>> -> memref<128xi32, #tpu.memory_space<hbm>>
        tpu.wait_dma2 semaphore(%arg18 : memref<!tpu.dma_semaphore, #tpu.memory_space<semaphore_mem>>) src(%dma_wait3A_252 : memref<128xi32, #tpu.memory_space<hbm>>) dst(%dma_wait3A_249 : memref<128xi32, #tpu.memory_space<vmem>>)
        %dma_start3A_253 = arith.constant 2 : i32
        %dma_start3A_254 = arith.constant 0 : i32
        %dma_start3A_255 = tpu.memref_slice %arg8[%dma_start3A_253, %dma_start3A_254] : memref<4x128xi32, #tpu.memory_space<vmem>> -> memref<1x128xi32, #tpu.memory_space<vmem>>
        %dma_start3A_256 = tpu.memref_squeeze %dma_start3A_255 : memref<1x128xi32, #tpu.memory_space<vmem>> -> memref<128xi32, #tpu.memory_space<vmem>>
        %dma_start3A_257 = arith.constant 0 : i32
        %dma_start3A_258 = arith.constant 0 : i32
        %dma_start3A_259 = tpu.memref_slice %arg2[%dma_start3A_257, %dma_start3A_258] : memref<20480x128xf32, #tpu.memory_space<hbm>> -> memref<20480x128xf32, #tpu.memory_space<hbm>>
        tpu.enqueue_indirect_dma source(%dma_start3A_259 : memref<20480x128xf32, #tpu.memory_space<hbm>>) target(%arg10 : memref<128x128xf32, #tpu.memory_space<vmem>>) offsets(%dma_start3A_256 : memref<128xi32, #tpu.memory_space<vmem>>) semaphore(%arg12 : memref<!tpu.dma_semaphore, #tpu.memory_space<semaphore_mem>>)
        %add3A_260 = arith.addi %mul3A_2, %add3A_238 : i32
        %dma_start3A_261 = arith.constant 0 : i32
        %dma_start3A_262 = arith.constant 0 : i32
        %dma_start3A_263 = tpu.memref_slice %arg9[%dma_start3A_261, %dma_start3A_262] : memref<2x128xi32, #tpu.memory_space<vmem>> -> memref<1x128xi32, #tpu.memory_space<vmem>>
        %dma_start3A_264 = tpu.memref_squeeze %dma_start3A_263 : memref<1x128xi32, #tpu.memory_space<vmem>> -> memref<128xi32, #tpu.memory_space<vmem>>
        %dma_start3A_265 = arith.constant 0 : i32
        %dma_start3A_266 = tpu.memref_slice %arg4[%arg0, %add3A_260, %dma_start3A_265] : memref<2x2560x128xi32, #tpu.memory_space<hbm>> -> memref<1x1x128xi32, #tpu.memory_space<hbm>>
        %dma_start3A_267 = tpu.memref_squeeze %dma_start3A_266 : memref<1x1x128xi32, #tpu.memory_space<hbm>> -> memref<128xi32, #tpu.memory_space<hbm>>
        %dma_start3A_268 = arith.constant 0 : i32
        %dma_start3A_269 = tpu.memref_slice %arg9[%dma_start3A_261, %dma_start3A_268] : memref<2x128xi32, #tpu.memory_space<vmem>> -> memref<1x128xi32, #tpu.memory_space<vmem>>
        %dma_start3A_270 = tpu.memref_squeeze %dma_start3A_269 : memref<1x128xi32, #tpu.memory_space<vmem>> -> memref<128xi32, #tpu.memory_space<vmem>>
        %dma_start3A_271 = arith.constant 0 : i32
        %dma_start3A_272 = tpu.memref_slice %arg4[%arg0, %add3A_260, %dma_start3A_271] : memref<2x2560x128xi32, #tpu.memory_space<hbm>> -> memref<1x1x128xi32, #tpu.memory_space<hbm>>
        %dma_start3A_273 = tpu.memref_squeeze %dma_start3A_272 : memref<1x1x128xi32, #tpu.memory_space<hbm>> -> memref<128xi32, #tpu.memory_space<hbm>>
        tpu.enqueue_dma source(%dma_start3A_273 : memref<128xi32, #tpu.memory_space<hbm>>) target(%dma_start3A_270 : memref<128xi32, #tpu.memory_space<vmem>>) target_semaphore(%arg14 : memref<!tpu.dma_semaphore, #tpu.memory_space<semaphore_mem>>)
      } else {
      }
      %add3A_116 = arith.constant 4 : i32
      %add3A_117 = arith.addi %add3A_90, %add3A_116 : i32
      %lt3A_118 = arith.constant 160 : i32
      %lt3A_119 = arith.cmpi slt, %add3A_117, %lt3A_118 : i32
      %convert_element_type3A_120 = arith.extui %lt3A_119 : i1 to i32
      %cond3A_121 = arith.constant 0 : i32
      %cond3A_122 = arith.cmpi ne, %convert_element_type3A_120, %cond3A_121 : i32
      scf.if %cond3A_122 {
        %add3A_237 = arith.addi %mul3A_2, %add3A_90 : i32
        %add3A_238 = arith.constant 4 : i32
        %add3A_239 = arith.addi %add3A_237, %add3A_238 : i32
        %dma_start3A_240 = arith.constant 0 : i32
        %dma_start3A_241 = arith.constant 0 : i32
        %dma_start3A_242 = tpu.memref_slice %arg8[%dma_start3A_240, %dma_start3A_241] : memref<4x128xi32, #tpu.memory_space<vmem>> -> memref<1x128xi32, #tpu.memory_space<vmem>>
        %dma_start3A_243 = tpu.memref_squeeze %dma_start3A_242 : memref<1x128xi32, #tpu.memory_space<vmem>> -> memref<128xi32, #tpu.memory_space<vmem>>
        %dma_start3A_244 = arith.constant 0 : i32
        %dma_start3A_245 = tpu.memref_slice %arg3[%arg0, %add3A_239, %dma_start3A_244] : memref<2x2560x128xi32, #tpu.memory_space<hbm>> -> memref<1x1x128xi32, #tpu.memory_space<hbm>>
        %dma_start3A_246 = tpu.memref_squeeze %dma_start3A_245 : memref<1x1x128xi32, #tpu.memory_space<hbm>> -> memref<128xi32, #tpu.memory_space<hbm>>
        %dma_start3A_247 = arith.constant 0 : i32
        %dma_start3A_248 = tpu.memref_slice %arg8[%dma_start3A_240, %dma_start3A_247] : memref<4x128xi32, #tpu.memory_space<vmem>> -> memref<1x128xi32, #tpu.memory_space<vmem>>
        %dma_start3A_249 = tpu.memref_squeeze %dma_start3A_248 : memref<1x128xi32, #tpu.memory_space<vmem>> -> memref<128xi32, #tpu.memory_space<vmem>>
        %dma_start3A_250 = arith.constant 0 : i32
        %dma_start3A_251 = tpu.memref_slice %arg3[%arg0, %add3A_239, %dma_start3A_250] : memref<2x2560x128xi32, #tpu.memory_space<hbm>> -> memref<1x1x128xi32, #tpu.memory_space<hbm>>
        %dma_start3A_252 = tpu.memref_squeeze %dma_start3A_251 : memref<1x1x128xi32, #tpu.memory_space<hbm>> -> memref<128xi32, #tpu.memory_space<hbm>>
        tpu.enqueue_dma source(%dma_start3A_252 : memref<128xi32, #tpu.memory_space<hbm>>) target(%dma_start3A_249 : memref<128xi32, #tpu.memory_space<vmem>>) target_semaphore(%arg16 : memref<!tpu.dma_semaphore, #tpu.memory_space<semaphore_mem>>)
      } else {
      }
      %add3A_123 = arith.constant 1 : i32
      %add3A_124 = arith.addi %mul3A_88, %add3A_123 : i32
      %add3A_125 = arith.addi %mul3A_2, %add3A_124 : i32
      %dma_wait3A_126 = arith.constant 1 : i32
      %dma_wait3A_127 = arith.constant 0 : i32
      %dma_wait3A_128 = tpu.memref_slice %arg9[%dma_wait3A_126, %dma_wait3A_127] : memref<2x128xi32, #tpu.memory_space<vmem>> -> memref<1x128xi32, #tpu.memory_space<vmem>>
      %dma_wait3A_129 = tpu.memref_squeeze %dma_wait3A_128 : memref<1x128xi32, #tpu.memory_space<vmem>> -> memref<128xi32, #tpu.memory_space<vmem>>
      %dma_wait3A_130 = arith.constant 0 : i32
      %dma_wait3A_131 = tpu.memref_slice %arg4[%arg0, %add3A_125, %dma_wait3A_130] : memref<2x2560x128xi32, #tpu.memory_space<hbm>> -> memref<1x1x128xi32, #tpu.memory_space<hbm>>
      %dma_wait3A_132 = tpu.memref_squeeze %dma_wait3A_131 : memref<1x1x128xi32, #tpu.memory_space<hbm>> -> memref<128xi32, #tpu.memory_space<hbm>>
      %dma_wait3A_133 = arith.constant 0 : i32
      %dma_wait3A_134 = tpu.memref_slice %arg9[%dma_wait3A_126, %dma_wait3A_133] : memref<2x128xi32, #tpu.memory_space<vmem>> -> memref<1x128xi32, #tpu.memory_space<vmem>>
      %dma_wait3A_135 = tpu.memref_squeeze %dma_wait3A_134 : memref<1x128xi32, #tpu.memory_space<vmem>> -> memref<128xi32, #tpu.memory_space<vmem>>
      %dma_wait3A_136 = arith.constant 0 : i32
      %dma_wait3A_137 = tpu.memref_slice %arg4[%arg0, %add3A_125, %dma_wait3A_136] : memref<2x2560x128xi32, #tpu.memory_space<hbm>> -> memref<1x1x128xi32, #tpu.memory_space<hbm>>
      %dma_wait3A_138 = tpu.memref_squeeze %dma_wait3A_137 : memref<1x1x128xi32, #tpu.memory_space<hbm>> -> memref<128xi32, #tpu.memory_space<hbm>>
      tpu.wait_dma2 semaphore(%arg15 : memref<!tpu.dma_semaphore, #tpu.memory_space<semaphore_mem>>) src(%dma_wait3A_138 : memref<128xi32, #tpu.memory_space<hbm>>) dst(%dma_wait3A_135 : memref<128xi32, #tpu.memory_space<vmem>>)
      %dma_wait3A_139 = arith.constant 1 : i32
      %dma_wait3A_140 = arith.constant 0 : i32
      %dma_wait3A_141 = tpu.memref_slice %arg8[%dma_wait3A_139, %dma_wait3A_140] : memref<4x128xi32, #tpu.memory_space<vmem>> -> memref<1x128xi32, #tpu.memory_space<vmem>>
      %dma_wait3A_142 = tpu.memref_squeeze %dma_wait3A_141 : memref<1x128xi32, #tpu.memory_space<vmem>> -> memref<128xi32, #tpu.memory_space<vmem>>
      %dma_wait3A_143 = arith.constant 0 : i32
      %dma_wait3A_144 = arith.constant 0 : i32
      %dma_wait3A_145 = tpu.memref_slice %arg2[%dma_wait3A_143, %dma_wait3A_144] : memref<20480x128xf32, #tpu.memory_space<hbm>> -> memref<20480x128xf32, #tpu.memory_space<hbm>>
      tpu.wait_indirect_dma semaphore(%arg13 : memref<!tpu.dma_semaphore, #tpu.memory_space<semaphore_mem>>) src(%dma_wait3A_145 : memref<20480x128xf32, #tpu.memory_space<hbm>>) dst(%arg11 : memref<128x128xf32, #tpu.memory_space<vmem>>)
      %run_scoped3A_146 = arith.constant 1 : i32
      "tpu.region"() ({
        %run_scoped3A_237 = tpu.sem_alloc : memref<!tpu.dma_semaphore, #tpu.memory_space<semaphore_mem>>
        %dma_start3A_238 = arith.constant 0 : i32
        %dma_start3A_239 = tpu.memref_slice %arg9[%run_scoped3A_146, %dma_start3A_238] : memref<2x128xi32, #tpu.memory_space<vmem>> -> memref<1x128xi32, #tpu.memory_space<vmem>>
        %dma_start3A_240 = tpu.memref_squeeze %dma_start3A_239 : memref<1x128xi32, #tpu.memory_space<vmem>> -> memref<128xi32, #tpu.memory_space<vmem>>
        %dma_start3A_241 = arith.constant 0 : i32
        %dma_start3A_242 = arith.constant 0 : i32
        %dma_start3A_243 = tpu.memref_slice %arg7[%dma_start3A_241, %dma_start3A_242] : memref<10240x128xf32, #tpu.memory_space<vmem_shared>> -> memref<10240x128xf32, #tpu.memory_space<vmem_shared>>
        tpu.enqueue_indirect_dma source(%arg11 : memref<128x128xf32, #tpu.memory_space<vmem>>) target(%dma_start3A_243 : memref<10240x128xf32, #tpu.memory_space<vmem_shared>>) offsets(%dma_start3A_240 : memref<128xi32, #tpu.memory_space<vmem>>) semaphore(%run_scoped3A_237 : memref<!tpu.dma_semaphore, #tpu.memory_space<semaphore_mem>>) {add = true}
        %dma_wait3A_244 = arith.constant 0 : i32
        %dma_wait3A_245 = tpu.memref_slice %arg9[%run_scoped3A_146, %dma_wait3A_244] : memref<2x128xi32, #tpu.memory_space<vmem>> -> memref<1x128xi32, #tpu.memory_space<vmem>>
        %dma_wait3A_246 = tpu.memref_squeeze %dma_wait3A_245 : memref<1x128xi32, #tpu.memory_space<vmem>> -> memref<128xi32, #tpu.memory_space<vmem>>
        %dma_wait3A_247 = arith.constant 0 : i32
        %dma_wait3A_248 = arith.constant 0 : i32
        %dma_wait3A_249 = tpu.memref_slice %arg7[%dma_wait3A_247, %dma_wait3A_248] : memref<10240x128xf32, #tpu.memory_space<vmem_shared>> -> memref<10240x128xf32, #tpu.memory_space<vmem_shared>>
        tpu.wait_indirect_dma semaphore(%run_scoped3A_237 : memref<!tpu.dma_semaphore, #tpu.memory_space<semaphore_mem>>) src(%arg11 : memref<128x128xf32, #tpu.memory_space<vmem>>) dst(%dma_wait3A_249 : memref<10240x128xf32, #tpu.memory_space<vmem_shared>>)
        tpu.yield
      }) : () -> ()
      %add3A_147 = arith.constant 2 : i32
      %add3A_148 = arith.addi %add3A_124, %add3A_147 : i32
      %lt3A_149 = arith.constant 160 : i32
      %lt3A_150 = arith.cmpi slt, %add3A_148, %lt3A_149 : i32
      %convert_element_type3A_151 = arith.extui %lt3A_150 : i1 to i32
      %cond3A_152 = arith.constant 0 : i32
      %cond3A_153 = arith.cmpi ne, %convert_element_type3A_151, %cond3A_152 : i32
      scf.if %cond3A_153 {
        %add3A_237 = arith.constant 2 : i32
        %add3A_238 = arith.addi %add3A_124, %add3A_237 : i32
        %add3A_239 = arith.addi %mul3A_2, %add3A_238 : i32
        %dma_wait3A_240 = arith.constant 3 : i32
        %dma_wait3A_241 = arith.constant 0 : i32
        %dma_wait3A_242 = tpu.memref_slice %arg8[%dma_wait3A_240, %dma_wait3A_241] : memref<4x128xi32, #tpu.memory_space<vmem>> -> memref<1x128xi32, #tpu.memory_space<vmem>>
        %dma_wait3A_243 = tpu.memref_squeeze %dma_wait3A_242 : memref<1x128xi32, #tpu.memory_space<vmem>> -> memref<128xi32, #tpu.memory_space<vmem>>
        %dma_wait3A_244 = arith.constant 0 : i32
        %dma_wait3A_245 = tpu.memref_slice %arg3[%arg0, %add3A_239, %dma_wait3A_244] : memref<2x2560x128xi32, #tpu.memory_space<hbm>> -> memref<1x1x128xi32, #tpu.memory_space<hbm>>
        %dma_wait3A_246 = tpu.memref_squeeze %dma_wait3A_245 : memref<1x1x128xi32, #tpu.memory_space<hbm>> -> memref<128xi32, #tpu.memory_space<hbm>>
        %dma_wait3A_247 = arith.constant 0 : i32
        %dma_wait3A_248 = tpu.memref_slice %arg8[%dma_wait3A_240, %dma_wait3A_247] : memref<4x128xi32, #tpu.memory_space<vmem>> -> memref<1x128xi32, #tpu.memory_space<vmem>>
        %dma_wait3A_249 = tpu.memref_squeeze %dma_wait3A_248 : memref<1x128xi32, #tpu.memory_space<vmem>> -> memref<128xi32, #tpu.memory_space<vmem>>
        %dma_wait3A_250 = arith.constant 0 : i32
        %dma_wait3A_251 = tpu.memref_slice %arg3[%arg0, %add3A_239, %dma_wait3A_250] : memref<2x2560x128xi32, #tpu.memory_space<hbm>> -> memref<1x1x128xi32, #tpu.memory_space<hbm>>
        %dma_wait3A_252 = tpu.memref_squeeze %dma_wait3A_251 : memref<1x1x128xi32, #tpu.memory_space<hbm>> -> memref<128xi32, #tpu.memory_space<hbm>>
        tpu.wait_dma2 semaphore(%arg19 : memref<!tpu.dma_semaphore, #tpu.memory_space<semaphore_mem>>) src(%dma_wait3A_252 : memref<128xi32, #tpu.memory_space<hbm>>) dst(%dma_wait3A_249 : memref<128xi32, #tpu.memory_space<vmem>>)
        %dma_start3A_253 = arith.constant 3 : i32
        %dma_start3A_254 = arith.constant 0 : i32
        %dma_start3A_255 = tpu.memref_slice %arg8[%dma_start3A_253, %dma_start3A_254] : memref<4x128xi32, #tpu.memory_space<vmem>> -> memref<1x128xi32, #tpu.memory_space<vmem>>
        %dma_start3A_256 = tpu.memref_squeeze %dma_start3A_255 : memref<1x128xi32, #tpu.memory_space<vmem>> -> memref<128xi32, #tpu.memory_space<vmem>>
        %dma_start3A_257 = arith.constant 0 : i32
        %dma_start3A_258 = arith.constant 0 : i32
        %dma_start3A_259 = tpu.memref_slice %arg2[%dma_start3A_257, %dma_start3A_258] : memref<20480x128xf32, #tpu.memory_space<hbm>> -> memref<20480x128xf32, #tpu.memory_space<hbm>>
        tpu.enqueue_indirect_dma source(%dma_start3A_259 : memref<20480x128xf32, #tpu.memory_space<hbm>>) target(%arg11 : memref<128x128xf32, #tpu.memory_space<vmem>>) offsets(%dma_start3A_256 : memref<128xi32, #tpu.memory_space<vmem>>) semaphore(%arg13 : memref<!tpu.dma_semaphore, #tpu.memory_space<semaphore_mem>>)
        %add3A_260 = arith.addi %mul3A_2, %add3A_238 : i32
        %dma_start3A_261 = arith.constant 1 : i32
        %dma_start3A_262 = arith.constant 0 : i32
        %dma_start3A_263 = tpu.memref_slice %arg9[%dma_start3A_261, %dma_start3A_262] : memref<2x128xi32, #tpu.memory_space<vmem>> -> memref<1x128xi32, #tpu.memory_space<vmem>>
        %dma_start3A_264 = tpu.memref_squeeze %dma_start3A_263 : memref<1x128xi32, #tpu.memory_space<vmem>> -> memref<128xi32, #tpu.memory_space<vmem>>
        %dma_start3A_265 = arith.constant 0 : i32
        %dma_start3A_266 = tpu.memref_slice %arg4[%arg0, %add3A_260, %dma_start3A_265] : memref<2x2560x128xi32, #tpu.memory_space<hbm>> -> memref<1x1x128xi32, #tpu.memory_space<hbm>>
        %dma_start3A_267 = tpu.memref_squeeze %dma_start3A_266 : memref<1x1x128xi32, #tpu.memory_space<hbm>> -> memref<128xi32, #tpu.memory_space<hbm>>
        %dma_start3A_268 = arith.constant 0 : i32
        %dma_start3A_269 = tpu.memref_slice %arg9[%dma_start3A_261, %dma_start3A_268] : memref<2x128xi32, #tpu.memory_space<vmem>> -> memref<1x128xi32, #tpu.memory_space<vmem>>
        %dma_start3A_270 = tpu.memref_squeeze %dma_start3A_269 : memref<1x128xi32, #tpu.memory_space<vmem>> -> memref<128xi32, #tpu.memory_space<vmem>>
        %dma_start3A_271 = arith.constant 0 : i32
        %dma_start3A_272 = tpu.memref_slice %arg4[%arg0, %add3A_260, %dma_start3A_271] : memref<2x2560x128xi32, #tpu.memory_space<hbm>> -> memref<1x1x128xi32, #tpu.memory_space<hbm>>
        %dma_start3A_273 = tpu.memref_squeeze %dma_start3A_272 : memref<1x1x128xi32, #tpu.memory_space<hbm>> -> memref<128xi32, #tpu.memory_space<hbm>>
        tpu.enqueue_dma source(%dma_start3A_273 : memref<128xi32, #tpu.memory_space<hbm>>) target(%dma_start3A_270 : memref<128xi32, #tpu.memory_space<vmem>>) target_semaphore(%arg15 : memref<!tpu.dma_semaphore, #tpu.memory_space<semaphore_mem>>)
      } else {
      }
      %add3A_154 = arith.constant 4 : i32
      %add3A_155 = arith.addi %add3A_124, %add3A_154 : i32
      %lt3A_156 = arith.constant 160 : i32
      %lt3A_157 = arith.cmpi slt, %add3A_155, %lt3A_156 : i32
      %convert_element_type3A_158 = arith.extui %lt3A_157 : i1 to i32
      %cond3A_159 = arith.constant 0 : i32
      %cond3A_160 = arith.cmpi ne, %convert_element_type3A_158, %cond3A_159 : i32
      scf.if %cond3A_160 {
        %add3A_237 = arith.addi %mul3A_2, %add3A_124 : i32
        %add3A_238 = arith.constant 4 : i32
        %add3A_239 = arith.addi %add3A_237, %add3A_238 : i32
        %dma_start3A_240 = arith.constant 1 : i32
        %dma_start3A_241 = arith.constant 0 : i32
        %dma_start3A_242 = tpu.memref_slice %arg8[%dma_start3A_240, %dma_start3A_241] : memref<4x128xi32, #tpu.memory_space<vmem>> -> memref<1x128xi32, #tpu.memory_space<vmem>>
        %dma_start3A_243 = tpu.memref_squeeze %dma_start3A_242 : memref<1x128xi32, #tpu.memory_space<vmem>> -> memref<128xi32, #tpu.memory_space<vmem>>
        %dma_start3A_244 = arith.constant 0 : i32
        %dma_start3A_245 = tpu.memref_slice %arg3[%arg0, %add3A_239, %dma_start3A_244] : memref<2x2560x128xi32, #tpu.memory_space<hbm>> -> memref<1x1x128xi32, #tpu.memory_space<hbm>>
        %dma_start3A_246 = tpu.memref_squeeze %dma_start3A_245 : memref<1x1x128xi32, #tpu.memory_space<hbm>> -> memref<128xi32, #tpu.memory_space<hbm>>
        %dma_start3A_247 = arith.constant 0 : i32
        %dma_start3A_248 = tpu.memref_slice %arg8[%dma_start3A_240, %dma_start3A_247] : memref<4x128xi32, #tpu.memory_space<vmem>> -> memref<1x128xi32, #tpu.memory_space<vmem>>
        %dma_start3A_249 = tpu.memref_squeeze %dma_start3A_248 : memref<1x128xi32, #tpu.memory_space<vmem>> -> memref<128xi32, #tpu.memory_space<vmem>>
        %dma_start3A_250 = arith.constant 0 : i32
        %dma_start3A_251 = tpu.memref_slice %arg3[%arg0, %add3A_239, %dma_start3A_250] : memref<2x2560x128xi32, #tpu.memory_space<hbm>> -> memref<1x1x128xi32, #tpu.memory_space<hbm>>
        %dma_start3A_252 = tpu.memref_squeeze %dma_start3A_251 : memref<1x1x128xi32, #tpu.memory_space<hbm>> -> memref<128xi32, #tpu.memory_space<hbm>>
        tpu.enqueue_dma source(%dma_start3A_252 : memref<128xi32, #tpu.memory_space<hbm>>) target(%dma_start3A_249 : memref<128xi32, #tpu.memory_space<vmem>>) target_semaphore(%arg17 : memref<!tpu.dma_semaphore, #tpu.memory_space<semaphore_mem>>)
      } else {
      }
      %add3A_161 = arith.constant 2 : i32
      %add3A_162 = arith.addi %mul3A_88, %add3A_161 : i32
      %add3A_163 = arith.addi %mul3A_2, %add3A_162 : i32
      %dma_wait3A_164 = arith.constant 0 : i32
      %dma_wait3A_165 = arith.constant 0 : i32
      %dma_wait3A_166 = tpu.memref_slice %arg9[%dma_wait3A_164, %dma_wait3A_165] : memref<2x128xi32, #tpu.memory_space<vmem>> -> memref<1x128xi32, #tpu.memory_space<vmem>>
      %dma_wait3A_167 = tpu.memref_squeeze %dma_wait3A_166 : memref<1x128xi32, #tpu.memory_space<vmem>> -> memref<128xi32, #tpu.memory_space<vmem>>
      %dma_wait3A_168 = arith.constant 0 : i32
      %dma_wait3A_169 = tpu.memref_slice %arg4[%arg0, %add3A_163, %dma_wait3A_168] : memref<2x2560x128xi32, #tpu.memory_space<hbm>> -> memref<1x1x128xi32, #tpu.memory_space<hbm>>
      %dma_wait3A_170 = tpu.memref_squeeze %dma_wait3A_169 : memref<1x1x128xi32, #tpu.memory_space<hbm>> -> memref<128xi32, #tpu.memory_space<hbm>>
      %dma_wait3A_171 = arith.constant 0 : i32
      %dma_wait3A_172 = tpu.memref_slice %arg9[%dma_wait3A_164, %dma_wait3A_171] : memref<2x128xi32, #tpu.memory_space<vmem>> -> memref<1x128xi32, #tpu.memory_space<vmem>>
      %dma_wait3A_173 = tpu.memref_squeeze %dma_wait3A_172 : memref<1x128xi32, #tpu.memory_space<vmem>> -> memref<128xi32, #tpu.memory_space<vmem>>
      %dma_wait3A_174 = arith.constant 0 : i32
      %dma_wait3A_175 = tpu.memref_slice %arg4[%arg0, %add3A_163, %dma_wait3A_174] : memref<2x2560x128xi32, #tpu.memory_space<hbm>> -> memref<1x1x128xi32, #tpu.memory_space<hbm>>
      %dma_wait3A_176 = tpu.memref_squeeze %dma_wait3A_175 : memref<1x1x128xi32, #tpu.memory_space<hbm>> -> memref<128xi32, #tpu.memory_space<hbm>>
      tpu.wait_dma2 semaphore(%arg14 : memref<!tpu.dma_semaphore, #tpu.memory_space<semaphore_mem>>) src(%dma_wait3A_176 : memref<128xi32, #tpu.memory_space<hbm>>) dst(%dma_wait3A_173 : memref<128xi32, #tpu.memory_space<vmem>>)
      %dma_wait3A_177 = arith.constant 2 : i32
      %dma_wait3A_178 = arith.constant 0 : i32
      %dma_wait3A_179 = tpu.memref_slice %arg8[%dma_wait3A_177, %dma_wait3A_178] : memref<4x128xi32, #tpu.memory_space<vmem>> -> memref<1x128xi32, #tpu.memory_space<vmem>>
      %dma_wait3A_180 = tpu.memref_squeeze %dma_wait3A_179 : memref<1x128xi32, #tpu.memory_space<vmem>> -> memref<128xi32, #tpu.memory_space<vmem>>
      %dma_wait3A_181 = arith.constant 0 : i32
      %dma_wait3A_182 = arith.constant 0 : i32
      %dma_wait3A_183 = tpu.memref_slice %arg2[%dma_wait3A_181, %dma_wait3A_182] : memref<20480x128xf32, #tpu.memory_space<hbm>> -> memref<20480x128xf32, #tpu.memory_space<hbm>>
      tpu.wait_indirect_dma semaphore(%arg12 : memref<!tpu.dma_semaphore, #tpu.memory_space<semaphore_mem>>) src(%dma_wait3A_183 : memref<20480x128xf32, #tpu.memory_space<hbm>>) dst(%arg10 : memref<128x128xf32, #tpu.memory_space<vmem>>)
      %run_scoped3A_184 = arith.constant 0 : i32
      "tpu.region"() ({
        %run_scoped3A_237 = tpu.sem_alloc : memref<!tpu.dma_semaphore, #tpu.memory_space<semaphore_mem>>
        %dma_start3A_238 = arith.constant 0 : i32
        %dma_start3A_239 = tpu.memref_slice %arg9[%run_scoped3A_184, %dma_start3A_238] : memref<2x128xi32, #tpu.memory_space<vmem>> -> memref<1x128xi32, #tpu.memory_space<vmem>>
        %dma_start3A_240 = tpu.memref_squeeze %dma_start3A_239 : memref<1x128xi32, #tpu.memory_space<vmem>> -> memref<128xi32, #tpu.memory_space<vmem>>
        %dma_start3A_241 = arith.constant 0 : i32
        %dma_start3A_242 = arith.constant 0 : i32
        %dma_start3A_243 = tpu.memref_slice %arg7[%dma_start3A_241, %dma_start3A_242] : memref<10240x128xf32, #tpu.memory_space<vmem_shared>> -> memref<10240x128xf32, #tpu.memory_space<vmem_shared>>
        tpu.enqueue_indirect_dma source(%arg10 : memref<128x128xf32, #tpu.memory_space<vmem>>) target(%dma_start3A_243 : memref<10240x128xf32, #tpu.memory_space<vmem_shared>>) offsets(%dma_start3A_240 : memref<128xi32, #tpu.memory_space<vmem>>) semaphore(%run_scoped3A_237 : memref<!tpu.dma_semaphore, #tpu.memory_space<semaphore_mem>>) {add = true}
        %dma_wait3A_244 = arith.constant 0 : i32
        %dma_wait3A_245 = tpu.memref_slice %arg9[%run_scoped3A_184, %dma_wait3A_244] : memref<2x128xi32, #tpu.memory_space<vmem>> -> memref<1x128xi32, #tpu.memory_space<vmem>>
        %dma_wait3A_246 = tpu.memref_squeeze %dma_wait3A_245 : memref<1x128xi32, #tpu.memory_space<vmem>> -> memref<128xi32, #tpu.memory_space<vmem>>
        %dma_wait3A_247 = arith.constant 0 : i32
        %dma_wait3A_248 = arith.constant 0 : i32
        %dma_wait3A_249 = tpu.memref_slice %arg7[%dma_wait3A_247, %dma_wait3A_248] : memref<10240x128xf32, #tpu.memory_space<vmem_shared>> -> memref<10240x128xf32, #tpu.memory_space<vmem_shared>>
        tpu.wait_indirect_dma semaphore(%run_scoped3A_237 : memref<!tpu.dma_semaphore, #tpu.memory_space<semaphore_mem>>) src(%arg10 : memref<128x128xf32, #tpu.memory_space<vmem>>) dst(%dma_wait3A_249 : memref<10240x128xf32, #tpu.memory_space<vmem_shared>>)
        tpu.yield
      }) : () -> ()
      %add3A_185 = arith.constant 2 : i32
      %add3A_186 = arith.addi %add3A_162, %add3A_185 : i32
      %lt3A_187 = arith.constant 160 : i32
      %lt3A_188 = arith.cmpi slt, %add3A_186, %lt3A_187 : i32
      %convert_element_type3A_189 = arith.extui %lt3A_188 : i1 to i32
      %cond3A_190 = arith.constant 0 : i32
      %cond3A_191 = arith.cmpi ne, %convert_element_type3A_189, %cond3A_190 : i32
      scf.if %cond3A_191 {
        %add3A_237 = arith.constant 2 : i32
        %add3A_238 = arith.addi %add3A_162, %add3A_237 : i32
        %add3A_239 = arith.addi %mul3A_2, %add3A_238 : i32
        %dma_wait3A_240 = arith.constant 0 : i32
        %dma_wait3A_241 = arith.constant 0 : i32
        %dma_wait3A_242 = tpu.memref_slice %arg8[%dma_wait3A_240, %dma_wait3A_241] : memref<4x128xi32, #tpu.memory_space<vmem>> -> memref<1x128xi32, #tpu.memory_space<vmem>>
        %dma_wait3A_243 = tpu.memref_squeeze %dma_wait3A_242 : memref<1x128xi32, #tpu.memory_space<vmem>> -> memref<128xi32, #tpu.memory_space<vmem>>
        %dma_wait3A_244 = arith.constant 0 : i32
        %dma_wait3A_245 = tpu.memref_slice %arg3[%arg0, %add3A_239, %dma_wait3A_244] : memref<2x2560x128xi32, #tpu.memory_space<hbm>> -> memref<1x1x128xi32, #tpu.memory_space<hbm>>
        %dma_wait3A_246 = tpu.memref_squeeze %dma_wait3A_245 : memref<1x1x128xi32, #tpu.memory_space<hbm>> -> memref<128xi32, #tpu.memory_space<hbm>>
        %dma_wait3A_247 = arith.constant 0 : i32
        %dma_wait3A_248 = tpu.memref_slice %arg8[%dma_wait3A_240, %dma_wait3A_247] : memref<4x128xi32, #tpu.memory_space<vmem>> -> memref<1x128xi32, #tpu.memory_space<vmem>>
        %dma_wait3A_249 = tpu.memref_squeeze %dma_wait3A_248 : memref<1x128xi32, #tpu.memory_space<vmem>> -> memref<128xi32, #tpu.memory_space<vmem>>
        %dma_wait3A_250 = arith.constant 0 : i32
        %dma_wait3A_251 = tpu.memref_slice %arg3[%arg0, %add3A_239, %dma_wait3A_250] : memref<2x2560x128xi32, #tpu.memory_space<hbm>> -> memref<1x1x128xi32, #tpu.memory_space<hbm>>
        %dma_wait3A_252 = tpu.memref_squeeze %dma_wait3A_251 : memref<1x1x128xi32, #tpu.memory_space<hbm>> -> memref<128xi32, #tpu.memory_space<hbm>>
        tpu.wait_dma2 semaphore(%arg16 : memref<!tpu.dma_semaphore, #tpu.memory_space<semaphore_mem>>) src(%dma_wait3A_252 : memref<128xi32, #tpu.memory_space<hbm>>) dst(%dma_wait3A_249 : memref<128xi32, #tpu.memory_space<vmem>>)
        %dma_start3A_253 = arith.constant 0 : i32
        %dma_start3A_254 = arith.constant 0 : i32
        %dma_start3A_255 = tpu.memref_slice %arg8[%dma_start3A_253, %dma_start3A_254] : memref<4x128xi32, #tpu.memory_space<vmem>> -> memref<1x128xi32, #tpu.memory_space<vmem>>
        %dma_start3A_256 = tpu.memref_squeeze %dma_start3A_255 : memref<1x128xi32, #tpu.memory_space<vmem>> -> memref<128xi32, #tpu.memory_space<vmem>>
        %dma_start3A_257 = arith.constant 0 : i32
        %dma_start3A_258 = arith.constant 0 : i32
        %dma_start3A_259 = tpu.memref_slice %arg2[%dma_start3A_257, %dma_start3A_258] : memref<20480x128xf32, #tpu.memory_space<hbm>> -> memref<20480x128xf32, #tpu.memory_space<hbm>>
        tpu.enqueue_indirect_dma source(%dma_start3A_259 : memref<20480x128xf32, #tpu.memory_space<hbm>>) target(%arg10 : memref<128x128xf32, #tpu.memory_space<vmem>>) offsets(%dma_start3A_256 : memref<128xi32, #tpu.memory_space<vmem>>) semaphore(%arg12 : memref<!tpu.dma_semaphore, #tpu.memory_space<semaphore_mem>>)
        %add3A_260 = arith.addi %mul3A_2, %add3A_238 : i32
        %dma_start3A_261 = arith.constant 0 : i32
        %dma_start3A_262 = arith.constant 0 : i32
        %dma_start3A_263 = tpu.memref_slice %arg9[%dma_start3A_261, %dma_start3A_262] : memref<2x128xi32, #tpu.memory_space<vmem>> -> memref<1x128xi32, #tpu.memory_space<vmem>>
        %dma_start3A_264 = tpu.memref_squeeze %dma_start3A_263 : memref<1x128xi32, #tpu.memory_space<vmem>> -> memref<128xi32, #tpu.memory_space<vmem>>
        %dma_start3A_265 = arith.constant 0 : i32
        %dma_start3A_266 = tpu.memref_slice %arg4[%arg0, %add3A_260, %dma_start3A_265] : memref<2x2560x128xi32, #tpu.memory_space<hbm>> -> memref<1x1x128xi32, #tpu.memory_space<hbm>>
        %dma_start3A_267 = tpu.memref_squeeze %dma_start3A_266 : memref<1x1x128xi32, #tpu.memory_space<hbm>> -> memref<128xi32, #tpu.memory_space<hbm>>
        %dma_start3A_268 = arith.constant 0 : i32
        %dma_start3A_269 = tpu.memref_slice %arg9[%dma_start3A_261, %dma_start3A_268] : memref<2x128xi32, #tpu.memory_space<vmem>> -> memref<1x128xi32, #tpu.memory_space<vmem>>
        %dma_start3A_270 = tpu.memref_squeeze %dma_start3A_269 : memref<1x128xi32, #tpu.memory_space<vmem>> -> memref<128xi32, #tpu.memory_space<vmem>>
        %dma_start3A_271 = arith.constant 0 : i32
        %dma_start3A_272 = tpu.memref_slice %arg4[%arg0, %add3A_260, %dma_start3A_271] : memref<2x2560x128xi32, #tpu.memory_space<hbm>> -> memref<1x1x128xi32, #tpu.memory_space<hbm>>
        %dma_start3A_273 = tpu.memref_squeeze %dma_start3A_272 : memref<1x1x128xi32, #tpu.memory_space<hbm>> -> memref<128xi32, #tpu.memory_space<hbm>>
        tpu.enqueue_dma source(%dma_start3A_273 : memref<128xi32, #tpu.memory_space<hbm>>) target(%dma_start3A_270 : memref<128xi32, #tpu.memory_space<vmem>>) target_semaphore(%arg14 : memref<!tpu.dma_semaphore, #tpu.memory_space<semaphore_mem>>)
      } else {
      }
      %add3A_192 = arith.constant 4 : i32
      %add3A_193 = arith.addi %add3A_162, %add3A_192 : i32
      %lt3A_194 = arith.constant 160 : i32
      %lt3A_195 = arith.cmpi slt, %add3A_193, %lt3A_194 : i32
      %convert_element_type3A_196 = arith.extui %lt3A_195 : i1 to i32
      %cond3A_197 = arith.constant 0 : i32
      %cond3A_198 = arith.cmpi ne, %convert_element_type3A_196, %cond3A_197 : i32
      scf.if %cond3A_198 {
        %add3A_237 = arith.addi %mul3A_2, %add3A_162 : i32
        %add3A_238 = arith.constant 4 : i32
        %add3A_239 = arith.addi %add3A_237, %add3A_238 : i32
        %dma_start3A_240 = arith.constant 2 : i32
        %dma_start3A_241 = arith.constant 0 : i32
        %dma_start3A_242 = tpu.memref_slice %arg8[%dma_start3A_240, %dma_start3A_241] : memref<4x128xi32, #tpu.memory_space<vmem>> -> memref<1x128xi32, #tpu.memory_space<vmem>>
        %dma_start3A_243 = tpu.memref_squeeze %dma_start3A_242 : memref<1x128xi32, #tpu.memory_space<vmem>> -> memref<128xi32, #tpu.memory_space<vmem>>
        %dma_start3A_244 = arith.constant 0 : i32
        %dma_start3A_245 = tpu.memref_slice %arg3[%arg0, %add3A_239, %dma_start3A_244] : memref<2x2560x128xi32, #tpu.memory_space<hbm>> -> memref<1x1x128xi32, #tpu.memory_space<hbm>>
        %dma_start3A_246 = tpu.memref_squeeze %dma_start3A_245 : memref<1x1x128xi32, #tpu.memory_space<hbm>> -> memref<128xi32, #tpu.memory_space<hbm>>
        %dma_start3A_247 = arith.constant 0 : i32
        %dma_start3A_248 = tpu.memref_slice %arg8[%dma_start3A_240, %dma_start3A_247] : memref<4x128xi32, #tpu.memory_space<vmem>> -> memref<1x128xi32, #tpu.memory_space<vmem>>
        %dma_start3A_249 = tpu.memref_squeeze %dma_start3A_248 : memref<1x128xi32, #tpu.memory_space<vmem>> -> memref<128xi32, #tpu.memory_space<vmem>>
        %dma_start3A_250 = arith.constant 0 : i32
        %dma_start3A_251 = tpu.memref_slice %arg3[%arg0, %add3A_239, %dma_start3A_250] : memref<2x2560x128xi32, #tpu.memory_space<hbm>> -> memref<1x1x128xi32, #tpu.memory_space<hbm>>
        %dma_start3A_252 = tpu.memref_squeeze %dma_start3A_251 : memref<1x1x128xi32, #tpu.memory_space<hbm>> -> memref<128xi32, #tpu.memory_space<hbm>>
        tpu.enqueue_dma source(%dma_start3A_252 : memref<128xi32, #tpu.memory_space<hbm>>) target(%dma_start3A_249 : memref<128xi32, #tpu.memory_space<vmem>>) target_semaphore(%arg18 : memref<!tpu.dma_semaphore, #tpu.memory_space<semaphore_mem>>)
      } else {
      }
      %add3A_199 = arith.constant 3 : i32
      %add3A_200 = arith.addi %mul3A_88, %add3A_199 : i32
      %add3A_201 = arith.addi %mul3A_2, %add3A_200 : i32
      %dma_wait3A_202 = arith.constant 1 : i32
      %dma_wait3A_203 = arith.constant 0 : i32
      %dma_wait3A_204 = tpu.memref_slice %arg9[%dma_wait3A_202, %dma_wait3A_203] : memref<2x128xi32, #tpu.memory_space<vmem>> -> memref<1x128xi32, #tpu.memory_space<vmem>>
      %dma_wait3A_205 = tpu.memref_squeeze %dma_wait3A_204 : memref<1x128xi32, #tpu.memory_space<vmem>> -> memref<128xi32, #tpu.memory_space<vmem>>
      %dma_wait3A_206 = arith.constant 0 : i32
      %dma_wait3A_207 = tpu.memref_slice %arg4[%arg0, %add3A_201, %dma_wait3A_206] : memref<2x2560x128xi32, #tpu.memory_space<hbm>> -> memref<1x1x128xi32, #tpu.memory_space<hbm>>
      %dma_wait3A_208 = tpu.memref_squeeze %dma_wait3A_207 : memref<1x1x128xi32, #tpu.memory_space<hbm>> -> memref<128xi32, #tpu.memory_space<hbm>>
      %dma_wait3A_209 = arith.constant 0 : i32
      %dma_wait3A_210 = tpu.memref_slice %arg9[%dma_wait3A_202, %dma_wait3A_209] : memref<2x128xi32, #tpu.memory_space<vmem>> -> memref<1x128xi32, #tpu.memory_space<vmem>>
      %dma_wait3A_211 = tpu.memref_squeeze %dma_wait3A_210 : memref<1x128xi32, #tpu.memory_space<vmem>> -> memref<128xi32, #tpu.memory_space<vmem>>
      %dma_wait3A_212 = arith.constant 0 : i32
      %dma_wait3A_213 = tpu.memref_slice %arg4[%arg0, %add3A_201, %dma_wait3A_212] : memref<2x2560x128xi32, #tpu.memory_space<hbm>> -> memref<1x1x128xi32, #tpu.memory_space<hbm>>
      %dma_wait3A_214 = tpu.memref_squeeze %dma_wait3A_213 : memref<1x1x128xi32, #tpu.memory_space<hbm>> -> memref<128xi32, #tpu.memory_space<hbm>>
      tpu.wait_dma2 semaphore(%arg15 : memref<!tpu.dma_semaphore, #tpu.memory_space<semaphore_mem>>) src(%dma_wait3A_214 : memref<128xi32, #tpu.memory_space<hbm>>) dst(%dma_wait3A_211 : memref<128xi32, #tpu.memory_space<vmem>>)
      %dma_wait3A_215 = arith.constant 3 : i32
      %dma_wait3A_216 = arith.constant 0 : i32
      %dma_wait3A_217 = tpu.memref_slice %arg8[%dma_wait3A_215, %dma_wait3A_216] : memref<4x128xi32, #tpu.memory_space<vmem>> -> memref<1x128xi32, #tpu.memory_space<vmem>>
      %dma_wait3A_218 = tpu.memref_squeeze %dma_wait3A_217 : memref<1x128xi32, #tpu.memory_space<vmem>> -> memref<128xi32, #tpu.memory_space<vmem>>
      %dma_wait3A_219 = arith.constant 0 : i32
      %dma_wait3A_220 = arith.constant 0 : i32
      %dma_wait3A_221 = tpu.memref_slice %arg2[%dma_wait3A_219, %dma_wait3A_220] : memref<20480x128xf32, #tpu.memory_space<hbm>> -> memref<20480x128xf32, #tpu.memory_space<hbm>>
      tpu.wait_indirect_dma semaphore(%arg13 : memref<!tpu.dma_semaphore, #tpu.memory_space<semaphore_mem>>) src(%dma_wait3A_221 : memref<20480x128xf32, #tpu.memory_space<hbm>>) dst(%arg11 : memref<128x128xf32, #tpu.memory_space<vmem>>)
      %run_scoped3A_222 = arith.constant 1 : i32
      "tpu.region"() ({
        %run_scoped3A_237 = tpu.sem_alloc : memref<!tpu.dma_semaphore, #tpu.memory_space<semaphore_mem>>
        %dma_start3A_238 = arith.constant 0 : i32
        %dma_start3A_239 = tpu.memref_slice %arg9[%run_scoped3A_222, %dma_start3A_238] : memref<2x128xi32, #tpu.memory_space<vmem>> -> memref<1x128xi32, #tpu.memory_space<vmem>>
        %dma_start3A_240 = tpu.memref_squeeze %dma_start3A_239 : memref<1x128xi32, #tpu.memory_space<vmem>> -> memref<128xi32, #tpu.memory_space<vmem>>
        %dma_start3A_241 = arith.constant 0 : i32
        %dma_start3A_242 = arith.constant 0 : i32
        %dma_start3A_243 = tpu.memref_slice %arg7[%dma_start3A_241, %dma_start3A_242] : memref<10240x128xf32, #tpu.memory_space<vmem_shared>> -> memref<10240x128xf32, #tpu.memory_space<vmem_shared>>
        tpu.enqueue_indirect_dma source(%arg11 : memref<128x128xf32, #tpu.memory_space<vmem>>) target(%dma_start3A_243 : memref<10240x128xf32, #tpu.memory_space<vmem_shared>>) offsets(%dma_start3A_240 : memref<128xi32, #tpu.memory_space<vmem>>) semaphore(%run_scoped3A_237 : memref<!tpu.dma_semaphore, #tpu.memory_space<semaphore_mem>>) {add = true}
        %dma_wait3A_244 = arith.constant 0 : i32
        %dma_wait3A_245 = tpu.memref_slice %arg9[%run_scoped3A_222, %dma_wait3A_244] : memref<2x128xi32, #tpu.memory_space<vmem>> -> memref<1x128xi32, #tpu.memory_space<vmem>>
        %dma_wait3A_246 = tpu.memref_squeeze %dma_wait3A_245 : memref<1x128xi32, #tpu.memory_space<vmem>> -> memref<128xi32, #tpu.memory_space<vmem>>
        %dma_wait3A_247 = arith.constant 0 : i32
        %dma_wait3A_248 = arith.constant 0 : i32
        %dma_wait3A_249 = tpu.memref_slice %arg7[%dma_wait3A_247, %dma_wait3A_248] : memref<10240x128xf32, #tpu.memory_space<vmem_shared>> -> memref<10240x128xf32, #tpu.memory_space<vmem_shared>>
        tpu.wait_indirect_dma semaphore(%run_scoped3A_237 : memref<!tpu.dma_semaphore, #tpu.memory_space<semaphore_mem>>) src(%arg11 : memref<128x128xf32, #tpu.memory_space<vmem>>) dst(%dma_wait3A_249 : memref<10240x128xf32, #tpu.memory_space<vmem_shared>>)
        tpu.yield
      }) : () -> ()
      %add3A_223 = arith.constant 2 : i32
      %add3A_224 = arith.addi %add3A_200, %add3A_223 : i32
      %lt3A_225 = arith.constant 160 : i32
      %lt3A_226 = arith.cmpi slt, %add3A_224, %lt3A_225 : i32
      %convert_element_type3A_227 = arith.extui %lt3A_226 : i1 to i32
      %cond3A_228 = arith.constant 0 : i32
      %cond3A_229 = arith.cmpi ne, %convert_element_type3A_227, %cond3A_228 : i32
      scf.if %cond3A_229 {
        %add3A_237 = arith.constant 2 : i32
        %add3A_238 = arith.addi %add3A_200, %add3A_237 : i32
        %add3A_239 = arith.addi %mul3A_2, %add3A_238 : i32
        %dma_wait3A_240 = arith.constant 1 : i32
        %dma_wait3A_241 = arith.constant 0 : i32
        %dma_wait3A_242 = tpu.memref_slice %arg8[%dma_wait3A_240, %dma_wait3A_241] : memref<4x128xi32, #tpu.memory_space<vmem>> -> memref<1x128xi32, #tpu.memory_space<vmem>>
        %dma_wait3A_243 = tpu.memref_squeeze %dma_wait3A_242 : memref<1x128xi32, #tpu.memory_space<vmem>> -> memref<128xi32, #tpu.memory_space<vmem>>
        %dma_wait3A_244 = arith.constant 0 : i32
        %dma_wait3A_245 = tpu.memref_slice %arg3[%arg0, %add3A_239, %dma_wait3A_244] : memref<2x2560x128xi32, #tpu.memory_space<hbm>> -> memref<1x1x128xi32, #tpu.memory_space<hbm>>
        %dma_wait3A_246 = tpu.memref_squeeze %dma_wait3A_245 : memref<1x1x128xi32, #tpu.memory_space<hbm>> -> memref<128xi32, #tpu.memory_space<hbm>>
        %dma_wait3A_247 = arith.constant 0 : i32
        %dma_wait3A_248 = tpu.memref_slice %arg8[%dma_wait3A_240, %dma_wait3A_247] : memref<4x128xi32, #tpu.memory_space<vmem>> -> memref<1x128xi32, #tpu.memory_space<vmem>>
        %dma_wait3A_249 = tpu.memref_squeeze %dma_wait3A_248 : memref<1x128xi32, #tpu.memory_space<vmem>> -> memref<128xi32, #tpu.memory_space<vmem>>
        %dma_wait3A_250 = arith.constant 0 : i32
        %dma_wait3A_251 = tpu.memref_slice %arg3[%arg0, %add3A_239, %dma_wait3A_250] : memref<2x2560x128xi32, #tpu.memory_space<hbm>> -> memref<1x1x128xi32, #tpu.memory_space<hbm>>
        %dma_wait3A_252 = tpu.memref_squeeze %dma_wait3A_251 : memref<1x1x128xi32, #tpu.memory_space<hbm>> -> memref<128xi32, #tpu.memory_space<hbm>>
        tpu.wait_dma2 semaphore(%arg17 : memref<!tpu.dma_semaphore, #tpu.memory_space<semaphore_mem>>) src(%dma_wait3A_252 : memref<128xi32, #tpu.memory_space<hbm>>) dst(%dma_wait3A_249 : memref<128xi32, #tpu.memory_space<vmem>>)
        %dma_start3A_253 = arith.constant 1 : i32
        %dma_start3A_254 = arith.constant 0 : i32
        %dma_start3A_255 = tpu.memref_slice %arg8[%dma_start3A_253, %dma_start3A_254] : memref<4x128xi32, #tpu.memory_space<vmem>> -> memref<1x128xi32, #tpu.memory_space<vmem>>
        %dma_start3A_256 = tpu.memref_squeeze %dma_start3A_255 : memref<1x128xi32, #tpu.memory_space<vmem>> -> memref<128xi32, #tpu.memory_space<vmem>>
        %dma_start3A_257 = arith.constant 0 : i32
        %dma_start3A_258 = arith.constant 0 : i32
        %dma_start3A_259 = tpu.memref_slice %arg2[%dma_start3A_257, %dma_start3A_258] : memref<20480x128xf32, #tpu.memory_space<hbm>> -> memref<20480x128xf32, #tpu.memory_space<hbm>>
        tpu.enqueue_indirect_dma source(%dma_start3A_259 : memref<20480x128xf32, #tpu.memory_space<hbm>>) target(%arg11 : memref<128x128xf32, #tpu.memory_space<vmem>>) offsets(%dma_start3A_256 : memref<128xi32, #tpu.memory_space<vmem>>) semaphore(%arg13 : memref<!tpu.dma_semaphore, #tpu.memory_space<semaphore_mem>>)
        %add3A_260 = arith.addi %mul3A_2, %add3A_238 : i32
        %dma_start3A_261 = arith.constant 1 : i32
        %dma_start3A_262 = arith.constant 0 : i32
        %dma_start3A_263 = tpu.memref_slice %arg9[%dma_start3A_261, %dma_start3A_262] : memref<2x128xi32, #tpu.memory_space<vmem>> -> memref<1x128xi32, #tpu.memory_space<vmem>>
        %dma_start3A_264 = tpu.memref_squeeze %dma_start3A_263 : memref<1x128xi32, #tpu.memory_space<vmem>> -> memref<128xi32, #tpu.memory_space<vmem>>
        %dma_start3A_265 = arith.constant 0 : i32
        %dma_start3A_266 = tpu.memref_slice %arg4[%arg0, %add3A_260, %dma_start3A_265] : memref<2x2560x128xi32, #tpu.memory_space<hbm>> -> memref<1x1x128xi32, #tpu.memory_space<hbm>>
        %dma_start3A_267 = tpu.memref_squeeze %dma_start3A_266 : memref<1x1x128xi32, #tpu.memory_space<hbm>> -> memref<128xi32, #tpu.memory_space<hbm>>
        %dma_start3A_268 = arith.constant 0 : i32
        %dma_start3A_269 = tpu.memref_slice %arg9[%dma_start3A_261, %dma_start3A_268] : memref<2x128xi32, #tpu.memory_space<vmem>> -> memref<1x128xi32, #tpu.memory_space<vmem>>
        %dma_start3A_270 = tpu.memref_squeeze %dma_start3A_269 : memref<1x128xi32, #tpu.memory_space<vmem>> -> memref<128xi32, #tpu.memory_space<vmem>>
        %dma_start3A_271 = arith.constant 0 : i32
        %dma_start3A_272 = tpu.memref_slice %arg4[%arg0, %add3A_260, %dma_start3A_271] : memref<2x2560x128xi32, #tpu.memory_space<hbm>> -> memref<1x1x128xi32, #tpu.memory_space<hbm>>
        %dma_start3A_273 = tpu.memref_squeeze %dma_start3A_272 : memref<1x1x128xi32, #tpu.memory_space<hbm>> -> memref<128xi32, #tpu.memory_space<hbm>>
        tpu.enqueue_dma source(%dma_start3A_273 : memref<128xi32, #tpu.memory_space<hbm>>) target(%dma_start3A_270 : memref<128xi32, #tpu.memory_space<vmem>>) target_semaphore(%arg15 : memref<!tpu.dma_semaphore, #tpu.memory_space<semaphore_mem>>)
      } else {
      }
      %add3A_230 = arith.constant 4 : i32
      %add3A_231 = arith.addi %add3A_200, %add3A_230 : i32
      %lt3A_232 = arith.constant 160 : i32
      %lt3A_233 = arith.cmpi slt, %add3A_231, %lt3A_232 : i32
      %convert_element_type3A_234 = arith.extui %lt3A_233 : i1 to i32
      %cond3A_235 = arith.constant 0 : i32
      %cond3A_236 = arith.cmpi ne, %convert_element_type3A_234, %cond3A_235 : i32
      scf.if %cond3A_236 {
        %add3A_237 = arith.addi %mul3A_2, %add3A_200 : i32
        %add3A_238 = arith.constant 4 : i32
        %add3A_239 = arith.addi %add3A_237, %add3A_238 : i32
        %dma_start3A_240 = arith.constant 3 : i32
        %dma_start3A_241 = arith.constant 0 : i32
        %dma_start3A_242 = tpu.memref_slice %arg8[%dma_start3A_240, %dma_start3A_241] : memref<4x128xi32, #tpu.memory_space<vmem>> -> memref<1x128xi32, #tpu.memory_space<vmem>>
        %dma_start3A_243 = tpu.memref_squeeze %dma_start3A_242 : memref<1x128xi32, #tpu.memory_space<vmem>> -> memref<128xi32, #tpu.memory_space<vmem>>
        %dma_start3A_244 = arith.constant 0 : i32
        %dma_start3A_245 = tpu.memref_slice %arg3[%arg0, %add3A_239, %dma_start3A_244] : memref<2x2560x128xi32, #tpu.memory_space<hbm>> -> memref<1x1x128xi32, #tpu.memory_space<hbm>>
        %dma_start3A_246 = tpu.memref_squeeze %dma_start3A_245 : memref<1x1x128xi32, #tpu.memory_space<hbm>> -> memref<128xi32, #tpu.memory_space<hbm>>
        %dma_start3A_247 = arith.constant 0 : i32
        %dma_start3A_248 = tpu.memref_slice %arg8[%dma_start3A_240, %dma_start3A_247] : memref<4x128xi32, #tpu.memory_space<vmem>> -> memref<1x128xi32, #tpu.memory_space<vmem>>
        %dma_start3A_249 = tpu.memref_squeeze %dma_start3A_248 : memref<1x128xi32, #tpu.memory_space<vmem>> -> memref<128xi32, #tpu.memory_space<vmem>>
        %dma_start3A_250 = arith.constant 0 : i32
        %dma_start3A_251 = tpu.memref_slice %arg3[%arg0, %add3A_239, %dma_start3A_250] : memref<2x2560x128xi32, #tpu.memory_space<hbm>> -> memref<1x1x128xi32, #tpu.memory_space<hbm>>
        %dma_start3A_252 = tpu.memref_squeeze %dma_start3A_251 : memref<1x1x128xi32, #tpu.memory_space<hbm>> -> memref<128xi32, #tpu.memory_space<hbm>>
        tpu.enqueue_dma source(%dma_start3A_252 : memref<128xi32, #tpu.memory_space<hbm>>) target(%dma_start3A_249 : memref<128xi32, #tpu.memory_space<vmem>>) target_semaphore(%arg19 : memref<!tpu.dma_semaphore, #tpu.memory_space<semaphore_mem>>)
      } else {
      }
    }
    %scan3A_84 = arith.constant 40 : i32
    %barrier3A_85 = arith.constant 0 : index
    tpu.barrier barrier_id(%barrier3A_85)
    "tpu.region"() ({
      %run_scoped3A_86 = tpu.sem_alloc : memref<!tpu.dma_semaphore, #tpu.memory_space<semaphore_mem>>
      %dma_start3A_87 = arith.constant 0 : i32
      %dma_start3A_88 = tpu.memref_slice %arg6[%arg0, %mul3A_0, %dma_start3A_87] : memref<2x10240x128xf32, #tpu.memory_space<hbm>> -> memref<1x640x128xf32, #tpu.memory_space<hbm>>
      %dma_start3A_89 = tpu.memref_squeeze %dma_start3A_88 : memref<1x640x128xf32, #tpu.memory_space<hbm>> -> memref<640x128xf32, #tpu.memory_space<hbm>>
      %dma_start3A_90 = arith.constant 0 : i32
      %dma_start3A_91 = tpu.memref_slice %arg7[%mul3A_0, %dma_start3A_90] : memref<10240x128xf32, #tpu.memory_space<vmem_shared>> -> memref<640x128xf32, #tpu.memory_space<vmem_shared>>
      tpu.enqueue_dma source(%dma_start3A_91 : memref<640x128xf32, #tpu.memory_space<vmem_shared>>) target(%dma_start3A_89 : memref<640x128xf32, #tpu.memory_space<hbm>>) target_semaphore(%run_scoped3A_86 : memref<!tpu.dma_semaphore, #tpu.memory_space<semaphore_mem>>)
      %dma_wait3A = arith.constant 0 : i32
      %dma_wait3A_92 = tpu.memref_slice %arg6[%arg0, %mul3A_0, %dma_wait3A] : memref<2x10240x128xf32, #tpu.memory_space<hbm>> -> memref<1x640x128xf32, #tpu.memory_space<hbm>>
      %dma_wait3A_93 = tpu.memref_squeeze %dma_wait3A_92 : memref<1x640x128xf32, #tpu.memory_space<hbm>> -> memref<640x128xf32, #tpu.memory_space<hbm>>
      %dma_wait3A_94 = arith.constant 0 : i32
      %dma_wait3A_95 = tpu.memref_slice %arg7[%mul3A_0, %dma_wait3A_94] : memref<10240x128xf32, #tpu.memory_space<vmem_shared>> -> memref<640x128xf32, #tpu.memory_space<vmem_shared>>
      tpu.wait_dma2 semaphore(%run_scoped3A_86 : memref<!tpu.dma_semaphore, #tpu.memory_space<semaphore_mem>>) src(%dma_wait3A_95 : memref<640x128xf32, #tpu.memory_space<vmem_shared>>) dst(%dma_wait3A_93 : memref<640x128xf32, #tpu.memory_space<hbm>>)
      tpu.yield
    }) : () -> ()
    return
  }
}

module attributes {stable_mosaic.version = 14 : i64} {
  func.func @_prep_body(%arg0: memref<2x2500x128xi32, #tpu.memory_space<vmem>>, %arg1: memref<2x2500x128xi32, #tpu.memory_space<vmem>>, %arg2: memref<2x2560x128xi32, #tpu.memory_space<vmem>>, %arg3: memref<2x2560x128xi32, #tpu.memory_space<vmem>>, %arg4: memref<2x2560x128xi32, #tpu.memory_space<vmem>>) attributes {dimension_semantics = [], scalar_prefetch = 0 : i64, scratch_operands = 0 : i64, tpu.core_type = #tpu.core_type<tc>} {
    %iota3A = tpu.iota {dimensions = array<i32: 0>} : vector<60x128xi32>
    %mul3A = arith.constant 128 : i32
    %mul3A_0 = vector.broadcast %mul3A : i32 to vector<60x128xi32>
    %mul3A_1 = arith.muli %iota3A, %mul3A_0 : vector<60x128xi32>
    %iota3A_2 = tpu.iota {dimensions = array<i32: 1>} : vector<60x128xi32>
    %add3A = arith.addi %mul3A_1, %iota3A_2 : vector<60x128xi32>
    %jit3A = arith.constant 256 : i32
    %eq3A = arith.constant 0 : i32
    %eq3A_3 = arith.cmpi eq, %jit3A, %eq3A : i32
    %jit3A_4 = arith.constant 1 : i32
    %select_n3A = arith.select %eq3A_3, %jit3A_4, %jit3A : i32
    %rem3A = vector.broadcast %select_n3A : i32 to vector<60x128xi32>
    %rem3A_5 = arith.remsi %add3A, %rem3A : vector<60x128xi32>
    %ne3A = arith.constant 0 : i32
    %ne3A_6 = vector.broadcast %ne3A : i32 to vector<60x128xi32>
    %ne3A_7 = arith.cmpi ne, %rem3A_5, %ne3A_6 : vector<60x128xi32>
    %lt3A = arith.constant 0 : i32
    %lt3A_8 = vector.broadcast %lt3A : i32 to vector<60x128xi32>
    %lt3A_9 = arith.cmpi slt, %rem3A_5, %lt3A_8 : vector<60x128xi32>
    %lt3A_10 = arith.constant 0 : i32
    %lt3A_11 = arith.cmpi slt, %select_n3A, %lt3A_10 : i32
    %ne3A_12 = vector.broadcast %lt3A_11 : i1 to vector<60x128xi1>
    %ne3A_13 = vector.broadcast %ne3A_12 : vector<60x128xi1> to vector<60x128xi1>
    %ne3A_14 = arith.xori %lt3A_9, %ne3A_13 : vector<60x128xi1>
    %and3A = arith.andi %ne3A_14, %ne3A_7 : vector<60x128xi1>
    %add3A_15 = vector.broadcast %select_n3A : i32 to vector<60x128xi32>
    %add3A_16 = arith.addi %rem3A_5, %add3A_15 : vector<60x128xi32>
    %select_n3A_17 = arith.select %and3A, %add3A_16, %rem3A_5 : vector<60x128xi1>, vector<60x128xi32>
    %add3A_18 = arith.constant 10240 : i32
    %add3A_19 = vector.broadcast %add3A_18 : i32 to vector<60x128xi32>
    %add3A_20 = arith.addi %select_n3A_17, %add3A_19 : vector<60x128xi32>
    %jit3A_21 = arith.constant 240 : i32
    %eq3A_22 = arith.constant 0 : i32
    %eq3A_23 = arith.cmpi eq, %jit3A_21, %eq3A_22 : i32
    %jit3A_24 = arith.constant 1 : i32
    %select_n3A_25 = arith.select %eq3A_23, %jit3A_24, %jit3A_21 : i32
    %rem3A_26 = vector.broadcast %select_n3A_25 : i32 to vector<60x128xi32>
    %rem3A_27 = arith.remsi %add3A, %rem3A_26 : vector<60x128xi32>
    %ne3A_28 = arith.constant 0 : i32
    %ne3A_29 = vector.broadcast %ne3A_28 : i32 to vector<60x128xi32>
    %ne3A_30 = arith.cmpi ne, %rem3A_27, %ne3A_29 : vector<60x128xi32>
    %lt3A_31 = arith.constant 0 : i32
    %lt3A_32 = vector.broadcast %lt3A_31 : i32 to vector<60x128xi32>
    %lt3A_33 = arith.cmpi slt, %rem3A_27, %lt3A_32 : vector<60x128xi32>
    %lt3A_34 = arith.constant 0 : i32
    %lt3A_35 = arith.cmpi slt, %select_n3A_25, %lt3A_34 : i32
    %ne3A_36 = vector.broadcast %lt3A_35 : i1 to vector<60x128xi1>
    %ne3A_37 = vector.broadcast %ne3A_36 : vector<60x128xi1> to vector<60x128xi1>
    %ne3A_38 = arith.xori %lt3A_33, %ne3A_37 : vector<60x128xi1>
    %and3A_39 = arith.andi %ne3A_38, %ne3A_30 : vector<60x128xi1>
    %add3A_40 = vector.broadcast %select_n3A_25 : i32 to vector<60x128xi32>
    %add3A_41 = arith.addi %rem3A_27, %add3A_40 : vector<60x128xi32>
    %select_n3A_42 = arith.select %and3A_39, %add3A_41, %rem3A_27 : vector<60x128xi1>, vector<60x128xi32>
    %add3A_43 = arith.constant 10000 : i32
    %add3A_44 = vector.broadcast %add3A_43 : i32 to vector<60x128xi32>
    %add3A_45 = arith.addi %add3A_44, %select_n3A_42 : vector<60x128xi32>
    %get3A = arith.constant 0 : index
    %get3A_46 = arith.constant 0 : index
    %get3A_47 = arith.constant 0 : index
    %get3A_48 = vector.load %arg0[%get3A, %get3A_46, %get3A_47] : memref<2x2500x128xi32, #tpu.memory_space<vmem>>, vector<1x2500x128xi32>
    %get3A_49 = vector.shape_cast %get3A_48 : vector<1x2500x128xi32> to vector<2500x128xi32>
    %concatenate3A = tpu.concatenate %get3A_49, %select_n3A_17 in 0 : vector<2500x128xi32>, vector<60x128xi32> -> vector<2560x128xi32>
    %swap3A = arith.constant 0 : index
    %swap3A_50 = arith.constant 0 : index
    %swap3A_51 = arith.constant 0 : index
    %swap3A_52 = vector.load %arg2[%swap3A, %swap3A_50, %swap3A_51] : memref<2x2560x128xi32, #tpu.memory_space<vmem>>, vector<1x2560x128xi32>
    %swap3A_53 = vector.shape_cast %swap3A_52 : vector<1x2560x128xi32> to vector<2560x128xi32>
    %swap3A_54 = vector.shape_cast %concatenate3A : vector<2560x128xi32> to vector<1x2560x128xi32>
    tpu.vector_store %arg2[%swap3A, %swap3A_50, %swap3A_51], %swap3A_54 {strides = array<i32>} : memref<2x2560x128xi32, #tpu.memory_space<vmem>>, vector<1x2560x128xi32>,
    %get3A_55 = arith.constant 0 : index
    %get3A_56 = arith.constant 0 : index
    %get3A_57 = arith.constant 0 : index
    %get3A_58 = vector.load %arg1[%get3A_55, %get3A_56, %get3A_57] : memref<2x2500x128xi32, #tpu.memory_space<vmem>>, vector<1x2500x128xi32>
    %get3A_59 = vector.shape_cast %get3A_58 : vector<1x2500x128xi32> to vector<2500x128xi32>
    %add3A_60 = arith.constant 10240 : i32
    %add3A_61 = vector.broadcast %add3A_60 : i32 to vector<2500x128xi32>
    %add3A_62 = arith.addi %get3A_59, %add3A_61 : vector<2500x128xi32>
    %concatenate3A_63 = tpu.concatenate %add3A_62, %add3A_20 in 0 : vector<2500x128xi32>, vector<60x128xi32> -> vector<2560x128xi32>
    %swap3A_64 = arith.constant 1 : index
    %swap3A_65 = arith.constant 0 : index
    %swap3A_66 = arith.constant 0 : index
    %swap3A_67 = vector.load %arg2[%swap3A_64, %swap3A_65, %swap3A_66] : memref<2x2560x128xi32, #tpu.memory_space<vmem>>, vector<1x2560x128xi32>
    %swap3A_68 = vector.shape_cast %swap3A_67 : vector<1x2560x128xi32> to vector<2560x128xi32>
    %swap3A_69 = vector.shape_cast %concatenate3A_63 : vector<2560x128xi32> to vector<1x2560x128xi32>
    tpu.vector_store %arg2[%swap3A_64, %swap3A_65, %swap3A_66], %swap3A_69 {strides = array<i32>} : memref<2x2560x128xi32, #tpu.memory_space<vmem>>, vector<1x2560x128xi32>,
    %get3A_70 = arith.constant 0 : index
    %get3A_71 = arith.constant 0 : index
    %get3A_72 = arith.constant 0 : index
    %get3A_73 = vector.load %arg0[%get3A_70, %get3A_71, %get3A_72] : memref<2x2500x128xi32, #tpu.memory_space<vmem>>, vector<1x2500x128xi32>
    %get3A_74 = vector.shape_cast %get3A_73 : vector<1x2500x128xi32> to vector<2500x128xi32>
    %add3A_75 = arith.constant 10240 : i32
    %add3A_76 = vector.broadcast %add3A_75 : i32 to vector<2500x128xi32>
    %add3A_77 = arith.addi %get3A_74, %add3A_76 : vector<2500x128xi32>
    %concatenate3A_78 = tpu.concatenate %add3A_77, %add3A_20 in 0 : vector<2500x128xi32>, vector<60x128xi32> -> vector<2560x128xi32>
    %swap3A_79 = arith.constant 0 : index
    %swap3A_80 = arith.constant 0 : index
    %swap3A_81 = arith.constant 0 : index
    %swap3A_82 = vector.load %arg3[%swap3A_79, %swap3A_80, %swap3A_81] : memref<2x2560x128xi32, #tpu.memory_space<vmem>>, vector<1x2560x128xi32>
    %swap3A_83 = vector.shape_cast %swap3A_82 : vector<1x2560x128xi32> to vector<2560x128xi32>
    %swap3A_84 = vector.shape_cast %concatenate3A_78 : vector<2560x128xi32> to vector<1x2560x128xi32>
    tpu.vector_store %arg3[%swap3A_79, %swap3A_80, %swap3A_81], %swap3A_84 {strides = array<i32>} : memref<2x2560x128xi32, #tpu.memory_space<vmem>>, vector<1x2560x128xi32>,
    %get3A_85 = arith.constant 0 : index
    %get3A_86 = arith.constant 0 : index
    %get3A_87 = arith.constant 0 : index
    %get3A_88 = vector.load %arg1[%get3A_85, %get3A_86, %get3A_87] : memref<2x2500x128xi32, #tpu.memory_space<vmem>>, vector<1x2500x128xi32>
    %get3A_89 = vector.shape_cast %get3A_88 : vector<1x2500x128xi32> to vector<2500x128xi32>
    %concatenate3A_90 = tpu.concatenate %get3A_89, %select_n3A_17 in 0 : vector<2500x128xi32>, vector<60x128xi32> -> vector<2560x128xi32>
    %swap3A_91 = arith.constant 1 : index
    %swap3A_92 = arith.constant 0 : index
    %swap3A_93 = arith.constant 0 : index
    %swap3A_94 = vector.load %arg3[%swap3A_91, %swap3A_92, %swap3A_93] : memref<2x2560x128xi32, #tpu.memory_space<vmem>>, vector<1x2560x128xi32>
    %swap3A_95 = vector.shape_cast %swap3A_94 : vector<1x2560x128xi32> to vector<2560x128xi32>
    %swap3A_96 = vector.shape_cast %concatenate3A_90 : vector<2560x128xi32> to vector<1x2560x128xi32>
    tpu.vector_store %arg3[%swap3A_91, %swap3A_92, %swap3A_93], %swap3A_96 {strides = array<i32>} : memref<2x2560x128xi32, #tpu.memory_space<vmem>>, vector<1x2560x128xi32>,
    %get3A_97 = arith.constant 1 : index
    %get3A_98 = arith.constant 0 : index
    %get3A_99 = arith.constant 0 : index
    %get3A_100 = vector.load %arg0[%get3A_97, %get3A_98, %get3A_99] : memref<2x2500x128xi32, #tpu.memory_space<vmem>>, vector<1x2500x128xi32>
    %get3A_101 = vector.shape_cast %get3A_100 : vector<1x2500x128xi32> to vector<2500x128xi32>
    %concatenate3A_102 = tpu.concatenate %get3A_101, %add3A_45 in 0 : vector<2500x128xi32>, vector<60x128xi32> -> vector<2560x128xi32>
    %swap3A_103 = arith.constant 0 : index
    %swap3A_104 = arith.constant 0 : index
    %swap3A_105 = arith.constant 0 : index
    %swap3A_106 = vector.load %arg4[%swap3A_103, %swap3A_104, %swap3A_105] : memref<2x2560x128xi32, #tpu.memory_space<vmem>>, vector<1x2560x128xi32>
    %swap3A_107 = vector.shape_cast %swap3A_106 : vector<1x2560x128xi32> to vector<2560x128xi32>
    %swap3A_108 = vector.shape_cast %concatenate3A_102 : vector<2560x128xi32> to vector<1x2560x128xi32>
    tpu.vector_store %arg4[%swap3A_103, %swap3A_104, %swap3A_105], %swap3A_108 {strides = array<i32>} : memref<2x2560x128xi32, #tpu.memory_space<vmem>>, vector<1x2560x128xi32>,
    %get3A_109 = arith.constant 1 : index
    %get3A_110 = arith.constant 0 : index
    %get3A_111 = arith.constant 0 : index
    %get3A_112 = vector.load %arg1[%get3A_109, %get3A_110, %get3A_111] : memref<2x2500x128xi32, #tpu.memory_space<vmem>>, vector<1x2500x128xi32>
    %get3A_113 = vector.shape_cast %get3A_112 : vector<1x2500x128xi32> to vector<2500x128xi32>
    %concatenate3A_114 = tpu.concatenate %get3A_113, %add3A_45 in 0 : vector<2500x128xi32>, vector<60x128xi32> -> vector<2560x128xi32>
    %swap3A_115 = arith.constant 1 : index
    %swap3A_116 = arith.constant 0 : index
    %swap3A_117 = arith.constant 0 : index
    %swap3A_118 = vector.load %arg4[%swap3A_115, %swap3A_116, %swap3A_117] : memref<2x2560x128xi32, #tpu.memory_space<vmem>>, vector<1x2560x128xi32>
    %swap3A_119 = vector.shape_cast %swap3A_118 : vector<1x2560x128xi32> to vector<2560x128xi32>
    %swap3A_120 = vector.shape_cast %concatenate3A_114 : vector<2560x128xi32> to vector<1x2560x128xi32>
    tpu.vector_store %arg4[%swap3A_115, %swap3A_116, %swap3A_117], %swap3A_120 {strides = array<i32>} : memref<2x2560x128xi32, #tpu.memory_space<vmem>>, vector<1x2560x128xi32>,
    return
  }
}

module attributes {stable_mosaic.version = 14 : i64} {
  func.func @_dense_body(%arg0: i32, %arg1: i32, %arg2: memref<1x1280x128xf32, #tpu.memory_space<vmem>>, %arg3: memref<1x16x10240xf32, #tpu.memory_space<vmem>>, %arg4: memref<1x1280x128xf32, #tpu.memory_space<vmem>>, %arg5: memref<1x128x128xf32, #tpu.memory_space<vmem>>, %arg6: memref<1x1x128xf32, #tpu.memory_space<vmem>>, %arg7: memref<1x128x128xf32, #tpu.memory_space<vmem>>, %arg8: memref<1x1x128xf32, #tpu.memory_space<vmem>>, %arg9: memref<1x1x128xf32, #tpu.memory_space<vmem>>, %arg10: memref<1x1280x128xf32, #tpu.memory_space<vmem>>) attributes {dimension_semantics = [#tpu.dimension_semantics<arbitrary>, #tpu.dimension_semantics<arbitrary>], iteration_bounds = array<i64: 2, 8>, scalar_prefetch = 0 : i64, scratch_operands = 0 : i64, tpu.core_type = #tpu.core_type<tc>, window_params = [{transform_indices = @transform_0, window_bounds = array<i64: 1, 1280, 128>}, {transform_indices = @transform_1, window_bounds = array<i64: 1, 16, 10240>}, {transform_indices = @transform_2, window_bounds = array<i64: 1, 1280, 128>}, {transform_indices = @transform_3, window_bounds = array<i64: 1, 128, 128>}, {transform_indices = @transform_4, window_bounds = array<i64: 1, 1, 128>}, {transform_indices = @transform_5, window_bounds = array<i64: 1, 128, 128>}, {transform_indices = @transform_6, window_bounds = array<i64: 1, 1, 128>}, {transform_indices = @transform_7, window_bounds = array<i64: 1, 1, 128>}, {transform_indices = @transform_8, window_bounds = array<i64: 1, 1280, 128>}]} {
    %get3A = arith.constant 0 : index
    %get3A_0 = arith.constant 0 : index
    %get3A_1 = arith.constant 0 : index
    %get3A_2 = vector.load %arg2[%get3A, %get3A_0, %get3A_1] : memref<1x1280x128xf32, #tpu.memory_space<vmem>>, vector<1x1280x128xf32>
    %get3A_3 = vector.shape_cast %get3A_2 : vector<1x1280x128xf32> to vector<1280x128xf32>
    %mul3A = arith.constant 1280 : i32
    %mul3A_4 = arith.muli %arg1, %mul3A : i32
    %get3A_5 = arith.constant 0 : index
    %get3A_6 = arith.constant 0 : index
    %get3A_7 = arith.index_cast %mul3A_4 : i32 to index
    %get3A_8 = vector.load %arg3[%get3A_5, %get3A_6, %get3A_7] : memref<1x16x10240xf32, #tpu.memory_space<vmem>>, vector<1x16x1280xf32>
    %get3A_9 = vector.shape_cast %get3A_8 : vector<1x16x1280xf32> to vector<16x1280xf32>
    %reduce_sum3A = arith.constant dense<0.000000e+00> : vector<1280xf32>
    %reduce_sum3A_10 = vector.multi_reduction <add>, %get3A_9, %reduce_sum3A [0] : vector<16x1280xf32> to vector<1280xf32>
    %max3A = arith.constant 1.000000e+00 : f32
    %max3A_11 = vector.broadcast %max3A : f32 to vector<1280xf32>
    %max3A_12 = arith.maximumf %reduce_sum3A_10, %max3A_11 : vector<1280xf32>
    %div3A = arith.constant 1.000000e+00 : f32
    %div3A_13 = vector.broadcast %div3A : f32 to vector<1280xf32>
    %div3A_14 = arith.divf %div3A_13, %max3A_12 : vector<1280xf32>
    %reshape3A = vector.shape_cast %div3A_14 : vector<1280xf32> to vector<1280x1xf32>
    %mul3A_15 = vector.broadcast %reshape3A : vector<1280x1xf32> to vector<1280x128xf32>
    %mul3A_16 = arith.mulf %get3A_3, %mul3A_15 : vector<1280x128xf32>
    %get3A_17 = arith.constant 0 : index
    %get3A_18 = arith.constant 0 : index
    %get3A_19 = arith.constant 0 : index
    %get3A_20 = vector.load %arg5[%get3A_17, %get3A_18, %get3A_19] : memref<1x128x128xf32, #tpu.memory_space<vmem>>, vector<1x128x128xf32>
    %get3A_21 = vector.shape_cast %get3A_20 : vector<1x128x128xf32> to vector<128x128xf32>
    %dot_general3A = arith.constant dense<0.000000e+00> : vector<1280x128xf32>
    %dot_general3A_22 = tpu.matmul %mul3A_16, %get3A_21, %dot_general3A {dimension_numbers = #tpu.dot_dimension_numbers<[1], [1], [0], [0], [0, 0, 1, 0], [], []>, transpose_lhs_hint = false} : vector<1280x128xf32>, vector<128x128xf32>, vector<1280x128xf32> -> vector<1280x128xf32>
    %get3A_23 = arith.constant 0 : index
    %get3A_24 = arith.constant 0 : index
    %get3A_25 = arith.constant 0 : index
    %get3A_26 = vector.load %arg6[%get3A_23, %get3A_24, %get3A_25] : memref<1x1x128xf32, #tpu.memory_space<vmem>>, vector<1x1x128xf32>
    %get3A_27 = vector.shape_cast %get3A_26 : vector<1x1x128xf32> to vector<1x128xf32>
    %add3A = vector.broadcast %get3A_27 : vector<1x128xf32> to vector<1280x128xf32>
    %add3A_28 = arith.addf %dot_general3A_22, %add3A : vector<1280x128xf32>
    %get3A_29 = arith.constant 0 : index
    %get3A_30 = arith.constant 0 : index
    %get3A_31 = arith.constant 0 : index
    %get3A_32 = vector.load %arg4[%get3A_29, %get3A_30, %get3A_31] : memref<1x1280x128xf32, #tpu.memory_space<vmem>>, vector<1x1280x128xf32>
    %get3A_33 = vector.shape_cast %get3A_32 : vector<1x1280x128xf32> to vector<1280x128xf32>
    %get3A_34 = arith.constant 0 : index
    %get3A_35 = arith.constant 0 : index
    %get3A_36 = arith.constant 0 : index
    %get3A_37 = vector.load %arg7[%get3A_34, %get3A_35, %get3A_36] : memref<1x128x128xf32, #tpu.memory_space<vmem>>, vector<1x128x128xf32>
    %get3A_38 = vector.shape_cast %get3A_37 : vector<1x128x128xf32> to vector<128x128xf32>
    %dot_general3A_39 = arith.constant dense<0.000000e+00> : vector<1280x128xf32>
    %dot_general3A_40 = tpu.matmul %get3A_33, %get3A_38, %dot_general3A_39 {dimension_numbers = #tpu.dot_dimension_numbers<[1], [1], [0], [0], [0, 0, 1, 0], [], []>, transpose_lhs_hint = false} : vector<1280x128xf32>, vector<128x128xf32>, vector<1280x128xf32> -> vector<1280x128xf32>
    %add3A_41 = arith.addf %add3A_28, %dot_general3A_40 : vector<1280x128xf32>
    %reduce_sum3A_42 = arith.constant dense<0.000000e+00> : vector<1280xf32>
    %reduce_sum3A_43 = vector.multi_reduction <add>, %add3A_41, %reduce_sum3A_42 [1] : vector<1280x128xf32> to vector<1280xf32>
    %broadcast_in_dim3A = vector.shape_cast %reduce_sum3A_43 : vector<1280xf32> to vector<1280x1xf32>
    %div3A_44 = arith.constant 1.280000e+02 : f32
    %div3A_45 = vector.broadcast %div3A_44 : f32 to vector<1280x1xf32>
    %div3A_46 = arith.divf %broadcast_in_dim3A, %div3A_45 : vector<1280x1xf32>
    %sub3A = vector.broadcast %div3A_46 : vector<1280x1xf32> to vector<1280x128xf32>
    %sub3A_47 = arith.subf %add3A_41, %sub3A : vector<1280x128xf32>
    %mul3A_48 = arith.mulf %sub3A_47, %sub3A_47 : vector<1280x128xf32>
    %reduce_sum3A_49 = arith.constant dense<0.000000e+00> : vector<1280xf32>
    %reduce_sum3A_50 = vector.multi_reduction <add>, %mul3A_48, %reduce_sum3A_49 [1] : vector<1280x128xf32> to vector<1280xf32>
    %broadcast_in_dim3A_51 = vector.shape_cast %reduce_sum3A_50 : vector<1280xf32> to vector<1280x1xf32>
    %div3A_52 = arith.constant 1.280000e+02 : f32
    %div3A_53 = vector.broadcast %div3A_52 : f32 to vector<1280x1xf32>
    %div3A_54 = arith.divf %broadcast_in_dim3A_51, %div3A_53 : vector<1280x1xf32>
    %add3A_55 = arith.constant 9.99999974E-6 : f32
    %add3A_56 = vector.broadcast %add3A_55 : f32 to vector<1280x1xf32>
    %add3A_57 = arith.addf %div3A_54, %add3A_56 : vector<1280x1xf32>
    %rsqrt3A = math.rsqrt %add3A_57 : vector<1280x1xf32>
    %mul3A_58 = vector.broadcast %rsqrt3A : vector<1280x1xf32> to vector<1280x128xf32>
    %mul3A_59 = arith.mulf %sub3A_47, %mul3A_58 : vector<1280x128xf32>
    %get3A_60 = arith.constant 0 : index
    %get3A_61 = arith.constant 0 : index
    %get3A_62 = arith.constant 0 : index
    %get3A_63 = vector.load %arg8[%get3A_60, %get3A_61, %get3A_62] : memref<1x1x128xf32, #tpu.memory_space<vmem>>, vector<1x1x128xf32>
    %get3A_64 = vector.shape_cast %get3A_63 : vector<1x1x128xf32> to vector<1x128xf32>
    %mul3A_65 = vector.broadcast %get3A_64 : vector<1x128xf32> to vector<1280x128xf32>
    %mul3A_66 = arith.mulf %mul3A_59, %mul3A_65 : vector<1280x128xf32>
    %get3A_67 = arith.constant 0 : index
    %get3A_68 = arith.constant 0 : index
    %get3A_69 = arith.constant 0 : index
    %get3A_70 = vector.load %arg9[%get3A_67, %get3A_68, %get3A_69] : memref<1x1x128xf32, #tpu.memory_space<vmem>>, vector<1x1x128xf32>
    %get3A_71 = vector.shape_cast %get3A_70 : vector<1x1x128xf32> to vector<1x128xf32>
    %add3A_72 = vector.broadcast %get3A_71 : vector<1x128xf32> to vector<1280x128xf32>
    %add3A_73 = arith.addf %mul3A_66, %add3A_72 : vector<1280x128xf32>
    %max3A_74 = arith.constant 0.000000e+00 : f32
    %max3A_75 = vector.broadcast %max3A_74 : f32 to vector<1280x128xf32>
    %max3A_76 = arith.maximumf %add3A_73, %max3A_75 : vector<1280x128xf32>
    %swap3A = arith.constant 0 : index
    %swap3A_77 = arith.constant 0 : index
    %swap3A_78 = arith.constant 0 : index
    %swap3A_79 = vector.load %arg10[%swap3A, %swap3A_77, %swap3A_78] : memref<1x1280x128xf32, #tpu.memory_space<vmem>>, vector<1x1280x128xf32>
    %swap3A_80 = vector.shape_cast %swap3A_79 : vector<1x1280x128xf32> to vector<1280x128xf32>
    %swap3A_81 = vector.shape_cast %max3A_76 : vector<1280x128xf32> to vector<1x1280x128xf32>
    tpu.vector_store %arg10[%swap3A, %swap3A_77, %swap3A_78], %swap3A_81 {strides = array<i32>} : memref<1x1280x128xf32, #tpu.memory_space<vmem>>, vector<1x1280x128xf32>,
    return
  }
  func.func @transform_0(%arg0: i32, %arg1: i32) -> (i32, i32, i32) {
    %c0_i32 = arith.constant 0 : i32
    %c0_i32_0 = arith.constant 0 : i32
    return %arg0, %arg1, %c0_i32 : i32, i32, i32
  }
  func.func @transform_1(%arg0: i32, %arg1: i32) -> (i32, i32, i32) {
    %c0_i32 = arith.constant 0 : i32
    %c0_i32_0 = arith.constant 0 : i32
    %c0_i32_1 = arith.constant 0 : i32
    return %arg0, %c0_i32, %c0_i32_0 : i32, i32, i32
  }
  func.func @transform_2(%arg0: i32, %arg1: i32) -> (i32, i32, i32) {
    %sub3A = arith.constant 1 : i32
    %sub3A_0 = arith.subi %sub3A, %arg0 : i32
    %c0_i32 = arith.constant 0 : i32
    %c0_i32_1 = arith.constant 0 : i32
    return %sub3A_0, %arg1, %c0_i32 : i32, i32, i32
  }
  func.func @transform_3(%arg0: i32, %arg1: i32) -> (i32, i32, i32) {
    %c0_i32 = arith.constant 0 : i32
    %c0_i32_0 = arith.constant 0 : i32
    %c0_i32_1 = arith.constant 0 : i32
    return %arg0, %c0_i32, %c0_i32_0 : i32, i32, i32
  }
  func.func @transform_4(%arg0: i32, %arg1: i32) -> (i32, i32, i32) {
    %c0_i32 = arith.constant 0 : i32
    %c0_i32_0 = arith.constant 0 : i32
    %c0_i32_1 = arith.constant 0 : i32
    return %arg0, %c0_i32, %c0_i32_0 : i32, i32, i32
  }
  func.func @transform_5(%arg0: i32, %arg1: i32) -> (i32, i32, i32) {
    %c0_i32 = arith.constant 0 : i32
    %c0_i32_0 = arith.constant 0 : i32
    %c0_i32_1 = arith.constant 0 : i32
    return %arg0, %c0_i32, %c0_i32_0 : i32, i32, i32
  }
  func.func @transform_6(%arg0: i32, %arg1: i32) -> (i32, i32, i32) {
    %c0_i32 = arith.constant 0 : i32
    %c0_i32_0 = arith.constant 0 : i32
    %c0_i32_1 = arith.constant 0 : i32
    return %arg0, %c0_i32, %c0_i32_0 : i32, i32, i32
  }
  func.func @transform_7(%arg0: i32, %arg1: i32) -> (i32, i32, i32) {
    %c0_i32 = arith.constant 0 : i32
    %c0_i32_0 = arith.constant 0 : i32
    %c0_i32_1 = arith.constant 0 : i32
    return %arg0, %c0_i32, %c0_i32_0 : i32, i32, i32
  }
  func.func @transform_8(%arg0: i32, %arg1: i32) -> (i32, i32, i32) {
    %c0_i32 = arith.constant 0 : i32
    %c0_i32_0 = arith.constant 0 : i32
    return %arg0, %arg1, %c0_i32 : i32, i32, i32
  }
}

module attributes {stable_mosaic.version = 14 : i64} {
  func.func @_dense_body(%arg0: i32, %arg1: i32, %arg2: memref<1x1280x128xf32, #tpu.memory_space<vmem>>, %arg3: memref<1x16x10240xf32, #tpu.memory_space<vmem>>, %arg4: memref<1x1280x128xf32, #tpu.memory_space<vmem>>, %arg5: memref<1x128x128xf32, #tpu.memory_space<vmem>>, %arg6: memref<1x1x128xf32, #tpu.memory_space<vmem>>, %arg7: memref<1x128x128xf32, #tpu.memory_space<vmem>>, %arg8: memref<1x1x128xf32, #tpu.memory_space<vmem>>, %arg9: memref<1x1x128xf32, #tpu.memory_space<vmem>>, %arg10: memref<1x1280x128xf32, #tpu.memory_space<vmem>>) attributes {dimension_semantics = [#tpu.dimension_semantics<arbitrary>, #tpu.dimension_semantics<arbitrary>], iteration_bounds = array<i64: 2, 8>, scalar_prefetch = 0 : i64, scratch_operands = 0 : i64, tpu.core_type = #tpu.core_type<tc>, window_params = [{transform_indices = @transform_0, window_bounds = array<i64: 1, 1280, 128>}, {transform_indices = @transform_1, window_bounds = array<i64: 1, 16, 10240>}, {transform_indices = @transform_2, window_bounds = array<i64: 1, 1280, 128>}, {transform_indices = @transform_3, window_bounds = array<i64: 1, 128, 128>}, {transform_indices = @transform_4, window_bounds = array<i64: 1, 1, 128>}, {transform_indices = @transform_5, window_bounds = array<i64: 1, 128, 128>}, {transform_indices = @transform_6, window_bounds = array<i64: 1, 1, 128>}, {transform_indices = @transform_7, window_bounds = array<i64: 1, 1, 128>}, {transform_indices = @transform_8, window_bounds = array<i64: 1, 1280, 128>}]} {
    %get3A = arith.constant 0 : index
    %get3A_0 = arith.constant 0 : index
    %get3A_1 = arith.constant 0 : index
    %get3A_2 = vector.load %arg2[%get3A, %get3A_0, %get3A_1] : memref<1x1280x128xf32, #tpu.memory_space<vmem>>, vector<1x1280x128xf32>
    %get3A_3 = vector.shape_cast %get3A_2 : vector<1x1280x128xf32> to vector<1280x128xf32>
    %mul3A = arith.constant 1280 : i32
    %mul3A_4 = arith.muli %arg1, %mul3A : i32
    %get3A_5 = arith.constant 0 : index
    %get3A_6 = arith.constant 0 : index
    %get3A_7 = arith.index_cast %mul3A_4 : i32 to index
    %get3A_8 = vector.load %arg3[%get3A_5, %get3A_6, %get3A_7] : memref<1x16x10240xf32, #tpu.memory_space<vmem>>, vector<1x16x1280xf32>
    %get3A_9 = vector.shape_cast %get3A_8 : vector<1x16x1280xf32> to vector<16x1280xf32>
    %reduce_sum3A = arith.constant dense<0.000000e+00> : vector<1280xf32>
    %reduce_sum3A_10 = vector.multi_reduction <add>, %get3A_9, %reduce_sum3A [0] : vector<16x1280xf32> to vector<1280xf32>
    %max3A = arith.constant 1.000000e+00 : f32
    %max3A_11 = vector.broadcast %max3A : f32 to vector<1280xf32>
    %max3A_12 = arith.maximumf %reduce_sum3A_10, %max3A_11 : vector<1280xf32>
    %div3A = arith.constant 1.000000e+00 : f32
    %div3A_13 = vector.broadcast %div3A : f32 to vector<1280xf32>
    %div3A_14 = arith.divf %div3A_13, %max3A_12 : vector<1280xf32>
    %reshape3A = vector.shape_cast %div3A_14 : vector<1280xf32> to vector<1280x1xf32>
    %mul3A_15 = vector.broadcast %reshape3A : vector<1280x1xf32> to vector<1280x128xf32>
    %mul3A_16 = arith.mulf %get3A_3, %mul3A_15 : vector<1280x128xf32>
    %get3A_17 = arith.constant 0 : index
    %get3A_18 = arith.constant 0 : index
    %get3A_19 = arith.constant 0 : index
    %get3A_20 = vector.load %arg5[%get3A_17, %get3A_18, %get3A_19] : memref<1x128x128xf32, #tpu.memory_space<vmem>>, vector<1x128x128xf32>
    %get3A_21 = vector.shape_cast %get3A_20 : vector<1x128x128xf32> to vector<128x128xf32>
    %dot_general3A = arith.constant dense<0.000000e+00> : vector<1280x128xf32>
    %dot_general3A_22 = tpu.matmul %mul3A_16, %get3A_21, %dot_general3A {dimension_numbers = #tpu.dot_dimension_numbers<[1], [1], [0], [0], [0, 0, 1, 0], [], []>, transpose_lhs_hint = false} : vector<1280x128xf32>, vector<128x128xf32>, vector<1280x128xf32> -> vector<1280x128xf32>
    %get3A_23 = arith.constant 0 : index
    %get3A_24 = arith.constant 0 : index
    %get3A_25 = arith.constant 0 : index
    %get3A_26 = vector.load %arg6[%get3A_23, %get3A_24, %get3A_25] : memref<1x1x128xf32, #tpu.memory_space<vmem>>, vector<1x1x128xf32>
    %get3A_27 = vector.shape_cast %get3A_26 : vector<1x1x128xf32> to vector<1x128xf32>
    %add3A = vector.broadcast %get3A_27 : vector<1x128xf32> to vector<1280x128xf32>
    %add3A_28 = arith.addf %dot_general3A_22, %add3A : vector<1280x128xf32>
    %get3A_29 = arith.constant 0 : index
    %get3A_30 = arith.constant 0 : index
    %get3A_31 = arith.constant 0 : index
    %get3A_32 = vector.load %arg4[%get3A_29, %get3A_30, %get3A_31] : memref<1x1280x128xf32, #tpu.memory_space<vmem>>, vector<1x1280x128xf32>
    %get3A_33 = vector.shape_cast %get3A_32 : vector<1x1280x128xf32> to vector<1280x128xf32>
    %get3A_34 = arith.constant 0 : index
    %get3A_35 = arith.constant 0 : index
    %get3A_36 = arith.constant 0 : index
    %get3A_37 = vector.load %arg7[%get3A_34, %get3A_35, %get3A_36] : memref<1x128x128xf32, #tpu.memory_space<vmem>>, vector<1x128x128xf32>
    %get3A_38 = vector.shape_cast %get3A_37 : vector<1x128x128xf32> to vector<128x128xf32>
    %dot_general3A_39 = arith.constant dense<0.000000e+00> : vector<1280x128xf32>
    %dot_general3A_40 = tpu.matmul %get3A_33, %get3A_38, %dot_general3A_39 {dimension_numbers = #tpu.dot_dimension_numbers<[1], [1], [0], [0], [0, 0, 1, 0], [], []>, transpose_lhs_hint = false} : vector<1280x128xf32>, vector<128x128xf32>, vector<1280x128xf32> -> vector<1280x128xf32>
    %add3A_41 = arith.addf %add3A_28, %dot_general3A_40 : vector<1280x128xf32>
    %reduce_sum3A_42 = arith.constant dense<0.000000e+00> : vector<1280xf32>
    %reduce_sum3A_43 = vector.multi_reduction <add>, %add3A_41, %reduce_sum3A_42 [1] : vector<1280x128xf32> to vector<1280xf32>
    %broadcast_in_dim3A = vector.shape_cast %reduce_sum3A_43 : vector<1280xf32> to vector<1280x1xf32>
    %div3A_44 = arith.constant 1.280000e+02 : f32
    %div3A_45 = vector.broadcast %div3A_44 : f32 to vector<1280x1xf32>
    %div3A_46 = arith.divf %broadcast_in_dim3A, %div3A_45 : vector<1280x1xf32>
    %sub3A = vector.broadcast %div3A_46 : vector<1280x1xf32> to vector<1280x128xf32>
    %sub3A_47 = arith.subf %add3A_41, %sub3A : vector<1280x128xf32>
    %mul3A_48 = arith.mulf %sub3A_47, %sub3A_47 : vector<1280x128xf32>
    %reduce_sum3A_49 = arith.constant dense<0.000000e+00> : vector<1280xf32>
    %reduce_sum3A_50 = vector.multi_reduction <add>, %mul3A_48, %reduce_sum3A_49 [1] : vector<1280x128xf32> to vector<1280xf32>
    %broadcast_in_dim3A_51 = vector.shape_cast %reduce_sum3A_50 : vector<1280xf32> to vector<1280x1xf32>
    %div3A_52 = arith.constant 1.280000e+02 : f32
    %div3A_53 = vector.broadcast %div3A_52 : f32 to vector<1280x1xf32>
    %div3A_54 = arith.divf %broadcast_in_dim3A_51, %div3A_53 : vector<1280x1xf32>
    %add3A_55 = arith.constant 9.99999974E-6 : f32
    %add3A_56 = vector.broadcast %add3A_55 : f32 to vector<1280x1xf32>
    %add3A_57 = arith.addf %div3A_54, %add3A_56 : vector<1280x1xf32>
    %rsqrt3A = math.rsqrt %add3A_57 : vector<1280x1xf32>
    %mul3A_58 = vector.broadcast %rsqrt3A : vector<1280x1xf32> to vector<1280x128xf32>
    %mul3A_59 = arith.mulf %sub3A_47, %mul3A_58 : vector<1280x128xf32>
    %get3A_60 = arith.constant 0 : index
    %get3A_61 = arith.constant 0 : index
    %get3A_62 = arith.constant 0 : index
    %get3A_63 = vector.load %arg8[%get3A_60, %get3A_61, %get3A_62] : memref<1x1x128xf32, #tpu.memory_space<vmem>>, vector<1x1x128xf32>
    %get3A_64 = vector.shape_cast %get3A_63 : vector<1x1x128xf32> to vector<1x128xf32>
    %mul3A_65 = vector.broadcast %get3A_64 : vector<1x128xf32> to vector<1280x128xf32>
    %mul3A_66 = arith.mulf %mul3A_59, %mul3A_65 : vector<1280x128xf32>
    %get3A_67 = arith.constant 0 : index
    %get3A_68 = arith.constant 0 : index
    %get3A_69 = arith.constant 0 : index
    %get3A_70 = vector.load %arg9[%get3A_67, %get3A_68, %get3A_69] : memref<1x1x128xf32, #tpu.memory_space<vmem>>, vector<1x1x128xf32>
    %get3A_71 = vector.shape_cast %get3A_70 : vector<1x1x128xf32> to vector<1x128xf32>
    %add3A_72 = vector.broadcast %get3A_71 : vector<1x128xf32> to vector<1280x128xf32>
    %add3A_73 = arith.addf %mul3A_66, %add3A_72 : vector<1280x128xf32>
    %max3A_74 = arith.constant 0.000000e+00 : f32
    %max3A_75 = vector.broadcast %max3A_74 : f32 to vector<1280x128xf32>
    %max3A_76 = arith.maximumf %add3A_73, %max3A_75 : vector<1280x128xf32>
    %swap3A = arith.constant 0 : index
    %swap3A_77 = arith.constant 0 : index
    %swap3A_78 = arith.constant 0 : index
    %swap3A_79 = vector.load %arg10[%swap3A, %swap3A_77, %swap3A_78] : memref<1x1280x128xf32, #tpu.memory_space<vmem>>, vector<1x1280x128xf32>
    %swap3A_80 = vector.shape_cast %swap3A_79 : vector<1x1280x128xf32> to vector<1280x128xf32>
    %swap3A_81 = vector.shape_cast %max3A_76 : vector<1280x128xf32> to vector<1x1280x128xf32>
    tpu.vector_store %arg10[%swap3A, %swap3A_77, %swap3A_78], %swap3A_81 {strides = array<i32>} : memref<1x1280x128xf32, #tpu.memory_space<vmem>>, vector<1x1280x128xf32>,
    return
  }
  func.func @transform_0(%arg0: i32, %arg1: i32) -> (i32, i32, i32) {
    %c0_i32 = arith.constant 0 : i32
    %c0_i32_0 = arith.constant 0 : i32
    return %arg0, %arg1, %c0_i32 : i32, i32, i32
  }
  func.func @transform_1(%arg0: i32, %arg1: i32) -> (i32, i32, i32) {
    %c0_i32 = arith.constant 0 : i32
    %c0_i32_0 = arith.constant 0 : i32
    %c0_i32_1 = arith.constant 0 : i32
    return %arg0, %c0_i32, %c0_i32_0 : i32, i32, i32
  }
  func.func @transform_2(%arg0: i32, %arg1: i32) -> (i32, i32, i32) {
    %c0_i32 = arith.constant 0 : i32
    %c0_i32_0 = arith.constant 0 : i32
    return %arg0, %arg1, %c0_i32 : i32, i32, i32
  }
  func.func @transform_3(%arg0: i32, %arg1: i32) -> (i32, i32, i32) {
    %c0_i32 = arith.constant 0 : i32
    %c0_i32_0 = arith.constant 0 : i32
    %c0_i32_1 = arith.constant 0 : i32
    return %arg0, %c0_i32, %c0_i32_0 : i32, i32, i32
  }
  func.func @transform_4(%arg0: i32, %arg1: i32) -> (i32, i32, i32) {
    %c0_i32 = arith.constant 0 : i32
    %c0_i32_0 = arith.constant 0 : i32
    %c0_i32_1 = arith.constant 0 : i32
    return %arg0, %c0_i32, %c0_i32_0 : i32, i32, i32
  }
  func.func @transform_5(%arg0: i32, %arg1: i32) -> (i32, i32, i32) {
    %c0_i32 = arith.constant 0 : i32
    %c0_i32_0 = arith.constant 0 : i32
    %c0_i32_1 = arith.constant 0 : i32
    return %arg0, %c0_i32, %c0_i32_0 : i32, i32, i32
  }
  func.func @transform_6(%arg0: i32, %arg1: i32) -> (i32, i32, i32) {
    %c0_i32 = arith.constant 0 : i32
    %c0_i32_0 = arith.constant 0 : i32
    %c0_i32_1 = arith.constant 0 : i32
    return %arg0, %c0_i32, %c0_i32_0 : i32, i32, i32
  }
  func.func @transform_7(%arg0: i32, %arg1: i32) -> (i32, i32, i32) {
    %c0_i32 = arith.constant 0 : i32
    %c0_i32_0 = arith.constant 0 : i32
    %c0_i32_1 = arith.constant 0 : i32
    return %arg0, %c0_i32, %c0_i32_0 : i32, i32, i32
  }
  func.func @transform_8(%arg0: i32, %arg1: i32) -> (i32, i32, i32) {
    %c0_i32 = arith.constant 0 : i32
    %c0_i32_0 = arith.constant 0 : i32
    return %arg0, %arg1, %c0_i32 : i32, i32, i32
  }
}

</mosaic_0001>

<sc_bundles>
// kernel: sc_layer.3.cloned.1.call-start
scs
__scs_entry_jumppad:
0x0: {  	(pc) =	sbr.rel $0x88, $3  }
0x1: {  	(tag) =	ssettag $0x0;
	lr =	simm.s32 $0x1  }
0x2: {  	[smem:$0x3F89] =	sst lr;
	_ =	strace $0xD0000000  }
0x3: {  	_ = 	snop  }
0x4: {  	_ = 	snop  }
0x5: {  	_ = 	snop  }
0x6: {  	_ = 	snop  }
0x7: {  	_ = 	snop  }
__scs_overlays_trampoline_lowered:
0x8: {  	[smem:$0x3F98] =	sst s0  }
0x9: {  	[smem:$0x3F99] =	sst s1  }
0xa: {  	[smem:$0x3F9A] =	sst s2  }
0xb: {  	[smem:$0x3F9B] =	sst s3  }
0xc: {  	[smem:$0x3F9C] =	sst s4  }
0xd: {  	[smem:$0x3F9D] =	sst s5  }
0xe: {  	[smem:$0x3F9E] =	sst s6  }
0xf: {  	[smem:$0x3F9F] =	sst s7  }
0x10: {  	[smem:$0x3FA0] =	sst s8  }
0x11: {  	[smem:$0x3FA1] =	sst s9;
	s0 =	simm.s32 @!p0 $0x0  }
0x12: {  	s1 =	sld [smem:$0x3F87];
	s0 =	simm.s32 @p0 $0x1  }
0x13: {  	[smem:$0x3FA2] =	sst s0;
	s0 =	simm.s32 @!p1 $0x0  }
0x14: {  	s2 =	sld [smem:$0x3F86];
	s0 =	simm.s32 @p1 $0x1  }
0x15: {  	[smem:$0x3FA3] =	sst s0;
	s0 =	simm.s32 @!p2 $0x0  }
0x16: {  	s3 =	sld [smem:$0x3FDB];
	s0 =	simm.s32 @p2 $0x1  }
0x17: {  	s4 =	simm.s32 $0x1BF5;
	[smem:$0x3FA5] =	sst s0  }
0x18: {  	s0 =	sld [smem:$0x3F88];
	_ =	swait.ge [sflag:s4], $0x0  }
0x19: {  	s7 =	sld [smem:$0x3F89]  }
0x1a: {  	s8 =	sadd.s32 $0xFFFFE003, lr  }
0x1b: {  	s9 =	sadd.s32 $0xFFFFFEF7, lr;
	s5 =	simm.s32 $0xFFFFFFFF;
	p2 =	slt.u32 s8, $0xFFFFF086  }
0x1c: {  	p1 =	slt.u32 s9, $0xF7A;
	s5 =	simm.s32 @!p2 $0x0  }
0x1d: {  	s5 =	simm.s32 @p1 $0x1;
	p0 =	seq.s32 s7, s2  }
0x1e: {  	s7 =	smul.u32 @!p0 $0xF7A, s2;
	p2 =	seq.s32 @!p0 s5, $0x0  }
0x1f: {  	s9 =	smul.u32 $0xF7A, s1;
	s8 =	simm.s32 @!p0 $0x1BF5;
	p2 =	por !p2, p0  }
0x20: {  	[sflag:s8] =	ssyncset.s32 @!p0 $0xFFFFF086;
	s6 =	sadd.s32 @!p0 s3, s7;
	s7 =	simm.s32 @!p0 $0x108  }
0x21: {  	s3 =	sadd.s32 s3, s9;
	s6 =	sadd.s32 @!p0 $0x88, s6;
	s7 =	simm.s32 @p2 $0x1082  }
0x22: {  	[simem:s7], [sflag:s8] =	dma.local @!p0 [hbm:s6], $0xF7A  }
0x23: {  	s9 =	sor.u32 $0xD0000000, s2;
	s6 =	simm.s32 $0x108;
	_ =	swait.ge @!p0 [sflag:s8], $0x0  }
0x24: {  	s3 =	sadd.s32 $0x88, s3;
	s6 =	simm.s32 @!p1 $0x1082;
	[sflag:s4] =	ssyncset.s32 $0xFFFFF086  }
0x25: {  	[simem:s6], [sflag:s4] =	dma.local [hbm:s3], $0xF7A  }
0x26: {  	[smem:$0x3F89] =	sst s1;
	(tag) =	ssettag s2;
	_ =	strace s9  }
0x27: {  	s1 =	sld [smem:$0x3F99]  }
0x28: {  	s2 =	sld [smem:$0x3F9A]  }
0x29: {  	s4 =	sld [smem:$0x3F9C]  }
0x2a: {  	p0 =	seq.s32 s5, $0x0;
	s5 =	sld [smem:$0x3F9D]  }
0x2b: {  	s6 =	sld [smem:$0x3F9E]  }
0x2c: {  	s7 =	sld [smem:$0x3F9F]  }
0x2d: {  	s3 =	simm.s32 $0x108;
	s8 =	sld [smem:$0x3FA0]  }
0x2e: {  	s3 =	simm.s32 @!p0 $0x1082;
	s9 =	sld [smem:$0x3FA1]  }
0x2f: {  	lr =	sadd.s32 s0, s3;
	s0 =	sld [smem:$0x3F98]  }
0x30: {  	s3 =	sld [smem:$0x3F9B]  }
0x31: {  	[smem:$0x3FA4] =	sst s10  }
0x32: {  	s10 =	sld [smem:$0x3FA2];
	_ =	sdelay $0x3  }
0x33: {  	p0 =	seq.s32 s10, $0x1;
	s10 =	sld [smem:$0x3FA4];
	_ =	sdelay $0x3  }
0x34: {  	[smem:$0x3FA4] =	sst s10  }
0x35: {  	s10 =	sld [smem:$0x3FA3];
	_ =	sdelay $0x3  }
0x36: {  	p1 =	seq.s32 s10, $0x1;
	s10 =	sld [smem:$0x3FA4];
	_ =	sdelay $0x3  }
0x37: {  	[smem:$0x3FA4] =	sst s10  }
0x38: {  	s10 =	sld [smem:$0x3FA5]  }
0x39: {  	_ = 	snop;
	(pc) =	sbr.ind lr, $3  }
0x3a: {  	_ = 	snop  }
0x3b: {  	_ = 	snop  }
0x3c: {  	p2 =	seq.s32 s10, $0x1;
	s10 =	sld [smem:$0x3FA4]  }
0x3d: {  	_ =	shalt  }
0x3e: {  	_ =	shalt  }
0x3f: {  	_ =	shalt  }
0x40: {  	_ =	shalt  }
0x41: {  	_ =	shalt  }
0x42: {  	_ =	shalt  }
0x43: {  	_ =	shalt  }
0x44: {  	_ =	shalt  }
0x45: {  	_ =	shalt  }
0x46: {  	_ =	shalt  }
0x47: {  	_ =	shalt  }
0x48: {  	_ =	shalt  }
0x49: {  	_ =	shalt  }
0x4a: {  	_ =	shalt  }
0x4b: {  	_ =	shalt  }
0x4c: {  	_ =	shalt  }
0x4d: {  	_ =	shalt  }
0x4e: {  	_ =	shalt  }
0x4f: {  	_ =	shalt  }
0x50: {  	_ =	shalt  }
0x51: {  	_ =	shalt  }
0x52: {  	_ =	shalt  }
0x53: {  	_ =	shalt  }
0x54: {  	_ =	shalt  }
0x55: {  	_ =	shalt  }
0x56: {  	_ =	shalt  }
0x57: {  	_ =	shalt  }
0x58: {  	_ =	shalt  }
0x59: {  	_ =	shalt  }
0x5a: {  	_ =	shalt  }
0x5b: {  	_ =	shalt  }
0x5c: {  	_ =	shalt  }
0x5d: {  	_ =	shalt  }
0x5e: {  	_ =	shalt  }
0x5f: {  	_ =	shalt  }
0x60: {  	_ =	shalt  }
0x61: {  	_ =	shalt  }
0x62: {  	_ =	shalt  }
0x63: {  	_ =	shalt  }
0x64: {  	_ =	shalt  }
0x65: {  	_ =	shalt  }
0x66: {  	_ =	shalt  }
0x67: {  	_ =	shalt  }
0x68: {  	_ =	shalt  }
0x69: {  	_ =	shalt  }
0x6a: {  	_ =	shalt  }
0x6b: {  	_ =	shalt  }
0x6c: {  	_ =	shalt  }
0x6d: {  	_ =	shalt  }
0x6e: {  	_ =	shalt  }
0x6f: {  	_ =	shalt  }
0x70: {  	_ =	shalt  }
0x71: {  	_ =	shalt  }
0x72: {  	_ =	shalt  }
0x73: {  	_ =	shalt  }
0x74: {  	_ =	shalt  }
0x75: {  	_ =	shalt  }
0x76: {  	_ =	shalt  }
0x77: {  	_ =	shalt  }
0x78: {  	_ =	shalt  }
0x79: {  	_ =	shalt  }
0x7a: {  	_ =	shalt  }
0x7b: {  	_ =	shalt  }
0x7c: {  	_ =	shalt  }
0x7d: {  	_ =	shalt  }
0x7e: {  	_ =	shalt  }
0x7f: {  	_ =	shalt  }
0x80: {  	_ =	shalt  }
0x81: {  	_ =	shalt  }
0x82: {  	_ =	shalt  }
0x83: {  	_ =	shalt  }
0x84: {  	_ =	shalt  }
0x85: {  	_ =	shalt  }
0x86: {  	_ =	shalt  }
0x87: {  	_ =	shalt  }
.Lfunc_end0:
.L_simem_size_0:
called_computation.1_lowered:
.L_overlay_start_0:
0x88: {  	s2 =	sld [smem:$0x3FD9]  }
0x89: {  	s3 =	sld [smem:$0x3FFE];
	_ =	sdelay $0x1  }
0x8a: {  	s1 =	srdreg.scid  }
0x8b: {  	s0 =	sand.u32 $0x1, s1  }
0x8c: {  	s14 =	sshll.u32 s0, $0xA;
	s2 =	sadd.s32 s3, s2  }
0x8d: {  	s2 =	sadd.s32 s2, s14  }
0x8e: {  	[smem:$0x3FB0] =	sst s2  }
0x8f: {  	_ = 	snop  }
0x90: {  	s2 =	sld [smem:$0x3FD0];
	_ =	sdelay $0x2  }
0x91: {  	s15 =	simm.s32 $0xA;
	s4 =	simm.s32 $0x10  }
0x92: {  	[smem:s4], [sflag:s15] =	dma.local [hbm:s2], $0x1  }
0x93: {  	_ =	swait.eq [sflag:s15], $0x1  }
0x94: {  	[sflag:s15] =	ssyncset.done $0x0  }
0x95: {  	[sflag:s15] =	ssyncadd.s32 $0xFFFFFFFF  }
0x96: {  	s16 =	sld [smem:$0x11];
	(tm) =	ssettm $0x1  }
0x97: {  	s17 =	sld [smem:$0x3FFB];
	_ =	sdelay $0x3  }
0x98: {  	_ =	strace s17  }
0x99: {  	s3 =	sld [smem:$0x3FFC];
	_ =	sdelay $0x3  }
0x9a: {  	_ =	strace s3  }
0x9b: {  	s3 =	sld [smem:$0x3FFD];
	_ =	sdelay $0x3  }
0x9c: {  	_ =	strace s3  }
0x9d: {  	_ =	strace $0x8FFFFFFF  }
0x9e: {  	s18 =	sld [smem:$0x3FDB];
	_ =	sdelay $0x1  }
0x9f: {  	s19 =	simm.s32 $_scs_section_size  }
0xa0: {  	s5 =	simm.s32 $_size__tile_overlayer_lowered;
	s6 =	simm.s32 $_tile_overlayer_lowered  }
0xa1: {  	s22 =	simm.s32 $0x1BFF;
	s21 =	sshll.u32 s6, $0x1;
	s3 =	sadd.s32 s19, s18  }
0xa2: {  	s7 =	simm.s32 $0x0;
	s20 =	sshll.u32 s5, $0x1;
	s5 =	sadd.s32 s21, s3  }
0xa3: {  	[timem:s7], [sflag:s22] =	dma.local [hbm:s5], s20  }
0xa4: {  	_ =	swait.ge [sflag:s22], s20  }
0xa5: {  	s4 =	ssub.s32 $0x0, s20;
	[sflag:s22] =	ssyncset.done $0x0  }
0xa6: {  	[sflag:s22] =	ssyncadd.s32 s4;
	_ =	sdelay $0x1  }
0xa7: {  	s23 =	simm.s32 $0x1B8B  }
0xa8: {  	_ =	swait.ge [sflag:s23], $0x1  }
0xa9: {  	[sflag:s23] =	ssyncset.done $0x0  }
0xaa: {  	s25 =	simm.s32 $0x1B8E;
	s24 =	sld [smem:$0x3FFE];
	[sflag:s23] =	ssyncadd.s32 $0xFFFFFFFF  }
0xab: {  	s26 =	simm.s32 $execute0_lowered;
	[smem:$0x3FD2] =	sst s25  }
0xac: {  	s5 =	sshll.u32 s26, $0x1;
	_ =	strace $0x80000049;
	[dreg:$0x1] =	wrdreg $0xFFFFFFFF  }
0xad: {  	s28 =	simm.s32 $_size_execute0_lowered;
	s3 =	sadd.s32 s3, s5;
	[dreg:$0x0] =	wrdreg $0x0  }
0xae: {  	s5 =	sshll.u32 s28, $0x1;
	[dreg:$0x2] =	wrdreg s3  }
0xaf: {  	[dreg:$0x3] =	wrdreg s5  }
0xb0: {  	[dreg:$0x4] =	wrdreg $0xC0  }
0xb1: {  	_ =	task [dreg:s7], $0x5FFFF  }
0xb2: {  	[dreg:$0x1] =	wrdreg $0xFFFFFFFF  }
0xb3: {  	[dreg:$0x0] =	wrdreg $0x60  }
0xb4: {  	[dreg:$0x2] =	wrdreg s24  }
0xb5: {  	[dreg:$0x3] =	wrdreg s16  }
0xb6: {  	[dreg:$0x4] =	wrdreg $0x0  }
0xb7: {  	[dreg:$0x5] =	wrdreg $0x9  }
0xb8: {  	_ =	task.clear_ibuf [dreg:s7], $0x6FFFF;
	_ =	strace $0x90000049  }
0xb9: {  	s29 =	simm.s32 $0x9;
	_ =	strace $0x8000004B  }
0xba: {  	_ =	swait.ge [sflag:s29], $0x1  }
0xbb: {  	[sflag:s29] =	ssyncadd.s32 $0xFFFFFFFF  }
0xbc: {  	_ =	strace $0x9000004B  }
0xbd: {  	_ =	sfence  }
0xbe: {  	s30 =	sld [smem:$0x0];
	_ =	sdelay $0x2  }
0xbf: {  	s31 =	sshll.u32 s1, $0xD;
	s1 =	sshrl.u32 s1, $0x2  }
0xc0: {  	s3 =	sand.u32 $0x4000, s31;
	s1 =	sadd.s32 s1, s30  }
0xc1: {  	s0 =	sor.u32 s3, s0;
	s1 =	sshll.u32 s1, $0x11  }
0xc2: {  	s0 =	sor.u32 s1, s0  }
0xc3: {  	s0 =	sadd.s32 $0x8F2B, s0  }
0xc4: {  	[sflag:s0] =	ssyncadd.remote.s32 $0x1  }
0xc5: {  	_ =	sfence.sel $0xFFFF  }
0xc6: {  	[dreg:$0x0] =	wrdreg $0xFFFFFFFF;
	(pc) =	sbr.abs _section_cstart, $3  }
0xc7: {  	[dreg:$0x1] =	wrdreg $0xFFFFFFFF  }
0xc8: {  	_ =	task.clear_ibuf [dreg:s7], $0x2FFFF;
	_ =	strace $0x9FFFFFFF  }
0xc9: {  	(tm) =	ssettm $0x7FFFFFFF  }
tec
execute0_lowered:
.L_overlay_start_1:
0x0: {  	(tag) =	ssettag $0x1  }
0x1: {  	s0 =	rddreg [dreg:$0x0]  }
0x2: {  	s2 =	rddreg [dreg:$0x1]  }
0x3: {  	s3 =	rddreg [dreg:$0x2]  }
0x4: {  	s4 =	simm.s32 $0x0;
	s12 =	stileid.u32;
	s1 =	srdreg.scid  }
0x5: {  	s28 =	simm.s32 $0x14300;
	s29 =	simm.s32 $0x14280;
	s30 =	simm.s32 $0x18300  }
0x6: {  	s31 =	simm.s32 $0x3;
	s16 =	simm.s32 $0x0;
	s7 =	smul.u32 $0x14000, s12  }
0x7: {  	[smem:$0x7FF] =	sst s4;
	s1 =	sand.u32 $0x1, s1;
	s9 =	smul.u32 $0x50000, s12  }
0x8: {  	s5 =	sadd.s32 $0x5800, s0;
	s6 =	sadd.s32 $0x55800, s0;
	s8 =	smul.u32 $0x140000, s1  }
0x9: {  	s22 =	sshll.u32 s12, $0x6;
	_ =	strace $0x8000004A;
	s10 =	sshrl.u32 s7, $0x3  }
0xa: {  	s9 =	sshrl.u32 s9, $0x2;
	s8 =	sadd.s32 s7, s8;
	s7 =	smul.u32 $0x50000, s1  }
0xb: {  	s1 =	ssub.s32 $0x2, s1;
	s10 =	sadd.s32 s10, s0;
	s9 =	sadd.s32 s9, s3  }
0xc: {  	s11 =	sshrl.u32 s8, $0x3;
	s8 =	smul.u32 $0x5000, s12;
	s19 =	sshrl.u32 s1, $0x1  }
0xd: {  	s10 =	sadd.s32 $0x69800, s10;
	s15 =	sshrl.u32 s9, $0x3;
	s9 =	simm.s32 $0x4  }
0xe: {  	s12 =	simm.s32 $0x2;
	s0 =	sadd.s32 s11, s0;
	[dreg:$0x4] =	wrdreg s10  }
0xf: {  	s1 =	ssub.s32 s1, s19;
	s11 =	sor.u32 $0x1C09, s22;
	[dreg:$0xe] =	wrdreg s15  }
0x10: {  	s20 =	sadd.s32 s8, s7;
	s0 =	sadd.s32 $0x91800, s0;
	[dreg:$0x6] =	wrdreg s11  }
0x11: {  	s26 =	smax.u32 s1, $0x1;
	s21 =	sshrl.u32 s20, $0x3;
	[dreg:$0xc] =	wrdreg s0  }
0x12: {  	s1 =	simm.s32 $0x7;
	[dreg:$0xd] =	wrdreg s26;
	s13 =	sadd.s32 s6, s21  }
0x13: {  	s23 =	sor.u32 $0x10, s21;
	s10 =	sadd.s32 s2, s21;
	[dreg:$0x5] =	wrdreg s13  }
0x14: {  	s20 =	simm.s32 $0x9;
	s14 =	sadd.s32 s6, s23;
	[dreg:$0xa] =	wrdreg s10  }
.Ltmp0:
0x15: {  	s24 =	sadd.s32 $0x20, s13;
	[dreg:$0x7] =	wrdreg s14;
	(pc) =	sbr.rel .LBB2_1-.Ltmp0, $4  }
0x16: {  	s26 =	simm.s32 $0x80;
	s13 =	sadd.s32 $0x30, s13;
	[dreg:$0x8] =	wrdreg s24  }
0x17: {  	s0 =	simm.s32 $0x1;
	s25 =	sadd.s32 s2, s23;
	[dreg:$0x9] =	wrdreg s13  }
0x18: {  	s23 =	simm.s32 $0x14080;
	[dreg:$0xb] =	wrdreg s25;
	s24 =	simm.s32 $0x14180  }
0x19: {  	s25 =	simm.s32 $0x14200;
	s13 =	simm.s32 $0x8;
	s14 =	simm.s32 $0x6  }
.LBB2_4:
0x1a: {  	[bflag:$0x0] =	sbarrier.arrive $0xFFFF  }
0x1b: {  	s11 =	rddreg [dreg:$0x6]  }
0x1c: {  	s10 =	rddreg [dreg:$0xc]  }
0x1d: {  	s15 =	rddreg [dreg:$0xe]  }
0x1e: {  	[hbm:s10], [sflag:s11] =	dma.local [spmem:s15], $0x2800  }
0x1f: {  	_ =	swait.ge [sflag:s20], $0x2800  }
0x20: {  	s16 =	rddreg [dreg:$0xf]  }
0x21: {  	s22 =	rddreg [dreg:$0xd];
	s16 =	sadd.s32 $0x1, s16  }
0x22: {  	p0 =	sne.s32 s16, s22  }
.Ltmp1:
0x23: {  	_ = 	snop;
	(pc) =	sbr.rel @!p0 .LBB2_5-.Ltmp1, $3  }
0x24: {  	_ =	sdelay $0x1  }
0x25: {  	[sflag:s20] =	ssyncset.done $0x0  }
0x26: {  	[sflag:s20] =	ssyncadd.s32 $0xFFFFD800  }
.LBB2_1:
0x27: {  	[dreg:$0xf] =	wrdreg s16  }
0x28: {  	s10 =	rddreg [dreg:$0x4]  }
0x29: {  	[spmem:s15], [sflag:s11] =	dma.local [hbm:s10], $0x2800  }
0x2a: {  	_ =	swait.ge [sflag:s20], $0x2800  }
0x2b: {  	[sflag:s20] =	ssyncset.done $0x0  }
0x2c: {  	[sflag:s20] =	ssyncadd.s32 $0xFFFFD800  }
0x2d: {  	[bflag:$0x0] =	sbarrier.arrive $0xFFFF  }
0x2e: {  	s22 =	simm.s32 $0x14000;
	s21 =	rddreg [dreg:$0x5]  }
0x2f: {  	[tilespmem:s22], [sflag:$0x9] =	stream.linear.gather [hbm4b:s21+s4], $0x80, $0x38;
	[tilespmem:$0x1C300] =	vst v63  }
0x30: {  	_ =	swait.ge [sflag:s20], $0x80  }
0x31: {  	[sflag:s20] =	ssyncset.done $0x0  }
0x32: {  	s15 =	simm.s32 $0x14080;
	s16 =	rddreg [dreg:$0x7];
	[sflag:s20] =	ssyncadd.s32 $0xFFFFFF80  }
0x33: {  	[tilespmem:s15], [sflag:$0x9] =	stream.linear.gather [hbm4b:s16+s4], $0x80, $0x38;
	[tilespmem:$0x1C300] =	vst v63  }
0x34: {  	_ =	swait.ge [sflag:s20], $0x80  }
0x35: {  	[sflag:s20] =	ssyncset.done $0x0  }
0x36: {  	s18 =	simm.s32 $0x14100;
	s17 =	rddreg [dreg:$0x8];
	[sflag:s20] =	ssyncadd.s32 $0xFFFFFF80  }
0x37: {  	[tilespmem:s18], [sflag:$0x7] =	stream.linear.gather [hbm4b:s17+s4], $0x80, $0x38;
	[tilespmem:$0x1C300] =	vst v63  }
0x38: {  	s19 =	rddreg [dreg:$0x9]  }
0x39: {  	[tilespmem:s24], [sflag:$0x8] =	stream.linear.gather [hbm4b:s19+s4], $0x80, $0x38;
	[tilespmem:$0x1C300] =	vst v63  }
0x3a: {  	s21 =	rddreg [dreg:$0xa]  }
0x3b: {  	[tilespmem:s25], [sflag:$0x3] =	stream.linear.gather [hbm4b:s21+s4], $0x80, $0x38;
	[tilespmem:$0x1C300] =	vst v63  }
0x3c: {  	_ = 	snop  }
0x3d: {  	[tilespmem:s28], [sflag:$0x1] =	stream.indirect.gather [hbm4b:s5+s26], $0x80, s22, s26, $0xb8;
	[tilespmem:$0x1C300] =	vst v63  }
0x3e: {  	s22 =	rddreg [dreg:$0xb]  }
0x3f: {  	[tilespmem:s29], [sflag:$0x4] =	stream.linear.gather [hbm4b:s22+s4], $0x80, $0x38;
	[tilespmem:$0x1C300] =	vst v63  }
0x40: {  	s16 =	simm.s32 $0x0  }
0x41: {  	[tilespmem:s30], [sflag:$0x2] =	stream.indirect.gather [hbm4b:s5+s26], $0x80, s15, s26, $0xb8;
	[tilespmem:$0x1C300] =	vst v63  }
.LBB2_2:
0x42: {  	_ =	swait.ge [sflag:s31], $0x80  }
0x43: {  	[sflag:s31] =	ssyncset.done $0x0  }
0x44: {  	[sflag:s31] =	ssyncadd.s32 $0xFFFFFF80  }
0x45: {  	_ =	swait.ge [sflag:s0], $0x4000  }
0x46: {  	[sflag:s0] =	ssyncset.done $0x0  }
0x47: {  	[sflag:s0] =	ssyncadd.s32 $0xFFFFC000  }
0x48: {  	[spmem:s3] =	stream.indirect.scatter.add.f32 [tilespmem:s28], [sflag:$0x9], $0x80, s25, s26, $0xb8;
	[tilespmem:$0x1C300] =	vst v63  }
0x49: {  	_ =	swait.ge [sflag:s20], $0x4000  }
0x4a: {  	[sflag:s20] =	ssyncset.done $0x0  }
0x4b: {  	[sflag:s20] =	ssyncadd.s32 $0xFFFFC000  }
0x4c: {  	s21 =	sadd.s32 $0x100, s16;
	_ =	swait.ge [sflag:s1], $0x80  }
0x4d: {  	s17 =	sadd.s32 s8, s21;
	[sflag:s1] =	ssyncset.done $0x0  }
0x4e: {  	s10 =	simm.s32 $0x14100;
	s17 =	sand.u32 $0xFFC00, s17;
	[sflag:s1] =	ssyncadd.s32 $0xFFFFFF80  }
0x4f: {  	[tilespmem:s28], [sflag:$0x1] =	stream.indirect.gather [hbm4b:s5+s26], $0x80, s10, s26, $0xb8;
	[tilespmem:$0x1C300] =	vst v63  }
0x50: {  	s17 =	sadd.s32 s7, s17;
	s10 =	sand.u32 $0x300, s21  }
0x51: {  	p0 =	seq.s32 s16, $0x4E00;
	s10 =	sor.u32 s10, s17  }
0x52: {  	s17 =	sadd.s32 @!p0 s16, s8;
	s10 =	sshrl.u32 s10, $0x3  }
0x53: {  	s18 =	sadd.s32 @!p0 $0x200, s17;
	s10 =	sadd.s32 s2, s10  }
0x54: {  	[tilespmem:s25], [sflag:$0x3] =	stream.linear.gather [hbm4b:s10+s4], $0x80, $0x38;
	[tilespmem:$0x1C300] =	vst v63  }
0x55: {  	s10 =	sand.u32 @!p0 $0x1FFC00, s18  }
0x56: {  	s21 =	sand.u32 @!p0 $0x200, s18;
	s10 =	sadd.s32 @!p0 s7, s10  }
0x57: {  	s10 =	sor.u32 @!p0 s21, s10  }
0x58: {  	s10 =	sshrl.u32 @!p0 s10, $0x3  }
0x59: {  	s21 =	simm.s32 @!p0 $0x0;
	s11 =	sadd.s32 @!p0 s6, s10;
	s10 =	simm.s32 @!p0 $0x14000  }
0x5a: {  	[tilespmem:s10], [sflag:$0x5] =	stream.linear.gather @!p0 [hbm4b:s11+s21], $0x80, $0x38;
	[tilespmem:$0x1C300] =	vst v63  }
0x5b: {  	_ =	swait.ge [sflag:s9], $0x80  }
0x5c: {  	[sflag:s9] =	ssyncset.done $0x0  }
0x5d: {  	[sflag:s9] =	ssyncadd.s32 $0xFFFFFF80  }
0x5e: {  	_ =	swait.ge [sflag:s12], $0x4000  }
0x5f: {  	[sflag:s12] =	ssyncset.done $0x0  }
0x60: {  	[sflag:s12] =	ssyncadd.s32 $0xFFFFC000  }
0x61: {  	[spmem:s3] =	stream.indirect.scatter.add.f32 [tilespmem:s30], [sflag:$0x9], $0x80, s29, s26, $0xb8;
	[tilespmem:$0x1C300] =	vst v63  }
0x62: {  	s22 =	sadd.s32 $0x180, s16;
	_ =	swait.ge [sflag:s20], $0x4000  }
0x63: {  	s19 =	sadd.s32 s8, s22;
	[sflag:s20] =	ssyncset.done $0x0  }
0x64: {  	s19 =	sand.u32 $0xFFC00, s19;
	[sflag:s20] =	ssyncadd.s32 $0xFFFFC000  }
0x65: {  	s19 =	sadd.s32 s7, s19;
	s11 =	sand.u32 $0x380, s22;
	_ =	swait.ge [sflag:s13], $0x80  }
0x66: {  	s11 =	sor.u32 s11, s19;
	[sflag:s13] =	ssyncset.done $0x0  }
0x67: {  	s11 =	sshrl.u32 s11, $0x3;
	[sflag:s13] =	ssyncadd.s32 $0xFFFFFF80  }
0x68: {  	[tilespmem:s30], [sflag:$0x2] =	stream.indirect.gather [hbm4b:s5+s26], $0x80, s24, s26, $0xb8;
	[tilespmem:$0x1C300] =	vst v63  }
0x69: {  	s11 =	sadd.s32 s2, s11  }
0x6a: {  	[tilespmem:s29], [sflag:$0x4] =	stream.linear.gather [hbm4b:s11+s4], $0x80, $0x38;
	[tilespmem:$0x1C300] =	vst v63  }
0x6b: {  	s11 =	simm.s32 @p0 $0x3  }
0x6c: {  	_ =	swait.ge @p0 [sflag:s11], $0x80  }
0x6d: {  	[sflag:s11] =	ssyncset.done @p0 $0x0  }
0x6e: {  	[sflag:s11] =	ssyncadd.s32 @p0 $0xFFFFFF80;
	s11 =	simm.s32 @p0 $0x1  }
0x6f: {  	_ =	swait.ge @p0 [sflag:s11], $0x4000  }
0x70: {  	s15 =	simm.s32 @p0 $0x14300;
	[sflag:s11] =	ssyncset.done @p0 $0x0  }
0x71: {  	s19 =	simm.s32 @p0 $0x14200;
	[sflag:s11] =	ssyncadd.s32 @p0 $0xFFFFC000;
	s11 =	simm.s32 @p0 $0x80  }
0x72: {  	[spmem:s3] =	stream.indirect.scatter.add.f32 @p0 [tilespmem:s15], [sflag:$0x9], $0x80, s19, s11, $0xb8;
	[tilespmem:$0x1C300] =	vst v63  }
0x73: {  	s11 =	sadd.s32 @!p0 $0x280, s17  }
0x74: {  	s15 =	sand.u32 @!p0 $0x7FFFFC00, s11  }
0x75: {  	s19 =	simm.s32 @p0 $0x9;
	s11 =	sand.u32 @!p0 $0x280, s11;
	s15 =	sadd.s32 @!p0 s7, s15  }
0x76: {  	_ =	swait.ge @p0 [sflag:s19], $0x4000;
	s11 =	sor.u32 @!p0 s11, s15  }
0x77: {  	[sflag:s19] =	ssyncset.done @p0 $0x0;
	s11 =	sshrl.u32 @!p0 s11, $0x3  }
0x78: {  	[sflag:s19] =	ssyncadd.s32 @p0 $0xFFFFC000;
	s15 =	simm.s32 @!p0 $0x14080;
	s11 =	sadd.s32 @!p0 s6, s11  }
0x79: {  	[tilespmem:s15], [sflag:$0x6] =	stream.linear.gather @!p0 [hbm4b:s11+s21], $0x80, $0x38;
	[tilespmem:$0x1C300] =	vst v63  }
0x7a: {  	s11 =	simm.s32 @!p0 $0x3  }
0x7b: {  	_ =	swait.ge @!p0 [sflag:s11], $0x80  }
0x7c: {  	[sflag:s11] =	ssyncset.done @!p0 $0x0  }
0x7d: {  	[sflag:s11] =	ssyncadd.s32 @!p0 $0xFFFFFF80;
	s11 =	simm.s32 @!p0 $0x1  }
0x7e: {  	_ =	swait.ge @!p0 [sflag:s11], $0x4000  }
0x7f: {  	s22 =	simm.s32 @!p0 $0x9;
	s19 =	simm.s32 @!p0 $0x14300;
	[sflag:s11] =	ssyncset.done @!p0 $0x0  }
0x80: {  	s15 =	simm.s32 @!p0 $0x14200;
	[sflag:s11] =	ssyncadd.s32 @!p0 $0xFFFFC000;
	s11 =	simm.s32 @!p0 $0x80  }
0x81: {  	[spmem:s3] =	stream.indirect.scatter.add.f32 @!p0 [tilespmem:s19], [sflag:$0x9], $0x80, s15, s11, $0xb8;
	[tilespmem:$0x1C300] =	vst v63  }
0x82: {  	_ =	swait.ge @!p0 [sflag:s22], $0x4000  }
0x83: {  	[sflag:s22] =	ssyncset.done @!p0 $0x0  }
0x84: {  	[sflag:s22] =	ssyncadd.s32 @!p0 $0xFFFFC000;
	s22 =	simm.s32 @!p0 $0x5  }
0x85: {  	_ =	swait.ge @!p0 [sflag:s22], $0x80  }
0x86: {  	[sflag:s22] =	ssyncset.done @!p0 $0x0  }
0x87: {  	[sflag:s22] =	ssyncadd.s32 @!p0 $0xFFFFFF80  }
0x88: {  	[tilespmem:s19], [sflag:$0x1] =	stream.indirect.gather @!p0 [hbm4b:s5+s11], $0x80, s10, s11, $0xb8;
	[tilespmem:$0x1C300] =	vst v63  }
0x89: {  	s10 =	sand.u32 @!p0 $0xFFC00, s18;
	s11 =	sxor.u32 @!p0 $0xFFFFFFFF, s16  }
0x8a: {  	s10 =	sadd.s32 @!p0 s7, s10;
	s11 =	sand.u32 @!p0 $0x200, s11  }
0x8b: {  	s10 =	sor.u32 @!p0 s11, s10  }
0x8c: {  	s10 =	sshrl.u32 @!p0 s10, $0x3  }
0x8d: {  	s10 =	sadd.s32 @!p0 s2, s10  }
0x8e: {  	[tilespmem:s15], [sflag:$0x3] =	stream.linear.gather @!p0 [hbm4b:s10+s21], $0x80, $0x38;
	[tilespmem:$0x1C300] =	vst v63  }
0x8f: {  	s10 =	sadd.s32 @!p0 $0x300, s17  }
0x90: {  	s11 =	sand.u32 @!p0 $0x7FFFFC00, s10  }
0x91: {  	s10 =	sand.u32 @!p0 $0x300, s10;
	s11 =	sadd.s32 @!p0 s7, s11  }
0x92: {  	s10 =	sor.u32 @!p0 s10, s11  }
0x93: {  	s10 =	sshrl.u32 @!p0 s10, $0x3  }
0x94: {  	s11 =	simm.s32 @!p0 $0x14100;
	s10 =	sadd.s32 @!p0 s6, s10  }
0x95: {  	[tilespmem:s11], [sflag:$0x7] =	stream.linear.gather @!p0 [hbm4b:s10+s21], $0x80, $0x38;
	[tilespmem:$0x1C300] =	vst v63  }
0x96: {  	_ =	swait.ge [sflag:s9], $0x80  }
0x97: {  	[sflag:s9] =	ssyncset.done $0x0  }
0x98: {  	[sflag:s9] =	ssyncadd.s32 $0xFFFFFF80  }
0x99: {  	_ =	swait.ge [sflag:s12], $0x4000  }
0x9a: {  	[sflag:s12] =	ssyncset.done $0x0  }
.Ltmp2:
0x9b: {  	[sflag:s12] =	ssyncadd.s32 $0xFFFFC000;
	(pc) =	sbr.rel @p0 .LBB2_4-.Ltmp2, $4  }
0x9c: {  	[spmem:s3] =	stream.indirect.scatter.add.f32 [tilespmem:s30], [sflag:$0x9], $0x80, s29, s26, $0xb8;
	[tilespmem:$0x1C300] =	vst v63  }
0x9d: {  	_ =	swait.ge [sflag:s20], $0x4000  }
0x9e: {  	[sflag:s20] =	ssyncset.done $0x0  }
0x9f: {  	[sflag:s20] =	ssyncadd.s32 $0xFFFFC000  }
0xa0: {  	_ =	swait.ge [sflag:s14], $0x80;
	s10 =	sadd.s32 s16, s8  }
0xa1: {  	[sflag:s14] =	ssyncset.done $0x0;
	s11 =	sadd.s32 $0x280, s10  }
0xa2: {  	s15 =	sadd.s32 $0x280, s16;
	[sflag:s14] =	ssyncadd.s32 $0xFFFFFF80;
	s11 =	sand.u32 $0xFFC00, s11  }
0xa3: {  	[tilespmem:s30], [sflag:$0x2] =	stream.indirect.gather [hbm4b:s5+s26], $0x80, s23, s26, $0xb8;
	[tilespmem:$0x1C300] =	vst v63  }
0xa4: {  	s15 =	sand.u32 $0x280, s15;
	s11 =	sadd.s32 s7, s11  }
0xa5: {  	s11 =	sor.u32 s15, s11  }
0xa6: {  	s10 =	sadd.s32 $0x380, s10;
	s11 =	sshrl.u32 s11, $0x3  }
0xa7: {  	s22 =	sand.u32 $0x7FFFFC00, s10;
	s11 =	sadd.s32 s2, s11  }
0xa8: {  	[tilespmem:s29], [sflag:$0x4] =	stream.linear.gather [hbm4b:s11+s4], $0x80, $0x38;
	[tilespmem:$0x1C300] =	vst v63  }
.Ltmp3:
0xa9: {  	s10 =	sand.u32 $0x380, s10;
	s11 =	sadd.s32 s7, s22;
	(pc) =	sbr.rel .LBB2_2-.Ltmp3, $4  }
0xaa: {  	s10 =	sor.u32 s10, s11  }
0xab: {  	s10 =	sshrl.u32 s10, $0x3  }
0xac: {  	s16 =	sadd.s32 $0x200, s16;
	s10 =	sadd.s32 s6, s10  }
0xad: {  	[tilespmem:s24], [sflag:$0x8] =	stream.linear.gather [hbm4b:s10+s4], $0x80, $0x38;
	[tilespmem:$0x1C300] =	vst v63  }
.LBB2_5:
0xae: {  	_ =	sfence.sel $0x180000  }
0xaf: {  	[bflag:$0x0] =	sbarrier.arrive $0xFFFF  }
0xb0: {  	_ =	strace $0x9000004A  }
0xb1: {  	s0 =	stileid.u32;
	[bflag:$0x2] =	sbarrier.arrive $0xFFFF  }
0xb2: {  	p0 =	sne.s32 s0, $0x0;
	s0 =	rddreg [dreg:$0x3]  }
0xb3: {  	s0 =	sadd.s32 @!p0 $0x100000, s0  }
0xb4: {  	[sflag:s0] =	ssyncadd.tile.s32 @!p0 $0x1;
	_ =	shalt  }
.Lfunc_end2:
_tile_overlayer_lowered:
.L_overlay_start_2:
0xb5: {  	(tag) =	ssettag $0x2  }
0xb6: {  	s0 =	rddreg [dreg:$0x0];
	s2 =	stileid.u32  }
0xb7: {  	s1 =	rddreg [dreg:$0x1];
	p0 =	sne.s32 s2, $0x0  }
0xb8: {  	s3 =	rddreg [dreg:$0x2];
	[bflag:$0x3] =	sbarrier.arrive $0xFFFF;
	s2 =	simm.s32 @!p0 $0x1C09  }
0xb9: {  	[timem:s3], [sflag:s2] =	dma.local @!p0 [hbm:s0], s1  }
0xba: {  	s0 =	simm.s32 @!p0 $0x9  }
0xbb: {  	_ =	swait.ge @!p0 [sflag:s0], s1  }
0xbc: {  	s1 =	ssub.s32 @!p0 $0x0, s1;
	[sflag:s0] =	ssyncset.done @!p0 $0x0  }
0xbd: {  	[sflag:s0] =	ssyncadd.s32 @!p0 s1  }
0xbe: {  	[bflag:$0x3] =	sbarrier.arrive $0xFFFF  }
0xbf: {  	_ =	shalt  }

// kernel: sc_layer_cnt.3.cloned.1.call-start
scs
__scs_entry_jumppad:
0x0: {  	(pc) =	sbr.rel $0x88, $3  }
0x1: {  	(tag) =	ssettag $0x0;
	lr =	simm.s32 $0x1  }
0x2: {  	[smem:$0x3F89] =	sst lr;
	_ =	strace $0xD0000000  }
0x3: {  	_ = 	snop  }
0x4: {  	_ = 	snop  }
0x5: {  	_ = 	snop  }
0x6: {  	_ = 	snop  }
0x7: {  	_ = 	snop  }
__scs_overlays_trampoline_lowered:
0x8: {  	[smem:$0x3F98] =	sst s0  }
0x9: {  	[smem:$0x3F99] =	sst s1  }
0xa: {  	[smem:$0x3F9A] =	sst s2  }
0xb: {  	[smem:$0x3F9B] =	sst s3  }
0xc: {  	[smem:$0x3F9C] =	sst s4  }
0xd: {  	[smem:$0x3F9D] =	sst s5  }
0xe: {  	[smem:$0x3F9E] =	sst s6  }
0xf: {  	[smem:$0x3F9F] =	sst s7  }
0x10: {  	[smem:$0x3FA0] =	sst s8  }
0x11: {  	[smem:$0x3FA1] =	sst s9;
	s0 =	simm.s32 @!p0 $0x0  }
0x12: {  	s1 =	sld [smem:$0x3F87];
	s0 =	simm.s32 @p0 $0x1  }
0x13: {  	[smem:$0x3FA2] =	sst s0;
	s0 =	simm.s32 @!p1 $0x0  }
0x14: {  	s2 =	sld [smem:$0x3F86];
	s0 =	simm.s32 @p1 $0x1  }
0x15: {  	[smem:$0x3FA3] =	sst s0;
	s0 =	simm.s32 @!p2 $0x0  }
0x16: {  	s3 =	sld [smem:$0x3FDB];
	s0 =	simm.s32 @p2 $0x1  }
0x17: {  	s4 =	simm.s32 $0x1BF5;
	[smem:$0x3FA5] =	sst s0  }
0x18: {  	s0 =	sld [smem:$0x3F88];
	_ =	swait.ge [sflag:s4], $0x0  }
0x19: {  	s7 =	sld [smem:$0x3F89]  }
0x1a: {  	s8 =	sadd.s32 $0xFFFFE003, lr  }
0x1b: {  	s9 =	sadd.s32 $0xFFFFFEF7, lr;
	s5 =	simm.s32 $0xFFFFFFFF;
	p2 =	slt.u32 s8, $0xFFFFF086  }
0x1c: {  	p1 =	slt.u32 s9, $0xF7A;
	s5 =	simm.s32 @!p2 $0x0  }
0x1d: {  	s5 =	simm.s32 @p1 $0x1;
	p0 =	seq.s32 s7, s2  }
0x1e: {  	s7 =	smul.u32 @!p0 $0xF7A, s2;
	p2 =	seq.s32 @!p0 s5, $0x0  }
0x1f: {  	s9 =	smul.u32 $0xF7A, s1;
	s8 =	simm.s32 @!p0 $0x1BF5;
	p2 =	por !p2, p0  }
0x20: {  	[sflag:s8] =	ssyncset.s32 @!p0 $0xFFFFF086;
	s6 =	sadd.s32 @!p0 s3, s7;
	s7 =	simm.s32 @!p0 $0x108  }
0x21: {  	s3 =	sadd.s32 s3, s9;
	s6 =	sadd.s32 @!p0 $0x88, s6;
	s7 =	simm.s32 @p2 $0x1082  }
0x22: {  	[simem:s7], [sflag:s8] =	dma.local @!p0 [hbm:s6], $0xF7A  }
0x23: {  	s9 =	sor.u32 $0xD0000000, s2;
	s6 =	simm.s32 $0x108;
	_ =	swait.ge @!p0 [sflag:s8], $0x0  }
0x24: {  	s3 =	sadd.s32 $0x88, s3;
	s6 =	simm.s32 @!p1 $0x1082;
	[sflag:s4] =	ssyncset.s32 $0xFFFFF086  }
0x25: {  	[simem:s6], [sflag:s4] =	dma.local [hbm:s3], $0xF7A  }
0x26: {  	[smem:$0x3F89] =	sst s1;
	(tag) =	ssettag s2;
	_ =	strace s9  }
0x27: {  	s1 =	sld [smem:$0x3F99]  }
0x28: {  	s2 =	sld [smem:$0x3F9A]  }
0x29: {  	s4 =	sld [smem:$0x3F9C]  }
0x2a: {  	p0 =	seq.s32 s5, $0x0;
	s5 =	sld [smem:$0x3F9D]  }
0x2b: {  	s6 =	sld [smem:$0x3F9E]  }
0x2c: {  	s7 =	sld [smem:$0x3F9F]  }
0x2d: {  	s3 =	simm.s32 $0x108;
	s8 =	sld [smem:$0x3FA0]  }
0x2e: {  	s3 =	simm.s32 @!p0 $0x1082;
	s9 =	sld [smem:$0x3FA1]  }
0x2f: {  	lr =	sadd.s32 s0, s3;
	s0 =	sld [smem:$0x3F98]  }
0x30: {  	s3 =	sld [smem:$0x3F9B]  }
0x31: {  	[smem:$0x3FA4] =	sst s10  }
0x32: {  	s10 =	sld [smem:$0x3FA2];
	_ =	sdelay $0x3  }
0x33: {  	p0 =	seq.s32 s10, $0x1;
	s10 =	sld [smem:$0x3FA4];
	_ =	sdelay $0x3  }
0x34: {  	[smem:$0x3FA4] =	sst s10  }
0x35: {  	s10 =	sld [smem:$0x3FA3];
	_ =	sdelay $0x3  }
0x36: {  	p1 =	seq.s32 s10, $0x1;
	s10 =	sld [smem:$0x3FA4];
	_ =	sdelay $0x3  }
0x37: {  	[smem:$0x3FA4] =	sst s10  }
0x38: {  	s10 =	sld [smem:$0x3FA5]  }
0x39: {  	_ = 	snop;
	(pc) =	sbr.ind lr, $3  }
0x3a: {  	_ = 	snop  }
0x3b: {  	_ = 	snop  }
0x3c: {  	p2 =	seq.s32 s10, $0x1;
	s10 =	sld [smem:$0x3FA4]  }
0x3d: {  	_ =	shalt  }
0x3e: {  	_ =	shalt  }
0x3f: {  	_ =	shalt  }
0x40: {  	_ =	shalt  }
0x41: {  	_ =	shalt  }
0x42: {  	_ =	shalt  }
0x43: {  	_ =	shalt  }
0x44: {  	_ =	shalt  }
0x45: {  	_ =	shalt  }
0x46: {  	_ =	shalt  }
0x47: {  	_ =	shalt  }
0x48: {  	_ =	shalt  }
0x49: {  	_ =	shalt  }
0x4a: {  	_ =	shalt  }
0x4b: {  	_ =	shalt  }
0x4c: {  	_ =	shalt  }
0x4d: {  	_ =	shalt  }
0x4e: {  	_ =	shalt  }
0x4f: {  	_ =	shalt  }
0x50: {  	_ =	shalt  }
0x51: {  	_ =	shalt  }
0x52: {  	_ =	shalt  }
0x53: {  	_ =	shalt  }
0x54: {  	_ =	shalt  }
0x55: {  	_ =	shalt  }
0x56: {  	_ =	shalt  }
0x57: {  	_ =	shalt  }
0x58: {  	_ =	shalt  }
0x59: {  	_ =	shalt  }
0x5a: {  	_ =	shalt  }
0x5b: {  	_ =	shalt  }
0x5c: {  	_ =	shalt  }
0x5d: {  	_ =	shalt  }
0x5e: {  	_ =	shalt  }
0x5f: {  	_ =	shalt  }
0x60: {  	_ =	shalt  }
0x61: {  	_ =	shalt  }
0x62: {  	_ =	shalt  }
0x63: {  	_ =	shalt  }
0x64: {  	_ =	shalt  }
0x65: {  	_ =	shalt  }
0x66: {  	_ =	shalt  }
0x67: {  	_ =	shalt  }
0x68: {  	_ =	shalt  }
0x69: {  	_ =	shalt  }
0x6a: {  	_ =	shalt  }
0x6b: {  	_ =	shalt  }
0x6c: {  	_ =	shalt  }
0x6d: {  	_ =	shalt  }
0x6e: {  	_ =	shalt  }
0x6f: {  	_ =	shalt  }
0x70: {  	_ =	shalt  }
0x71: {  	_ =	shalt  }
0x72: {  	_ =	shalt  }
0x73: {  	_ =	shalt  }
0x74: {  	_ =	shalt  }
0x75: {  	_ =	shalt  }
0x76: {  	_ =	shalt  }
0x77: {  	_ =	shalt  }
0x78: {  	_ =	shalt  }
0x79: {  	_ =	shalt  }
0x7a: {  	_ =	shalt  }
0x7b: {  	_ =	shalt  }
0x7c: {  	_ =	shalt  }
0x7d: {  	_ =	shalt  }
0x7e: {  	_ =	shalt  }
0x7f: {  	_ =	shalt  }
0x80: {  	_ =	shalt  }
0x81: {  	_ =	shalt  }
0x82: {  	_ =	shalt  }
0x83: {  	_ =	shalt  }
0x84: {  	_ =	shalt  }
0x85: {  	_ =	shalt  }
0x86: {  	_ =	shalt  }
0x87: {  	_ =	shalt  }
.Lfunc_end0:
.L_simem_size_0:
called_computation_lowered:
.L_overlay_start_0:
0x88: {  	s2 =	sld [smem:$0x3FD9]  }
0x89: {  	s3 =	sld [smem:$0x3FFE];
	_ =	sdelay $0x1  }
0x8a: {  	s1 =	srdreg.scid  }
0x8b: {  	s0 =	sand.u32 $0x1, s1  }
0x8c: {  	s14 =	sshll.u32 s0, $0xA;
	s2 =	sadd.s32 s3, s2  }
0x8d: {  	s2 =	sadd.s32 s2, s14  }
0x8e: {  	[smem:$0x3FB0] =	sst s2  }
0x8f: {  	_ = 	snop  }
0x90: {  	s2 =	sld [smem:$0x3FD0];
	_ =	sdelay $0x2  }
0x91: {  	s15 =	simm.s32 $0xA;
	s4 =	simm.s32 $0x10  }
0x92: {  	[smem:s4], [sflag:s15] =	dma.local [hbm:s2], $0x1  }
0x93: {  	_ =	swait.eq [sflag:s15], $0x1  }
0x94: {  	[sflag:s15] =	ssyncset.done $0x0  }
0x95: {  	s16 =	sld [smem:$0x10];
	[sflag:s15] =	ssyncadd.s32 $0xFFFFFFFF  }
0x96: {  	s17 =	sld [smem:$0x11];
	(tm) =	ssettm $0x1  }
0x97: {  	s18 =	sld [smem:$0x3FFB];
	_ =	sdelay $0x3  }
0x98: {  	_ =	strace s18  }
0x99: {  	s4 =	sld [smem:$0x3FFC];
	_ =	sdelay $0x3  }
0x9a: {  	_ =	strace s4  }
0x9b: {  	s4 =	sld [smem:$0x3FFD];
	_ =	sdelay $0x3  }
0x9c: {  	_ =	strace s4  }
0x9d: {  	_ =	strace $0x8FFFFFFF  }
0x9e: {  	s19 =	sld [smem:$0x3FDB];
	_ =	sdelay $0x1  }
0x9f: {  	s5 =	simm.s32 $_scs_section_size  }
0xa0: {  	s6 =	simm.s32 $_size__tile_overlayer_lowered;
	s7 =	simm.s32 $_tile_overlayer_lowered  }
0xa1: {  	s22 =	simm.s32 $0x1BFF;
	s21 =	sshll.u32 s7, $0x1;
	s4 =	sadd.s32 s5, s19  }
0xa2: {  	s8 =	simm.s32 $0x0;
	s20 =	sshll.u32 s6, $0x1;
	s6 =	sadd.s32 s21, s4  }
0xa3: {  	[timem:s8], [sflag:s22] =	dma.local [hbm:s6], s20  }
0xa4: {  	_ =	swait.ge [sflag:s22], s20  }
0xa5: {  	s5 =	ssub.s32 $0x0, s20;
	[sflag:s22] =	ssyncset.done $0x0  }
0xa6: {  	[sflag:s22] =	ssyncadd.s32 s5;
	_ =	sdelay $0x1  }
0xa7: {  	s23 =	simm.s32 $0x1B8B  }
0xa8: {  	_ =	swait.ge [sflag:s23], $0x1  }
0xa9: {  	[sflag:s23] =	ssyncset.done $0x0  }
0xaa: {  	s25 =	simm.s32 $0x1B8E;
	s24 =	sld [smem:$0x3FFE];
	[sflag:s23] =	ssyncadd.s32 $0xFFFFFFFF  }
0xab: {  	s26 =	simm.s32 $execute0_lowered;
	[smem:$0x3FD2] =	sst s25  }
0xac: {  	s6 =	sshll.u32 s26, $0x1;
	_ =	strace $0x80000046;
	[dreg:$0x1] =	wrdreg $0xFFFFFFFF  }
0xad: {  	s28 =	simm.s32 $_size_execute0_lowered;
	s4 =	sadd.s32 s4, s6;
	[dreg:$0x0] =	wrdreg $0x0  }
0xae: {  	s6 =	sshll.u32 s28, $0x1;
	[dreg:$0x2] =	wrdreg s4  }
0xaf: {  	[dreg:$0x3] =	wrdreg s6  }
0xb0: {  	[dreg:$0x4] =	wrdreg $0xC0  }
0xb1: {  	_ =	task [dreg:s8], $0x5FFFF  }
0xb2: {  	[dreg:$0x1] =	wrdreg $0xFFFFFFFF  }
0xb3: {  	[dreg:$0x0] =	wrdreg $0x60  }
0xb4: {  	[dreg:$0x2] =	wrdreg s24  }
0xb5: {  	[dreg:$0x3] =	wrdreg s16  }
0xb6: {  	[dreg:$0x4] =	wrdreg s17  }
0xb7: {  	[dreg:$0x5] =	wrdreg $0x0  }
0xb8: {  	[dreg:$0x6] =	wrdreg $0x9  }
0xb9: {  	_ =	task.clear_ibuf [dreg:s8], $0x7FFFF;
	_ =	strace $0x90000046  }
0xba: {  	s29 =	simm.s32 $0x9;
	_ =	strace $0x80000048  }
0xbb: {  	_ =	swait.ge [sflag:s29], $0x1  }
0xbc: {  	[sflag:s29] =	ssyncadd.s32 $0xFFFFFFFF  }
0xbd: {  	_ =	strace $0x90000048  }
0xbe: {  	_ =	sfence  }
0xbf: {  	s30 =	sld [smem:$0x0];
	_ =	sdelay $0x2  }
0xc0: {  	s31 =	sshll.u32 s1, $0xD;
	s1 =	sshrl.u32 s1, $0x2  }
0xc1: {  	s3 =	sand.u32 $0x4000, s31;
	s1 =	sadd.s32 s1, s30  }
0xc2: {  	s0 =	sor.u32 s3, s0;
	s1 =	sshll.u32 s1, $0x11  }
0xc3: {  	s0 =	sor.u32 s1, s0  }
0xc4: {  	s0 =	sadd.s32 $0x8F2B, s0  }
0xc5: {  	[sflag:s0] =	ssyncadd.remote.s32 $0x1  }
0xc6: {  	_ =	sfence.sel $0xFFFF  }
0xc7: {  	[dreg:$0x0] =	wrdreg $0xFFFFFFFF;
	(pc) =	sbr.abs _section_cstart, $3  }
0xc8: {  	[dreg:$0x1] =	wrdreg $0xFFFFFFFF  }
0xc9: {  	_ =	task.clear_ibuf [dreg:s8], $0x2FFFF;
	_ =	strace $0x9FFFFFFF  }
0xca: {  	(tm) =	ssettm $0x7FFFFFFF  }
0xcb: {  	_ =	shalt  }
tec
execute0_lowered:
.L_overlay_start_1:
0x0: {  	(tag) =	ssettag $0x1  }
0x1: {  	s0 =	rddreg [dreg:$0x0]  }
0x2: {  	s2 =	rddreg [dreg:$0x1]  }
0x3: {  	s3 =	rddreg [dreg:$0x2]  }
0x4: {  	s4 =	rddreg [dreg:$0x3]  }
0x5: {  	s13 =	stileid.u32;
	s1 =	srdreg.scid;
	s5 =	simm.s32 $0x0  }
0x6: {  	s28 =	simm.s32 $0x80;
	s29 =	simm.s32 $0x14300;
	s7 =	smul.u32 $0x14000, s13  }
0x7: {  	s30 =	simm.s32 $0x14280;
	s1 =	sand.u32 $0x1, s1;
	s17 =	smul.u32 $0x50000, s13  }
0x8: {  	s31 =	simm.s32 $0x18300;
	[smem:$0x7FF] =	sst s5;
	s8 =	smul.u32 $0x140000, s1  }
0x9: {  	s10 =	sshrl.u32 s13, $0x3;
	s6 =	sadd.s32 $0x5800, s0;
	s9 =	smul.u32 $0x28000, s1  }
0xa: {  	s16 =	sshll.u32 s13, $0x7;
	s21 =	sshll.u32 s13, $0x6;
	s10 =	smul.u32 $0x14000, s10  }
0xb: {  	_ =	strace $0x80000047;
	s11 =	sshrl.u32 s7, $0x3;
	s19 =	sshrl.u32 s17, $0x2  }
0xc: {  	s11 =	sadd.s32 s11, s0;
	s7 =	sadd.s32 s7, s8;
	s9 =	sadd.s32 s9, s10  }
0xd: {  	s8 =	sand.u32 $0x380, s16;
	s16 =	simm.s32 $0x6;
	s12 =	sshrl.u32 s7, $0x3  }
0xe: {  	s8 =	sor.u32 s8, s9;
	s7 =	smul.u32 $0x50000, s1;
	s1 =	ssub.s32 $0x2, s1  }
0xf: {  	s11 =	sadd.s32 $0x69800, s11;
	s9 =	sshrl.u32 s8, $0x3;
	s8 =	smul.u32 $0x5000, s13  }
0x10: {  	s12 =	sadd.s32 s12, s0;
	s18 =	sshrl.u32 s1, $0x1;
	[dreg:$0x5] =	wrdreg s11  }
0x11: {  	s11 =	sor.u32 $0x1C09, s21;
	s21 =	simm.s32 $0x9;
	s13 =	simm.s32 $0x4  }
0x12: {  	s0 =	sadd.s32 s9, s0;
	s1 =	ssub.s32 s1, s18;
	s9 =	sadd.s32 s19, s4  }
0x13: {  	s25 =	sadd.s32 $0x91800, s12;
	s12 =	simm.s32 $0x7;
	[dreg:$0x7] =	wrdreg s11  }
0x14: {  	s18 =	simm.s32 $0x0;
	[dreg:$0xd] =	wrdreg s25;
	s0 =	sadd.s32 $0xE1800, s0  }
0x15: {  	s20 =	sadd.s32 s8, s7;
	s26 =	smax.u32 s1, $0x1;
	[dreg:$0xe] =	wrdreg s0  }
0x16: {  	s17 =	sshrl.u32 s9, $0x3;
	s10 =	sshrl.u32 s20, $0x3;
	[dreg:$0xf] =	wrdreg s26  }
0x17: {  	s25 =	simm.s32 $0x14180;
	[dreg:$0x10] =	wrdreg s17;
	s14 =	sadd.s32 s2, s10  }
0x18: {  	s22 =	sor.u32 $0x10, s10;
	s10 =	sadd.s32 s3, s10;
	[dreg:$0x6] =	wrdreg s14  }
0x19: {  	s1 =	simm.s32 $0x1;
	s15 =	sadd.s32 s2, s22;
	[dreg:$0xb] =	wrdreg s10  }
.Ltmp0:
0x1a: {  	s23 =	sadd.s32 $0x20, s14;
	[dreg:$0x8] =	wrdreg s15;
	(pc) =	sbr.rel .LBB2_1-.Ltmp0, $4  }
0x1b: {  	s9 =	simm.s32 $0x1C300;
	s14 =	sadd.s32 $0x30, s14;
	[dreg:$0x9] =	wrdreg s23  }
0x1c: {  	s26 =	simm.s32 $0x14200;
	s24 =	sadd.s32 s3, s22;
	[dreg:$0xa] =	wrdreg s14  }
0x1d: {  	s0 =	simm.s32 $0x3;
	[dreg:$0xc] =	wrdreg s24;
	s23 =	simm.s32 $0x14080  }
0x1e: {  	v0 =	vimm.f32 $0.0e+00;
	v1 =	vimm.f32 $1.000000000e+00;
	s24 =	simm.s32 $0x14100;
	s14 =	simm.s32 $0x2;
	s15 =	simm.s32 $0x8  }
.LBB2_6:
0x1f: {  	[bflag:$0x0] =	sbarrier.arrive $0xFFFF  }
0x20: {  	s11 =	rddreg [dreg:$0x7]  }
0x21: {  	s10 =	rddreg [dreg:$0xd]  }
0x22: {  	s17 =	rddreg [dreg:$0x10]  }
0x23: {  	[hbm:s10], [sflag:s11] =	dma.local [spmem:s17], $0x2800  }
0x24: {  	_ =	swait.ge [sflag:s21], $0x2800  }
0x25: {  	[sflag:s21] =	ssyncset.done $0x0  }
0x26: {  	s18 =	simm.s32 $0x400;
	s19 =	rddreg [dreg:$0xe];
	[sflag:s21] =	ssyncadd.s32 $0xFFFFD800  }
0x27: {  	[hbm4b:s19+s28] =	stream.strided.scatter [tilespmem:s9], [sflag:$0x9], $0x2800, s18, s28, $0x38;
	[tilespmem:$0x1EB00] =	vst v63  }
0x28: {  	_ =	swait.ge [sflag:s21], $0x2800  }
0x29: {  	s20 =	rddreg [dreg:$0x11]  }
0x2a: {  	s22 =	rddreg [dreg:$0xf];
	s18 =	sadd.s32 $0x1, s20  }
0x2b: {  	p0 =	sne.s32 s18, s22  }
.Ltmp1:
0x2c: {  	_ = 	snop;
	(pc) =	sbr.rel @!p0 .LBB2_7-.Ltmp1, $3  }
0x2d: {  	_ =	sdelay $0x1  }
0x2e: {  	[sflag:s21] =	ssyncset.done $0x0  }
0x2f: {  	[sflag:s21] =	ssyncadd.s32 $0xFFFFD800  }
.LBB2_1:
0x30: {  	[dreg:$0x11] =	wrdreg s18  }
0x31: {  	s10 =	rddreg [dreg:$0x5]  }
0x32: {  	[spmem:s17], [sflag:s11] =	dma.local [hbm:s10], $0x2800  }
0x33: {  	_ =	swait.ge [sflag:s21], $0x2800  }
0x34: {  	[sflag:s21] =	ssyncset.done $0x0  }
0x35: {  	s10 =	simm.s32 $0x40;
	s11 =	simm.s32 $0x0;
	[sflag:s21] =	ssyncadd.s32 $0xFFFFD800  }
.LBB2_2:
0x36: {  	p0 =	sne.s32 s10, $0x9FC0;
	[tilespmem:s11+$0x1C300] =	vst v0;
	s11 =	smov.u32 s10;
	s10 =	sadd.s32 $0x40, s10  }
.Ltmp2:
0x37: {  	(pc) =	sbr.rel @p0 .LBB2_2-.Ltmp2, $2  }
0x38: {  	_ =	sdelay $0x2  }
0x39: {  	s11 =	sshra.s32 s11, $0x2  }
0x3a: {  	[tilespmem:s11+$0x1C300] =	vst v0  }
0x3b: {  	[bflag:$0x0] =	sbarrier.arrive $0xFFFF  }
0x3c: {  	s22 =	simm.s32 $0x0;
	s11 =	simm.s32 $0x14000;
	s10 =	rddreg [dreg:$0x6]  }
0x3d: {  	[tilespmem:s11], [sflag:$0x9] =	stream.linear.gather [hbm4b:s10+s22], $0x80, $0x38;
	[tilespmem:$0x1EB00] =	vst v63  }
0x3e: {  	_ =	swait.ge [sflag:s21], $0x80  }
0x3f: {  	[sflag:s21] =	ssyncset.done $0x0  }
0x40: {  	s20 =	rddreg [dreg:$0x8];
	[sflag:s21] =	ssyncadd.s32 $0xFFFFFF80  }
0x41: {  	[tilespmem:s23], [sflag:$0x9] =	stream.linear.gather [hbm4b:s20+s22], $0x80, $0x38;
	[tilespmem:$0x1EB00] =	vst v63  }
0x42: {  	_ =	swait.ge [sflag:s21], $0x80  }
0x43: {  	[sflag:s21] =	ssyncset.done $0x0  }
0x44: {  	s17 =	rddreg [dreg:$0x9];
	[sflag:s21] =	ssyncadd.s32 $0xFFFFFF80  }
0x45: {  	[tilespmem:s24], [sflag:$0x7] =	stream.linear.gather [hbm4b:s17+s22], $0x80, $0x38;
	[tilespmem:$0x1EB00] =	vst v63  }
0x46: {  	s18 =	rddreg [dreg:$0xa]  }
0x47: {  	[tilespmem:s25], [sflag:$0x8] =	stream.linear.gather [hbm4b:s18+s22], $0x80, $0x38;
	[tilespmem:$0x1EB00] =	vst v63  }
0x48: {  	s19 =	rddreg [dreg:$0xb]  }
0x49: {  	[tilespmem:s26], [sflag:$0x3] =	stream.linear.gather [hbm4b:s19+s22], $0x80, $0x38;
	[tilespmem:$0x1EB00] =	vst v63  }
0x4a: {  	_ = 	snop  }
0x4b: {  	[tilespmem:s29], [sflag:$0x1] =	stream.indirect.gather [hbm4b:s6+s28], $0x80, s11, s28, $0xb8;
	[tilespmem:$0x1EB00] =	vst v63  }
0x4c: {  	s20 =	rddreg [dreg:$0xc]  }
0x4d: {  	[tilespmem:s30], [sflag:$0x4] =	stream.linear.gather [hbm4b:s20+s22], $0x80, $0x38;
	[tilespmem:$0x1EB00] =	vst v63  }
0x4e: {  	_ = 	snop  }
0x4f: {  	[tilespmem:s31], [sflag:$0x2] =	stream.indirect.gather [hbm4b:s6+s28], $0x80, s23, s28, $0xb8;
	[tilespmem:$0x1EB00] =	vst v63  }
.LBB2_4:
0x50: {  	_ =	swait.ge [sflag:s0], $0x80  }
0x51: {  	[sflag:s0] =	ssyncset.done $0x0  }
0x52: {  	[sflag:s0] =	ssyncadd.s32 $0xFFFFFF80  }
0x53: {  	_ =	swait.ge [sflag:s1], $0x4000  }
0x54: {  	[sflag:s1] =	ssyncset.done $0x0  }
0x55: {  	[sflag:s1] =	ssyncadd.s32 $0xFFFFC000  }
0x56: {  	[spmem:s4] =	stream.indirect.scatter.add.f32 [tilespmem:s29], [sflag:$0x9], $0x80, s26, s28, $0xb8;
	[tilespmem:$0x1EB00] =	vst v63  }
0x57: {  	_ =	swait.ge [sflag:s21], $0x4000  }
0x58: {  	[sflag:s21] =	ssyncset.done $0x0  }
0x59: {  	[sflag:s21] =	ssyncadd.s32 $0xFFFFC000  }
0x5a: {  	v2 =	vld [tilespmem:$0x14200];
	_ =	sdelay $0x7  }
0x5b: {  	[tilespmem:v2+s9+$0x0] =	vst.idx.add.f32.msk $0xffff, v1  }
0x5c: {  	v2 =	vld [tilespmem:$0x14210];
	_ =	sdelay $0x7  }
0x5d: {  	[tilespmem:v2+s9+$0x0] =	vst.idx.add.f32.msk $0xffff, v1  }
0x5e: {  	v2 =	vld [tilespmem:$0x14220];
	_ =	sdelay $0x7  }
0x5f: {  	[tilespmem:v2+s9+$0x0] =	vst.idx.add.f32.msk $0xffff, v1  }
0x60: {  	v2 =	vld [tilespmem:$0x14230];
	_ =	sdelay $0x7  }
0x61: {  	[tilespmem:v2+s9+$0x0] =	vst.idx.add.f32.msk $0xffff, v1  }
0x62: {  	v2 =	vld [tilespmem:$0x14240];
	_ =	sdelay $0x7  }
0x63: {  	[tilespmem:v2+s9+$0x0] =	vst.idx.add.f32.msk $0xffff, v1  }
0x64: {  	v2 =	vld [tilespmem:$0x14250];
	_ =	sdelay $0x7  }
0x65: {  	[tilespmem:v2+s9+$0x0] =	vst.idx.add.f32.msk $0xffff, v1  }
0x66: {  	v2 =	vld [tilespmem:$0x14260];
	_ =	sdelay $0x7  }
0x67: {  	[tilespmem:v2+s9+$0x0] =	vst.idx.add.f32.msk $0xffff, v1  }
0x68: {  	v2 =	vld [tilespmem:$0x14270];
	_ =	sdelay $0x5  }
0x69: {  	s10 =	sadd.s32 $0x100, s22  }
0x6a: {  	s11 =	sadd.s32 s8, s10  }
0x6b: {  	s11 =	sand.u32 $0xFFC00, s11;
	[tilespmem:v2+s9+$0x0] =	vst.idx.add.f32.msk $0xffff, v1  }
0x6c: {  	s10 =	sand.u32 $0x300, s10;
	s11 =	sadd.s32 s7, s11;
	_ =	swait.ge [sflag:s12], $0x80  }
0x6d: {  	s10 =	sor.u32 s10, s11;
	[sflag:s12] =	ssyncset.done $0x0  }
0x6e: {  	p0 =	seq.s32 s22, $0x4E00;
	s10 =	sshrl.u32 s10, $0x3;
	[sflag:s12] =	ssyncadd.s32 $0xFFFFFF80  }
0x6f: {  	[tilespmem:s29], [sflag:$0x1] =	stream.indirect.gather [hbm4b:s6+s28], $0x80, s24, s28, $0xb8;
	[tilespmem:$0x1EB00] =	vst v63  }
0x70: {  	s18 =	sadd.s32 @!p0 s22, s8;
	s10 =	sadd.s32 s3, s10  }
0x71: {  	[tilespmem:s26], [sflag:$0x3] =	stream.linear.gather [hbm4b:s10+s5], $0x80, $0x38;
	[tilespmem:$0x1EB00] =	vst v63  }
0x72: {  	s10 =	sadd.s32 @!p0 $0x200, s18  }
0x73: {  	s11 =	sand.u32 @!p0 $0x1FFC00, s10  }
0x74: {  	s19 =	sand.u32 @!p0 $0x200, s10;
	s11 =	sadd.s32 @!p0 s7, s11  }
0x75: {  	s11 =	sor.u32 @!p0 s19, s11  }
0x76: {  	s11 =	sshrl.u32 @!p0 s11, $0x3  }
0x77: {  	s19 =	simm.s32 @!p0 $0x0;
	s20 =	sadd.s32 @!p0 s2, s11;
	s11 =	simm.s32 @!p0 $0x14000  }
0x78: {  	[tilespmem:s11], [sflag:$0x5] =	stream.linear.gather @!p0 [hbm4b:s20+s19], $0x80, $0x38;
	[tilespmem:$0x1EB00] =	vst v63  }
0x79: {  	_ =	swait.ge [sflag:s13], $0x80  }
0x7a: {  	[sflag:s13] =	ssyncset.done $0x0  }
0x7b: {  	[sflag:s13] =	ssyncadd.s32 $0xFFFFFF80  }
0x7c: {  	_ =	swait.ge [sflag:s14], $0x4000  }
0x7d: {  	[sflag:s14] =	ssyncset.done $0x0  }
0x7e: {  	[sflag:s14] =	ssyncadd.s32 $0xFFFFC000  }
0x7f: {  	[spmem:s4] =	stream.indirect.scatter.add.f32 [tilespmem:s31], [sflag:$0x9], $0x80, s30, s28, $0xb8;
	[tilespmem:$0x1EB00] =	vst v63  }
0x80: {  	_ =	swait.ge [sflag:s21], $0x4000  }
0x81: {  	[sflag:s21] =	ssyncset.done $0x0  }
0x82: {  	[sflag:s21] =	ssyncadd.s32 $0xFFFFC000  }
0x83: {  	v2 =	vld [tilespmem:$0x14280];
	_ =	sdelay $0x7  }
0x84: {  	[tilespmem:v2+s9+$0x0] =	vst.idx.add.f32.msk $0xffff, v1  }
0x85: {  	v2 =	vld [tilespmem:$0x14290];
	_ =	sdelay $0x7  }
0x86: {  	[tilespmem:v2+s9+$0x0] =	vst.idx.add.f32.msk $0xffff, v1  }
0x87: {  	v2 =	vld [tilespmem:$0x142A0];
	_ =	sdelay $0x7  }
0x88: {  	[tilespmem:v2+s9+$0x0] =	vst.idx.add.f32.msk $0xffff, v1  }
0x89: {  	v2 =	vld [tilespmem:$0x142B0];
	_ =	sdelay $0x7  }
0x8a: {  	[tilespmem:v2+s9+$0x0] =	vst.idx.add.f32.msk $0xffff, v1  }
0x8b: {  	v2 =	vld [tilespmem:$0x142C0];
	_ =	sdelay $0x7  }
0x8c: {  	[tilespmem:v2+s9+$0x0] =	vst.idx.add.f32.msk $0xffff, v1  }
0x8d: {  	v2 =	vld [tilespmem:$0x142D0];
	_ =	sdelay $0x7  }
0x8e: {  	[tilespmem:v2+s9+$0x0] =	vst.idx.add.f32.msk $0xffff, v1  }
0x8f: {  	v2 =	vld [tilespmem:$0x142E0];
	_ =	sdelay $0x7  }
0x90: {  	[tilespmem:v2+s9+$0x0] =	vst.idx.add.f32.msk $0xffff, v1  }
0x91: {  	v2 =	vld [tilespmem:$0x142F0];
	_ =	sdelay $0x5  }
0x92: {  	s20 =	sadd.s32 $0x180, s22  }
0x93: {  	s17 =	sadd.s32 s8, s20  }
0x94: {  	s17 =	sand.u32 $0xFFC00, s17;
	[tilespmem:v2+s9+$0x0] =	vst.idx.add.f32.msk $0xffff, v1  }
0x95: {  	s20 =	sand.u32 $0x380, s20;
	s17 =	sadd.s32 s7, s17;
	_ =	swait.ge [sflag:s15], $0x80  }
0x96: {  	s17 =	sor.u32 s20, s17;
	[sflag:s15] =	ssyncset.done $0x0  }
0x97: {  	s17 =	sshrl.u32 s17, $0x3;
	[sflag:s15] =	ssyncadd.s32 $0xFFFFFF80  }
0x98: {  	[tilespmem:s31], [sflag:$0x2] =	stream.indirect.gather [hbm4b:s6+s28], $0x80, s25, s28, $0xb8;
	[tilespmem:$0x1EB00] =	vst v63  }
0x99: {  	s17 =	sadd.s32 s3, s17  }
0x9a: {  	[tilespmem:s30], [sflag:$0x4] =	stream.linear.gather [hbm4b:s17+s5], $0x80, $0x38;
	[tilespmem:$0x1EB00] =	vst v63  }
0x9b: {  	s17 =	sadd.s32 @!p0 $0x280, s18  }
0x9c: {  	s20 =	sand.u32 @!p0 $0x7FFFFC00, s17  }
0x9d: {  	s17 =	sand.u32 @!p0 $0x280, s17;
	s20 =	sadd.s32 @!p0 s7, s20  }
0x9e: {  	s17 =	sor.u32 @!p0 s17, s20  }
0x9f: {  	s17 =	sshrl.u32 @!p0 s17, $0x3  }
0xa0: {  	s20 =	simm.s32 @!p0 $0x14080;
	s17 =	sadd.s32 @!p0 s2, s17  }
0xa1: {  	[tilespmem:s20], [sflag:$0x6] =	stream.linear.gather @!p0 [hbm4b:s17+s19], $0x80, $0x38;
	[tilespmem:$0x1EB00] =	vst v63  }
0xa2: {  	_ =	swait.ge [sflag:s0], $0x80  }
0xa3: {  	[sflag:s0] =	ssyncset.done $0x0  }
0xa4: {  	[sflag:s0] =	ssyncadd.s32 $0xFFFFFF80  }
0xa5: {  	_ =	swait.ge [sflag:s1], $0x4000  }
0xa6: {  	[sflag:s1] =	ssyncset.done $0x0  }
0xa7: {  	[sflag:s1] =	ssyncadd.s32 $0xFFFFC000  }
0xa8: {  	[spmem:s4] =	stream.indirect.scatter.add.f32 [tilespmem:s29], [sflag:$0x9], $0x80, s26, s28, $0xb8;
	[tilespmem:$0x1EB00] =	vst v63  }
0xa9: {  	_ =	swait.ge [sflag:s21], $0x4000  }
0xaa: {  	[sflag:s21] =	ssyncset.done $0x0  }
0xab: {  	[sflag:s21] =	ssyncadd.s32 $0xFFFFC000  }
0xac: {  	v2 =	vld [tilespmem:$0x14200];
	_ =	sdelay $0x7  }
0xad: {  	[tilespmem:v2+s9+$0x0] =	vst.idx.add.f32.msk $0xffff, v1  }
0xae: {  	v2 =	vld [tilespmem:$0x14210];
	_ =	sdelay $0x7  }
0xaf: {  	[tilespmem:v2+s9+$0x0] =	vst.idx.add.f32.msk $0xffff, v1  }
0xb0: {  	v2 =	vld [tilespmem:$0x14220];
	_ =	sdelay $0x7  }
0xb1: {  	[tilespmem:v2+s9+$0x0] =	vst.idx.add.f32.msk $0xffff, v1  }
0xb2: {  	v2 =	vld [tilespmem:$0x14230];
	_ =	sdelay $0x7  }
0xb3: {  	[tilespmem:v2+s9+$0x0] =	vst.idx.add.f32.msk $0xffff, v1  }
0xb4: {  	v2 =	vld [tilespmem:$0x14240];
	_ =	sdelay $0x7  }
0xb5: {  	[tilespmem:v2+s9+$0x0] =	vst.idx.add.f32.msk $0xffff, v1  }
0xb6: {  	v2 =	vld [tilespmem:$0x14250];
	_ =	sdelay $0x7  }
0xb7: {  	[tilespmem:v2+s9+$0x0] =	vst.idx.add.f32.msk $0xffff, v1  }
0xb8: {  	v2 =	vld [tilespmem:$0x14260];
	_ =	sdelay $0x7  }
0xb9: {  	[tilespmem:v2+s9+$0x0] =	vst.idx.add.f32.msk $0xffff, v1  }
0xba: {  	v2 =	vld [tilespmem:$0x14270];
	_ =	sdelay $0x7  }
0xbb: {  	s17 =	simm.s32 @!p0 $0x5;
	[tilespmem:v2+s9+$0x0] =	vst.idx.add.f32.msk $0xffff, v1  }
0xbc: {  	_ =	swait.ge @!p0 [sflag:s17], $0x80  }
0xbd: {  	[sflag:s17] =	ssyncset.done @!p0 $0x0  }
0xbe: {  	s20 =	simm.s32 @!p0 $0x14300;
	[sflag:s17] =	ssyncadd.s32 @!p0 $0xFFFFFF80;
	s17 =	simm.s32 @!p0 $0x80  }
0xbf: {  	[tilespmem:s20], [sflag:$0x1] =	stream.indirect.gather @!p0 [hbm4b:s6+s17], $0x80, s11, s17, $0xb8;
	[tilespmem:$0x1EB00] =	vst v63  }
0xc0: {  	s10 =	sand.u32 @!p0 $0xFFC00, s10;
	s11 =	sxor.u32 @!p0 $0xFFFFFFFF, s22  }
0xc1: {  	s10 =	sadd.s32 @!p0 s7, s10;
	s11 =	sand.u32 @!p0 $0x200, s11  }
0xc2: {  	s10 =	sor.u32 @!p0 s11, s10  }
0xc3: {  	s10 =	sshrl.u32 @!p0 s10, $0x3  }
0xc4: {  	s11 =	simm.s32 @!p0 $0x14200;
	s10 =	sadd.s32 @!p0 s3, s10  }
0xc5: {  	[tilespmem:s11], [sflag:$0x3] =	stream.linear.gather @!p0 [hbm4b:s10+s19], $0x80, $0x38;
	[tilespmem:$0x1EB00] =	vst v63  }
0xc6: {  	s10 =	sadd.s32 @!p0 $0x300, s18  }
0xc7: {  	s11 =	sand.u32 @!p0 $0x7FFFFC00, s10  }
0xc8: {  	s10 =	sand.u32 @!p0 $0x300, s10;
	s11 =	sadd.s32 @!p0 s7, s11  }
0xc9: {  	s10 =	sor.u32 @!p0 s10, s11  }
0xca: {  	s10 =	sshrl.u32 @!p0 s10, $0x3  }
0xcb: {  	s11 =	simm.s32 @!p0 $0x14100;
	s10 =	sadd.s32 @!p0 s2, s10  }
0xcc: {  	[tilespmem:s11], [sflag:$0x7] =	stream.linear.gather @!p0 [hbm4b:s10+s19], $0x80, $0x38;
	[tilespmem:$0x1EB00] =	vst v63  }
0xcd: {  	_ =	swait.ge [sflag:s13], $0x80  }
0xce: {  	[sflag:s13] =	ssyncset.done $0x0  }
0xcf: {  	[sflag:s13] =	ssyncadd.s32 $0xFFFFFF80  }
0xd0: {  	_ =	swait.ge [sflag:s14], $0x4000  }
0xd1: {  	[sflag:s14] =	ssyncset.done $0x0  }
0xd2: {  	[sflag:s14] =	ssyncadd.s32 $0xFFFFC000  }
0xd3: {  	[spmem:s4] =	stream.indirect.scatter.add.f32 [tilespmem:s31], [sflag:$0x9], $0x80, s30, s28, $0xb8;
	[tilespmem:$0x1EB00] =	vst v63  }
0xd4: {  	_ =	swait.ge [sflag:s21], $0x4000  }
0xd5: {  	[sflag:s21] =	ssyncset.done $0x0  }
0xd6: {  	[sflag:s21] =	ssyncadd.s32 $0xFFFFC000  }
0xd7: {  	v2 =	vld [tilespmem:$0x14280];
	_ =	sdelay $0x7  }
0xd8: {  	[tilespmem:v2+s9+$0x0] =	vst.idx.add.f32.msk $0xffff, v1  }
0xd9: {  	v2 =	vld [tilespmem:$0x14290];
	_ =	sdelay $0x7  }
0xda: {  	[tilespmem:v2+s9+$0x0] =	vst.idx.add.f32.msk $0xffff, v1  }
0xdb: {  	v2 =	vld [tilespmem:$0x142A0];
	_ =	sdelay $0x7  }
0xdc: {  	[tilespmem:v2+s9+$0x0] =	vst.idx.add.f32.msk $0xffff, v1  }
0xdd: {  	v2 =	vld [tilespmem:$0x142B0];
	_ =	sdelay $0x7  }
0xde: {  	[tilespmem:v2+s9+$0x0] =	vst.idx.add.f32.msk $0xffff, v1  }
0xdf: {  	v2 =	vld [tilespmem:$0x142C0];
	_ =	sdelay $0x7  }
0xe0: {  	[tilespmem:v2+s9+$0x0] =	vst.idx.add.f32.msk $0xffff, v1  }
0xe1: {  	v2 =	vld [tilespmem:$0x142D0];
	_ =	sdelay $0x7  }
0xe2: {  	[tilespmem:v2+s9+$0x0] =	vst.idx.add.f32.msk $0xffff, v1  }
0xe3: {  	v2 =	vld [tilespmem:$0x142E0];
	_ =	sdelay $0x7  }
0xe4: {  	[tilespmem:v2+s9+$0x0] =	vst.idx.add.f32.msk $0xffff, v1  }
0xe5: {  	v2 =	vld [tilespmem:$0x142F0];
	_ =	sdelay $0x3  }
.Ltmp3:
0xe6: {  	_ = 	snop;
	(pc) =	sbr.rel @p0 .LBB2_6-.Ltmp3, $2  }
0xe7: {  	_ =	sdelay $0x2  }
0xe8: {  	[tilespmem:v2+s9+$0x0] =	vst.idx.add.f32.msk $0xffff, v1  }
0xe9: {  	_ =	swait.ge [sflag:s16], $0x80;
	s10 =	sadd.s32 s22, s8  }
0xea: {  	[sflag:s16] =	ssyncset.done $0x0;
	s11 =	sadd.s32 $0x280, s10  }
0xeb: {  	s17 =	sadd.s32 $0x280, s22;
	[sflag:s16] =	ssyncadd.s32 $0xFFFFFF80;
	s11 =	sand.u32 $0xFFC00, s11  }
0xec: {  	[tilespmem:s31], [sflag:$0x2] =	stream.indirect.gather [hbm4b:s6+s28], $0x80, s23, s28, $0xb8;
	[tilespmem:$0x1EB00] =	vst v63  }
0xed: {  	s17 =	sand.u32 $0x280, s17;
	s11 =	sadd.s32 s7, s11  }
0xee: {  	s11 =	sor.u32 s17, s11  }
0xef: {  	s10 =	sadd.s32 $0x380, s10;
	s11 =	sshrl.u32 s11, $0x3  }
0xf0: {  	s20 =	sand.u32 $0x7FFFFC00, s10;
	s11 =	sadd.s32 s3, s11  }
0xf1: {  	[tilespmem:s30], [sflag:$0x4] =	stream.linear.gather [hbm4b:s11+s5], $0x80, $0x38;
	[tilespmem:$0x1EB00] =	vst v63  }
.Ltmp4:
0xf2: {  	s10 =	sand.u32 $0x380, s10;
	s11 =	sadd.s32 s7, s20;
	(pc) =	sbr.rel .LBB2_4-.Ltmp4, $4  }
0xf3: {  	s10 =	sor.u32 s10, s11  }
0xf4: {  	s10 =	sshrl.u32 s10, $0x3  }
0xf5: {  	s22 =	sadd.s32 $0x200, s22;
	s10 =	sadd.s32 s2, s10  }
0xf6: {  	[tilespmem:s25], [sflag:$0x8] =	stream.linear.gather [hbm4b:s10+s5], $0x80, $0x38;
	[tilespmem:$0x1EB00] =	vst v63  }
.LBB2_7:
0xf7: {  	_ =	sfence.sel $0x180000  }
0xf8: {  	[bflag:$0x0] =	sbarrier.arrive $0xFFFF  }
0xf9: {  	_ =	strace $0x90000047  }
0xfa: {  	s0 =	stileid.u32;
	[bflag:$0x2] =	sbarrier.arrive $0xFFFF  }
0xfb: {  	p0 =	sne.s32 s0, $0x0;
	s0 =	rddreg [dreg:$0x4]  }
0xfc: {  	s0 =	sadd.s32 @!p0 $0x100000, s0  }
0xfd: {  	[sflag:s0] =	ssyncadd.tile.s32 @!p0 $0x1;
	_ =	shalt  }
.Lfunc_end2:
_tile_overlayer_lowered:
.L_overlay_start_2:
0xfe: {  	(tag) =	ssettag $0x2  }
0xff: {  	s0 =	rddreg [dreg:$0x0];
	s2 =	stileid.u32  }
0x100: {  	s1 =	rddreg [dreg:$0x1];
	p0 =	sne.s32 s2, $0x0  }
0x101: {  	s3 =	rddreg [dreg:$0x2];
	[bflag:$0x3] =	sbarrier.arrive $0xFFFF;
	s2 =	simm.s32 @!p0 $0x1C09  }
0x102: {  	[timem:s3], [sflag:s2] =	dma.local @!p0 [hbm:s0], s1  }
0x103: {  	s0 =	simm.s32 @!p0 $0x9  }
0x104: {  	_ =	swait.ge @!p0 [sflag:s0], s1  }
0x105: {  	s1 =	ssub.s32 @!p0 $0x0, s1;
	[sflag:s0] =	ssyncset.done @!p0 $0x0  }
0x106: {  	[sflag:s0] =	ssyncadd.s32 @!p0 s1  }
0x107: {  	[bflag:$0x3] =	sbarrier.arrive $0xFFFF  }
0x108: {  	_ =	shalt  }

</sc_bundles>
